<compile_context>
chip_gen: v7x
topology: tpu7x:2x2x1
jax: 0.10.2.dev20260603
libtpu: 0.0.44.dev20260713+nightly
codegen_flags: <defaults>
</compile_context>

<pallas_src>
import jax
import jax.numpy as jnp
from jax import lax
from jax.experimental import pallas as pl
from jax.experimental.pallas import tpu as pltpu
from jax.experimental.pallas import tpu_sc as plsc

N_NODES = 10000
D = 128
G = 128
CLS = 7

NC = 2
NS = 16
L = 16

N_PAD = 10240
NPW = N_PAD // NS
RB = 128
E_PAD = 327680
EPW = E_PAD // NS
NCHUNK = EPW // RB
SG = 32
NBLK = NCHUNK // SG
NB = NPW // RB
GP = G + 1
GPP = 144
GPW = G // NS


def _mm_body(x_ref, w_ref, o_ref):
    o_ref[...] = jnp.dot(x_ref[...], w_ref[...],
                         preferred_element_type=jnp.float32)


def _matmul(x, w):
    m = x.shape[0]
    bm = 1280
    return pl.pallas_call(
        _mm_body,
        grid=(m // bm,),
        in_specs=[pl.BlockSpec((bm, D), lambda i: (i, 0)),
                  pl.BlockSpec((D, D), lambda i: (0, 0))],
        out_specs=pl.BlockSpec((bm, D), lambda i: (i, 0)),
        out_shape=jax.ShapeDtypeStruct((m, D), jnp.float32),
    )(x, w)


def _lin_body(p_ref, w_ref, b_ref, o_ref):
    p = p_ref[...]
    o_ref[...] = (jnp.dot(p[0], w_ref[:D], preferred_element_type=jnp.float32)
                  + jnp.dot(p[1], w_ref[D:], preferred_element_type=jnp.float32)
                  + b_ref[...])


def _linear(pooled, w_link, b_link):
    return pl.pallas_call(
        _lin_body,
        out_shape=jax.ShapeDtypeStruct((G, CLS), jnp.float32),
    )(pooled, w_link, b_link)


def _rsqrt16(x):
    y = x
    for _ in range(16):
        y = 0.5 * (y + x / y)
    return 1.0 / y


def _splat(ref, i):
    return plsc.load_gather(ref, [jnp.full((L,), i, jnp.int32)])


def _sc_body(xw_hbm, srcg_hbm, dstl_hbm, batch_hbm, bias_hbm,
             y_hbm, out_hbm,
             sidx, didx, tmp_v, dinv_v, ebuf, cntv_v, batch_v,
             bias_v, ones_v, ptmp,
             hist_sh, acc_sh, pooled_sh, cnt_sh, sem, sem2):
    c = lax.axis_index("c")
    s = lax.axis_index("s")
    row0g = c * N_PAD + s * NPW
    row0l = s * NPW
    g0 = s * GPW

    bufA = ebuf.at[pl.ds(0, RB)]
    bufB = ebuf.at[pl.ds(RB, RB)]

    zeros16 = jnp.zeros((L,), jnp.float32)
    ones16 = jnp.ones((L,), jnp.float32)

    pltpu.sync_copy(batch_hbm.at[c, s], batch_v)
    pltpu.sync_copy(bias_hbm, bias_v)

    def ztmp(i, _):
        tmp_v[pl.ds(i * L, L)] = zeros16
        return 0
    lax.fori_loop(0, NPW // L, ztmp, 0)
    pltpu.sync_copy(tmp_v, hist_sh.at[pl.ds(row0l, NPW)])

    def zcnt(i, _):
        cntv_v[pl.ds(i * L, L)] = zeros16
        return 0
    lax.fori_loop(0, GPP // L, zcnt, 0)

    def zpt(r, _):
        for j in range(D // L):
            ptmp[r, pl.ds(j * L, L)] = zeros16
        return 0
    lax.fori_loop(0, GPW, zpt, 0)
    pltpu.sync_copy(ptmp, pooled_sh.at[pl.ds(g0, GPW)])

    @pl.when(s == 0)
    def _():
        pltpu.sync_copy(cntv_v, cnt_sh)
        pltpu.sync_copy(ptmp.at[0], pooled_sh.at[G])

    def fones(i, _):
        ones_v[pl.ds(i * L, L)] = ones16
        return 0
    lax.fori_loop(0, RB // L, fones, 0)
    plsc.subcore_barrier()

    def hist_blk(blk, _):
        pltpu.sync_copy(dstl_hbm.at[c, s, pl.ds(blk * SG, SG)], didx)

        def grp(j, _):
            cps = [pltpu.async_copy(ones_v, hist_sh.at[didx.at[j * 8 + b]],
                                    sem, add=True) for b in range(8)]
            for cp in cps:
                cp.wait()
            return 0
        lax.fori_loop(0, SG // 8, grp, 0)
        return 0
    lax.fori_loop(0, NBLK, hist_blk, 0)

    def cnt_chunk(k, _):
        pltpu.sync_copy(ones_v, cnt_sh.at[batch_v.at[k]], add=True)
        return 0
    lax.fori_loop(0, NB, cnt_chunk, 0)
    plsc.subcore_barrier()

    pltpu.sync_copy(hist_sh.at[pl.ds(row0l, NPW)], tmp_v)

    def mkdinv(i, _):
        deg = tmp_v[pl.ds(i * L, L)] + 1.0
        dinv_v[pl.ds(i * L, L)] = _rsqrt16(deg)
        return 0
    lax.fori_loop(0, NPW // L, mkdinv, 0)

    def prescale(k, _):
        pltpu.sync_copy(xw_hbm.at[pl.ds(row0g + k * RB, RB)], bufA)
        def prow(r, _):
            val = _splat(dinv_v, k * RB + r)
            for j in range(D // L):
                ebuf[r, pl.ds(j * L, L)] = ebuf[r, pl.ds(j * L, L)] * val
            return 0
        lax.fori_loop(0, RB, prow, 0)
        cpy = pltpu.async_copy(bufA, y_hbm.at[pl.ds(row0g + k * RB, RB)], sem)
        cpa = pltpu.async_copy(bufA, acc_sh.at[pl.ds(row0l + k * RB, RB)],
                               sem2)
        cpy.wait()
        cpa.wait()
        return 0
    lax.fori_loop(0, NB, prescale, 0)
    plsc.subcore_barrier()

    def edge_blk(blk, _):
        pltpu.sync_copy(srcg_hbm.at[c, s, pl.ds(blk * SG, SG)], sidx)
        pltpu.sync_copy(dstl_hbm.at[c, s, pl.ds(blk * SG, SG)], didx)

        pltpu.async_copy(y_hbm.at[sidx.at[0]], bufA, sem).wait()
        g1 = pltpu.async_copy(y_hbm.at[sidx.at[1]], bufB, sem)
        s0 = pltpu.async_copy(bufA, acc_sh.at[didx.at[0]], sem2, add=True)
        g1.wait()
        s0.wait()

        def pair(q, _):
            gA = pltpu.async_copy(y_hbm.at[sidx.at[2 * q]], bufA, sem)
            sB = pltpu.async_copy(bufB, acc_sh.at[didx.at[2 * q - 1]],
                                  sem2, add=True)
            gA.wait()
            sB.wait()
            gB = pltpu.async_copy(y_hbm.at[sidx.at[2 * q + 1]], bufB, sem)
            sA = pltpu.async_copy(bufA, acc_sh.at[didx.at[2 * q]],
                                  sem2, add=True)
            gB.wait()
            sA.wait()
            return 0
        lax.fori_loop(1, SG // 2, pair, 0)

        pltpu.async_copy(bufB, acc_sh.at[didx.at[SG - 1]],
                         sem2, add=True).wait()
        return 0
    lax.fori_loop(0, NBLK, edge_blk, 0)
    plsc.subcore_barrier()

    def pool_chunk(k, _):
        pltpu.sync_copy(acc_sh.at[pl.ds(row0l + k * RB, RB)], bufA)
        def prow(r, _):
            val = _splat(dinv_v, k * RB + r)
            for j in range(D // L):
                ebuf[r, pl.ds(j * L, L)] = jnp.maximum(
                    ebuf[r, pl.ds(j * L, L)] * val
                    + bias_v[pl.ds(j * L, L)], 0.0)
            return 0
        lax.fori_loop(0, RB, prow, 0)
        pltpu.sync_copy(bufA, pooled_sh.at[batch_v.at[k]], add=True)
        return 0
    lax.fori_loop(0, NB, pool_chunk, 0)
    plsc.subcore_barrier()

    pltpu.sync_copy(cnt_sh, cntv_v)
    pltpu.sync_copy(pooled_sh.at[pl.ds(g0, GPW)], ptmp)

    def divrow(r, _):
        cvec = _splat(cntv_v, g0 + r)
        recip = 1.0 / jnp.maximum(cvec, 1.0)
        for j in range(D // L):
            ptmp[r, pl.ds(j * L, L)] = ptmp[r, pl.ds(j * L, L)] * recip
        return 0
    lax.fori_loop(0, GPW, divrow, 0)

    pltpu.sync_copy(ptmp, out_hbm.at[c, pl.ds(g0, GPW)])


def _sc_call(xw, srcg, dstl, batchp, bias):
    mesh = plsc.VectorSubcoreMesh(core_axis_name="c", subcore_axis_name="s",
                                  num_cores=NC, num_subcores=NS)
    f = pl.kernel(
        _sc_body,
        out_type=(jax.ShapeDtypeStruct((NC * N_PAD, D), jnp.float32),
                  jax.ShapeDtypeStruct((NC, G, D), jnp.float32)),
        mesh=mesh,
        compiler_params=pltpu.CompilerParams(needs_layout_passes=False),
        scratch_types=[
            pltpu.VMEM((SG, RB), jnp.int32),
            pltpu.VMEM((SG, RB), jnp.int32),
            pltpu.VMEM((NPW,), jnp.float32),
            pltpu.VMEM((NPW,), jnp.float32),
            pltpu.VMEM((2 * RB, D), jnp.float32),
            pltpu.VMEM((GPP,), jnp.float32),
            pltpu.VMEM((NB, RB), jnp.int32),
            pltpu.VMEM((D,), jnp.float32),
            pltpu.VMEM((RB,), jnp.float32),
            pltpu.VMEM((GPW, D), jnp.float32),
            pltpu.VMEM_SHARED((N_PAD,), jnp.float32),
            pltpu.VMEM_SHARED((N_PAD, D), jnp.float32),
            pltpu.VMEM_SHARED((GP, D), jnp.float32),
            pltpu.VMEM_SHARED((GPP,), jnp.float32),
            pltpu.SemaphoreType.DMA,
            pltpu.SemaphoreType.DMA,
        ],
    )
    return f(xw, srcg, dstl, batchp, bias)


def kernel(x1, edge_index1, batch1, x2, edge_index2, batch2,
           W_gcn, b_gcn, W_link, b_link):
    f32 = jnp.float32
    i32 = jnp.int32
    e1 = edge_index1.astype(i32)
    e2 = edge_index2.astype(i32)

    xp = jnp.concatenate([
        jnp.pad(x1.astype(f32), ((0, N_PAD - N_NODES), (0, 0))),
        jnp.pad(x2.astype(f32), ((0, N_PAD - N_NODES), (0, 0))),
    ], axis=0)
    xw = _matmul(xp, W_gcn.astype(f32))

    pad_e = E_PAD - e1.shape[1]

    def prep(e, off):
        src = jnp.concatenate(
            [e[0] + i32(off), jnp.full((pad_e,), off + N_PAD - 1, i32)])
        dst = jnp.concatenate(
            [e[1], jnp.full((pad_e,), N_PAD - 1, i32)])
        return src.reshape(NS, NCHUNK, RB), dst.reshape(NS, NCHUNK, RB)

    s1, d1 = prep(e1, 0)
    s2, d2 = prep(e2, N_PAD)
    srcg = jnp.stack([s1, s2])
    dstl = jnp.stack([d1, d2])
    batchp = jnp.stack([
        jnp.pad(batch1.astype(i32), (0, N_PAD - N_NODES), constant_values=G),
        jnp.pad(batch2.astype(i32), (0, N_PAD - N_NODES), constant_values=G),
    ]).reshape(NC, NS, NB, RB)

    _y, pooled = _sc_call(xw, srcg, dstl, batchp, b_gcn.astype(f32))
    return _linear(pooled, W_link.astype(f32),
                   b_link.reshape(1, CLS).astype(f32))

# --- scband reference (transcript-rebuilt; emitter-appended) ---
"""Pipeline reference for scband-gcn-ppi-87823491268927 (READ-ONLY COPY).

The authoritative reference and input builder live on the scoring server;
editing this copy changes nothing except your own understanding.
"""

import jax, jax.numpy as jnp
import numpy as np

N_NODES = 10000
N_EDGES = 320000
D_FEAT = 128
NUM_GRAPHS = 128
CLASS_NUM = 7


def gcn_graph_embed(x, edge_index, batch, W_gcn, b_gcn):
    n = x.shape[0]
    src = edge_index[0]
    dst = edge_index[1]
    # add self loops
    loop = jnp.arange(n, dtype=src.dtype)
    src = jnp.concatenate([src, loop])
    dst = jnp.concatenate([dst, loop])
    # symmetric normalization D^-1/2 A D^-1/2
    ones = jnp.ones_like(dst, dtype=x.dtype)
    deg = jax.ops.segment_sum(ones, dst, num_segments=n)
    dinv = jax.lax.rsqrt(jnp.maximum(deg, 1.0))
    norm = dinv[src] * dinv[dst]
    msg = jnp.take(x, src, axis=0) * norm[:, None]
    agg = jax.ops.segment_sum(msg, dst, num_segments=n)
    h = jax.nn.relu(agg @ W_gcn + b_gcn)
    # global mean pool per graph
    pooled = jax.ops.segment_sum(h, batch, num_segments=NUM_GRAPHS)
    counts = jax.ops.segment_sum(jnp.ones((n,), dtype=x.dtype), batch, num_segments=NUM_GRAPHS)
    return pooled / jnp.maximum(counts, 1.0)[:, None]


def setup_inputs(seed: int = 0) -> dict:
    key = jax.random.key(seed)
    k1, k2, k3, k4, k5, k6, k7, k8 = jax.random.split(key, 8)
    x1 = jax.random.normal(k1, (N_NODES, D_FEAT), dtype=jnp.float32)
    edge_index1 = jax.random.randint(k2, (2, N_EDGES), 0, N_NODES, dtype=jnp.int64)
    batch1 = jnp.sort(jax.random.randint(k3, (N_NODES,), 0, NUM_GRAPHS, dtype=jnp.int64))
    x2 = jax.random.normal(k4, (N_NODES, D_FEAT), dtype=jnp.float32)
    edge_index2 = jax.random.randint(k5, (2, N_EDGES), 0, N_NODES, dtype=jnp.int64)
    batch2 = jnp.sort(jax.random.randint(k6, (N_NODES,), 0, NUM_GRAPHS, dtype=jnp.int64))
    W_gcn = jax.random.normal(k7, (D_FEAT, D_FEAT), dtype=jnp.float32) * (1.0 / np.sqrt(D_FEAT))
    b_gcn = jnp.zeros((D_FEAT,), dtype=jnp.float32)
    W_link = jax.random.normal(k8, (2 * D_FEAT, CLASS_NUM), dtype=jnp.float32) * (1.0 / np.sqrt(2 * D_FEAT))
    b_link = jnp.zeros((CLASS_NUM,), dtype=jnp.float32)
    return {"x1": x1, "edge_index1": edge_index1, "batch1": batch1,
            "x2": x2, "edge_index2": edge_index2, "batch2": batch2,
            "W_gcn": W_gcn, "b_gcn": b_gcn, "W_link": W_link, "b_link": b_link}


def reference(x1, edge_index1, batch1, x2, edge_index2, batch2, W_gcn, b_gcn, W_link, b_link):
    p1 = gcn_graph_embed(x1, edge_index1, batch1, W_gcn, b_gcn)
    p2 = gcn_graph_embed(x2, edge_index2, batch2, W_gcn, b_gcn)
    x = jnp.concatenate([p1, p2], axis=1)
    return x @ W_link + b_link

if __name__ == "__main__":
    import jax
    _d = setup_inputs()
    print(jax.jit(kernel)(*tuple(_d.values())))

</pallas_src>

<mosaic_0001>
#map = affine_map<(d0, d1) -> (0, 0)>
#map1 = affine_map<(d0, d1) -> (0, 0, 0, 0)>
#map2 = affine_map<(d0, d1) -> (0)>
#map3 = affine_map<(d0, d1) -> (0, 0, 0)>
module attributes {stable_mosaic.version = 14 : i64} {
  func.func @_sc_body(%arg0: i32, %arg1: i32, %arg2: memref<20480x128xf32, #tpu.memory_space<hbm>>, %arg3: memref<2x16x160x128xi32, #tpu.memory_space<hbm>>, %arg4: memref<2x16x160x128xi32, #tpu.memory_space<hbm>>, %arg5: memref<2x16x5x128xi32, #tpu.memory_space<hbm>>, %arg6: memref<128xf32, #tpu.memory_space<hbm>>, %arg7: memref<20480x128xf32, #tpu.memory_space<hbm>>, %arg8: memref<2x128x128xf32, #tpu.memory_space<hbm>>, %arg9: memref<32x128xi32, #tpu.memory_space<vmem>>, %arg10: memref<32x128xi32, #tpu.memory_space<vmem>>, %arg11: memref<640xf32, #tpu.memory_space<vmem>>, %arg12: memref<640xf32, #tpu.memory_space<vmem>>, %arg13: memref<256x128xf32, #tpu.memory_space<vmem>>, %arg14: memref<144xf32, #tpu.memory_space<vmem>>, %arg15: memref<5x128xi32, #tpu.memory_space<vmem>>, %arg16: memref<128xf32, #tpu.memory_space<vmem>>, %arg17: memref<128xf32, #tpu.memory_space<vmem>>, %arg18: memref<8x128xf32, #tpu.memory_space<vmem>>, %arg19: memref<10240xf32, #tpu.memory_space<vmem_shared>>, %arg20: memref<10240x128xf32, #tpu.memory_space<vmem_shared>>, %arg21: memref<129x128xf32, #tpu.memory_space<vmem_shared>>, %arg22: memref<144xf32, #tpu.memory_space<vmem_shared>>, %arg23: memref<!tpu.dma_semaphore, #tpu.memory_space<semaphore_mem>>, %arg24: memref<!tpu.dma_semaphore, #tpu.memory_space<semaphore_mem>>) attributes {dimension_semantics = [#tpu.dimension_semantics<core_parallel>, #tpu.dimension_semantics<subcore_parallel>], iteration_bounds = array<i64: 2, 16>, scalar_prefetch = 0 : i64, scratch_operands = 16 : i64, tpu.core_type = #tpu.core_type<sc_vector_subcore>, window_params = [{transform_indices = #map}, {transform_indices = #map1}, {transform_indices = #map1}, {transform_indices = #map1}, {transform_indices = #map2}, {transform_indices = #map}, {transform_indices = #map3}]} {
    %mul3A = arith.constant 10240 : i32
    %mul3A_0 = arith.muli %arg0, %mul3A : i32
    %mul3A_1 = arith.constant 640 : i32
    %mul3A_2 = arith.muli %arg1, %mul3A_1 : i32
    %add3A = arith.addi %mul3A_0, %mul3A_2 : i32
    %mul3A_3 = arith.constant 640 : i32
    %mul3A_4 = arith.muli %arg1, %mul3A_3 : i32
    %mul3A_5 = arith.constant 8 : i32
    %mul3A_6 = arith.muli %arg1, %mul3A_5 : i32
    %broadcast_in_dim3A = arith.constant 0.000000e+00 : f32
    %broadcast_in_dim3A_7 = vector.broadcast %broadcast_in_dim3A : f32 to vector<16xf32>
    %broadcast_in_dim3A_8 = arith.constant 1.000000e+00 : f32
    %broadcast_in_dim3A_9 = vector.broadcast %broadcast_in_dim3A_8 : f32 to vector<16xf32>
    "tpu.region"() ({
      %run_scoped3A = tpu.sem_alloc : memref<!tpu.dma_semaphore, #tpu.memory_space<semaphore_mem>>
      %dma_start3A = arith.constant 0 : i32
      %dma_start3A_92 = arith.constant 0 : i32
      %dma_start3A_93 = tpu.memref_slice %arg5[%arg0, %arg1, %dma_start3A, %dma_start3A_92] : memref<2x16x5x128xi32, #tpu.memory_space<hbm>> -> memref<1x1x5x128xi32, #tpu.memory_space<hbm>>
      %dma_start3A_94 = tpu.memref_squeeze %dma_start3A_93 : memref<1x1x5x128xi32, #tpu.memory_space<hbm>> -> memref<5x128xi32, #tpu.memory_space<hbm>>
      %dma_start3A_95 = arith.constant 0 : i32
      %dma_start3A_96 = arith.constant 0 : i32
      %dma_start3A_97 = tpu.memref_slice %arg5[%arg0, %arg1, %dma_start3A_95, %dma_start3A_96] : memref<2x16x5x128xi32, #tpu.memory_space<hbm>> -> memref<1x1x5x128xi32, #tpu.memory_space<hbm>>
      %dma_start3A_98 = tpu.memref_squeeze %dma_start3A_97 : memref<1x1x5x128xi32, #tpu.memory_space<hbm>> -> memref<5x128xi32, #tpu.memory_space<hbm>>
      tpu.enqueue_dma source(%dma_start3A_98 : memref<5x128xi32, #tpu.memory_space<hbm>>) target(%arg15 : memref<5x128xi32, #tpu.memory_space<vmem>>) target_semaphore(%run_scoped3A : memref<!tpu.dma_semaphore, #tpu.memory_space<semaphore_mem>>)
      %dma_wait3A = arith.constant 0 : i32
      %dma_wait3A_99 = arith.constant 0 : i32
      %dma_wait3A_100 = tpu.memref_slice %arg5[%arg0, %arg1, %dma_wait3A, %dma_wait3A_99] : memref<2x16x5x128xi32, #tpu.memory_space<hbm>> -> memref<1x1x5x128xi32, #tpu.memory_space<hbm>>
      %dma_wait3A_101 = tpu.memref_squeeze %dma_wait3A_100 : memref<1x1x5x128xi32, #tpu.memory_space<hbm>> -> memref<5x128xi32, #tpu.memory_space<hbm>>
      %dma_wait3A_102 = arith.constant 0 : i32
      %dma_wait3A_103 = arith.constant 0 : i32
      %dma_wait3A_104 = tpu.memref_slice %arg5[%arg0, %arg1, %dma_wait3A_102, %dma_wait3A_103] : memref<2x16x5x128xi32, #tpu.memory_space<hbm>> -> memref<1x1x5x128xi32, #tpu.memory_space<hbm>>
      %dma_wait3A_105 = tpu.memref_squeeze %dma_wait3A_104 : memref<1x1x5x128xi32, #tpu.memory_space<hbm>> -> memref<5x128xi32, #tpu.memory_space<hbm>>
      tpu.wait_dma2 semaphore(%run_scoped3A : memref<!tpu.dma_semaphore, #tpu.memory_space<semaphore_mem>>) src(%dma_wait3A_105 : memref<5x128xi32, #tpu.memory_space<hbm>>) dst(%arg15 : memref<5x128xi32, #tpu.memory_space<vmem>>)
      tpu.yield
    }) : () -> ()
    "tpu.region"() ({
      %run_scoped3A = tpu.sem_alloc : memref<!tpu.dma_semaphore, #tpu.memory_space<semaphore_mem>>
      tpu.enqueue_dma source(%arg6 : memref<128xf32, #tpu.memory_space<hbm>>) target(%arg16 : memref<128xf32, #tpu.memory_space<vmem>>) target_semaphore(%run_scoped3A : memref<!tpu.dma_semaphore, #tpu.memory_space<semaphore_mem>>)
      tpu.wait_dma2 semaphore(%run_scoped3A : memref<!tpu.dma_semaphore, #tpu.memory_space<semaphore_mem>>) src(%arg6 : memref<128xf32, #tpu.memory_space<hbm>>) dst(%arg16 : memref<128xf32, #tpu.memory_space<vmem>>)
      tpu.yield
    }) : () -> ()
    %scan3A = arith.constant 0 : i32
    %scan3A_10 = arith.constant 0 : i32
    %scan3A_11 = arith.constant 40 : i32
    %scan3A_12 = arith.addi %scan3A_10, %scan3A_11 : i32
    %scan3A_13 = arith.constant 1 : i32
    %scan3A_14 = scf.for %scan3A_92 = %scan3A_10 to %scan3A_12 step %scan3A_13 iter_args(%scan3A_93 = %scan3A) -> (i32)  : i32 {
      %mul3A_94 = arith.constant 16 : i32
      %mul3A_95 = arith.muli %scan3A_92, %mul3A_94 : i32
      %swap3A = arith.index_cast %mul3A_95 : i32 to index
      %swap3A_96 = tpu.vector_load %arg11[%swap3A] {strides = array<i32>} : memref<640xf32, #tpu.memory_space<vmem>>, vector<16xf32>,
      tpu.vector_store %arg11[%swap3A], %broadcast_in_dim3A_7 {strides = array<i32>} : memref<640xf32, #tpu.memory_space<vmem>>, vector<16xf32>,
      %scan3A_97 = arith.constant 0 : i32
      scf.yield %scan3A_97 : i32
    }
    %scan3A_15 = arith.constant 40 : i32
    "tpu.region"() ({
      %run_scoped3A = tpu.sem_alloc : memref<!tpu.dma_semaphore, #tpu.memory_space<semaphore_mem>>
      %dma_start3A = tpu.memref_slice %arg19[%mul3A_4] : memref<10240xf32, #tpu.memory_space<vmem_shared>> -> memref<640xf32, #tpu.memory_space<vmem_shared>>
      %dma_start3A_92 = tpu.memref_slice %arg19[%mul3A_4] : memref<10240xf32, #tpu.memory_space<vmem_shared>> -> memref<640xf32, #tpu.memory_space<vmem_shared>>
      tpu.enqueue_dma source(%arg11 : memref<640xf32, #tpu.memory_space<vmem>>) target(%dma_start3A_92 : memref<640xf32, #tpu.memory_space<vmem_shared>>) target_semaphore(%run_scoped3A : memref<!tpu.dma_semaphore, #tpu.memory_space<semaphore_mem>>)
      %dma_wait3A = tpu.memref_slice %arg19[%mul3A_4] : memref<10240xf32, #tpu.memory_space<vmem_shared>> -> memref<640xf32, #tpu.memory_space<vmem_shared>>
      %dma_wait3A_93 = tpu.memref_slice %arg19[%mul3A_4] : memref<10240xf32, #tpu.memory_space<vmem_shared>> -> memref<640xf32, #tpu.memory_space<vmem_shared>>
      tpu.wait_dma2 semaphore(%run_scoped3A : memref<!tpu.dma_semaphore, #tpu.memory_space<semaphore_mem>>) src(%arg11 : memref<640xf32, #tpu.memory_space<vmem>>) dst(%dma_wait3A_93 : memref<640xf32, #tpu.memory_space<vmem_shared>>)
      tpu.yield
    }) : () -> ()
    %scan3A_16 = arith.constant 0 : i32
    %scan3A_17 = arith.constant 0 : i32
    %scan3A_18 = arith.constant 9 : i32
    %scan3A_19 = arith.addi %scan3A_17, %scan3A_18 : i32
    %scan3A_20 = arith.constant 1 : i32
    %scan3A_21 = scf.for %scan3A_92 = %scan3A_17 to %scan3A_19 step %scan3A_20 iter_args(%scan3A_93 = %scan3A_16) -> (i32)  : i32 {
      %mul3A_94 = arith.constant 16 : i32
      %mul3A_95 = arith.muli %scan3A_92, %mul3A_94 : i32
      %swap3A = arith.index_cast %mul3A_95 : i32 to index
      %swap3A_96 = tpu.vector_load %arg14[%swap3A] {strides = array<i32>} : memref<144xf32, #tpu.memory_space<vmem>>, vector<16xf32>,
      tpu.vector_store %arg14[%swap3A], %broadcast_in_dim3A_7 {strides = array<i32>} : memref<144xf32, #tpu.memory_space<vmem>>, vector<16xf32>,
      %scan3A_97 = arith.constant 0 : i32
      scf.yield %scan3A_97 : i32
    }
    %scan3A_22 = arith.constant 9 : i32
    %scan3A_23 = arith.constant 0 : i32
    %scan3A_24 = arith.constant 0 : i32
    %scan3A_25 = arith.constant 8 : i32
    %scan3A_26 = arith.addi %scan3A_24, %scan3A_25 : i32
    %scan3A_27 = arith.constant 1 : i32
    %scan3A_28 = scf.for %scan3A_92 = %scan3A_24 to %scan3A_26 step %scan3A_27 iter_args(%scan3A_93 = %scan3A_23) -> (i32)  : i32 {
      %swap3A = arith.index_cast %scan3A_92 : i32 to index
      %swap3A_94 = arith.constant 0 : index
      %swap3A_95 = tpu.vector_load %arg18[%swap3A, %swap3A_94] {strides = array<i32>} : memref<8x128xf32, #tpu.memory_space<vmem>>, vector<16xf32>,
      tpu.vector_store %arg18[%swap3A, %swap3A_94], %broadcast_in_dim3A_7 {strides = array<i32>} : memref<8x128xf32, #tpu.memory_space<vmem>>, vector<16xf32>,
      %swap3A_96 = arith.index_cast %scan3A_92 : i32 to index
      %swap3A_97 = arith.constant 16 : index
      %swap3A_98 = tpu.vector_load %arg18[%swap3A_96, %swap3A_97] {strides = array<i32>} : memref<8x128xf32, #tpu.memory_space<vmem>>, vector<16xf32>,
      tpu.vector_store %arg18[%swap3A_96, %swap3A_97], %broadcast_in_dim3A_7 {strides = array<i32>} : memref<8x128xf32, #tpu.memory_space<vmem>>, vector<16xf32>,
      %swap3A_99 = arith.index_cast %scan3A_92 : i32 to index
      %swap3A_100 = arith.constant 32 : index
      %swap3A_101 = tpu.vector_load %arg18[%swap3A_99, %swap3A_100] {strides = array<i32>} : memref<8x128xf32, #tpu.memory_space<vmem>>, vector<16xf32>,
      tpu.vector_store %arg18[%swap3A_99, %swap3A_100], %broadcast_in_dim3A_7 {strides = array<i32>} : memref<8x128xf32, #tpu.memory_space<vmem>>, vector<16xf32>,
      %swap3A_102 = arith.index_cast %scan3A_92 : i32 to index
      %swap3A_103 = arith.constant 48 : index
      %swap3A_104 = tpu.vector_load %arg18[%swap3A_102, %swap3A_103] {strides = array<i32>} : memref<8x128xf32, #tpu.memory_space<vmem>>, vector<16xf32>,
      tpu.vector_store %arg18[%swap3A_102, %swap3A_103], %broadcast_in_dim3A_7 {strides = array<i32>} : memref<8x128xf32, #tpu.memory_space<vmem>>, vector<16xf32>,
      %swap3A_105 = arith.index_cast %scan3A_92 : i32 to index
      %swap3A_106 = arith.constant 64 : index
      %swap3A_107 = tpu.vector_load %arg18[%swap3A_105, %swap3A_106] {strides = array<i32>} : memref<8x128xf32, #tpu.memory_space<vmem>>, vector<16xf32>,
      tpu.vector_store %arg18[%swap3A_105, %swap3A_106], %broadcast_in_dim3A_7 {strides = array<i32>} : memref<8x128xf32, #tpu.memory_space<vmem>>, vector<16xf32>,
      %swap3A_108 = arith.index_cast %scan3A_92 : i32 to index
      %swap3A_109 = arith.constant 80 : index
      %swap3A_110 = tpu.vector_load %arg18[%swap3A_108, %swap3A_109] {strides = array<i32>} : memref<8x128xf32, #tpu.memory_space<vmem>>, vector<16xf32>,
      tpu.vector_store %arg18[%swap3A_108, %swap3A_109], %broadcast_in_dim3A_7 {strides = array<i32>} : memref<8x128xf32, #tpu.memory_space<vmem>>, vector<16xf32>,
      %swap3A_111 = arith.index_cast %scan3A_92 : i32 to index
      %swap3A_112 = arith.constant 96 : index
      %swap3A_113 = tpu.vector_load %arg18[%swap3A_111, %swap3A_112] {strides = array<i32>} : memref<8x128xf32, #tpu.memory_space<vmem>>, vector<16xf32>,
      tpu.vector_store %arg18[%swap3A_111, %swap3A_112], %broadcast_in_dim3A_7 {strides = array<i32>} : memref<8x128xf32, #tpu.memory_space<vmem>>, vector<16xf32>,
      %swap3A_114 = arith.index_cast %scan3A_92 : i32 to index
      %swap3A_115 = arith.constant 112 : index
      %swap3A_116 = tpu.vector_load %arg18[%swap3A_114, %swap3A_115] {strides = array<i32>} : memref<8x128xf32, #tpu.memory_space<vmem>>, vector<16xf32>,
      tpu.vector_store %arg18[%swap3A_114, %swap3A_115], %broadcast_in_dim3A_7 {strides = array<i32>} : memref<8x128xf32, #tpu.memory_space<vmem>>, vector<16xf32>,
      %scan3A_117 = arith.constant 0 : i32
      scf.yield %scan3A_117 : i32
    }
    %scan3A_29 = arith.constant 8 : i32
    "tpu.region"() ({
      %run_scoped3A = tpu.sem_alloc : memref<!tpu.dma_semaphore, #tpu.memory_space<semaphore_mem>>
      %dma_start3A = arith.constant 0 : i32
      %dma_start3A_92 = tpu.memref_slice %arg21[%mul3A_6, %dma_start3A] : memref<129x128xf32, #tpu.memory_space<vmem_shared>> -> memref<8x128xf32, #tpu.memory_space<vmem_shared>>
      %dma_start3A_93 = arith.constant 0 : i32
      %dma_start3A_94 = tpu.memref_slice %arg21[%mul3A_6, %dma_start3A_93] : memref<129x128xf32, #tpu.memory_space<vmem_shared>> -> memref<8x128xf32, #tpu.memory_space<vmem_shared>>
      tpu.enqueue_dma source(%arg18 : memref<8x128xf32, #tpu.memory_space<vmem>>) target(%dma_start3A_94 : memref<8x128xf32, #tpu.memory_space<vmem_shared>>) target_semaphore(%run_scoped3A : memref<!tpu.dma_semaphore, #tpu.memory_space<semaphore_mem>>)
      %dma_wait3A = arith.constant 0 : i32
      %dma_wait3A_95 = tpu.memref_slice %arg21[%mul3A_6, %dma_wait3A] : memref<129x128xf32, #tpu.memory_space<vmem_shared>> -> memref<8x128xf32, #tpu.memory_space<vmem_shared>>
      %dma_wait3A_96 = arith.constant 0 : i32
      %dma_wait3A_97 = tpu.memref_slice %arg21[%mul3A_6, %dma_wait3A_96] : memref<129x128xf32, #tpu.memory_space<vmem_shared>> -> memref<8x128xf32, #tpu.memory_space<vmem_shared>>
      tpu.wait_dma2 semaphore(%run_scoped3A : memref<!tpu.dma_semaphore, #tpu.memory_space<semaphore_mem>>) src(%arg18 : memref<8x128xf32, #tpu.memory_space<vmem>>) dst(%dma_wait3A_97 : memref<8x128xf32, #tpu.memory_space<vmem_shared>>)
      tpu.yield
    }) : () -> ()
    %eq3A = arith.constant 0 : i32
    %eq3A_30 = arith.cmpi eq, %arg1, %eq3A : i32
    %convert_element_type3A = arith.extui %eq3A_30 : i1 to i32
    %cond3A = arith.constant 0 : i32
    %cond3A_31 = arith.cmpi ne, %convert_element_type3A, %cond3A : i32
    scf.if %cond3A_31 {
      "tpu.region"() ({
        %run_scoped3A_93 = tpu.sem_alloc : memref<!tpu.dma_semaphore, #tpu.memory_space<semaphore_mem>>
        tpu.enqueue_dma source(%arg14 : memref<144xf32, #tpu.memory_space<vmem>>) target(%arg22 : memref<144xf32, #tpu.memory_space<vmem_shared>>) target_semaphore(%run_scoped3A_93 : memref<!tpu.dma_semaphore, #tpu.memory_space<semaphore_mem>>)
        tpu.wait_dma2 semaphore(%run_scoped3A_93 : memref<!tpu.dma_semaphore, #tpu.memory_space<semaphore_mem>>) src(%arg14 : memref<144xf32, #tpu.memory_space<vmem>>) dst(%arg22 : memref<144xf32, #tpu.memory_space<vmem_shared>>)
        tpu.yield
      }) : () -> ()
      %run_scoped3A = arith.constant 0 : i32
      %run_scoped3A_92 = arith.constant 128 : i32
      "tpu.region"() ({
        %run_scoped3A_93 = tpu.sem_alloc : memref<!tpu.dma_semaphore, #tpu.memory_space<semaphore_mem>>
        %dma_start3A = arith.constant 0 : i32
        %dma_start3A_94 = tpu.memref_slice %arg18[%run_scoped3A, %dma_start3A] : memref<8x128xf32, #tpu.memory_space<vmem>> -> memref<1x128xf32, #tpu.memory_space<vmem>>
        %dma_start3A_95 = tpu.memref_squeeze %dma_start3A_94 : memref<1x128xf32, #tpu.memory_space<vmem>> -> memref<128xf32, #tpu.memory_space<vmem>>
        %dma_start3A_96 = arith.constant 0 : i32
        %dma_start3A_97 = tpu.memref_slice %arg21[%run_scoped3A_92, %dma_start3A_96] : memref<129x128xf32, #tpu.memory_space<vmem_shared>> -> memref<1x128xf32, #tpu.memory_space<vmem_shared>>
        %dma_start3A_98 = tpu.memref_squeeze %dma_start3A_97 : memref<1x128xf32, #tpu.memory_space<vmem_shared>> -> memref<128xf32, #tpu.memory_space<vmem_shared>>
        %dma_start3A_99 = arith.constant 0 : i32
        %dma_start3A_100 = tpu.memref_slice %arg21[%run_scoped3A_92, %dma_start3A_99] : memref<129x128xf32, #tpu.memory_space<vmem_shared>> -> memref<1x128xf32, #tpu.memory_space<vmem_shared>>
        %dma_start3A_101 = tpu.memref_squeeze %dma_start3A_100 : memref<1x128xf32, #tpu.memory_space<vmem_shared>> -> memref<128xf32, #tpu.memory_space<vmem_shared>>
        %dma_start3A_102 = arith.constant 0 : i32
        %dma_start3A_103 = tpu.memref_slice %arg18[%run_scoped3A, %dma_start3A_102] : memref<8x128xf32, #tpu.memory_space<vmem>> -> memref<1x128xf32, #tpu.memory_space<vmem>>
        %dma_start3A_104 = tpu.memref_squeeze %dma_start3A_103 : memref<1x128xf32, #tpu.memory_space<vmem>> -> memref<128xf32, #tpu.memory_space<vmem>>
        tpu.enqueue_dma source(%dma_start3A_104 : memref<128xf32, #tpu.memory_space<vmem>>) target(%dma_start3A_101 : memref<128xf32, #tpu.memory_space<vmem_shared>>) target_semaphore(%run_scoped3A_93 : memref<!tpu.dma_semaphore, #tpu.memory_space<semaphore_mem>>)
        %dma_wait3A = arith.constant 0 : i32
        %dma_wait3A_105 = tpu.memref_slice %arg18[%run_scoped3A, %dma_wait3A] : memref<8x128xf32, #tpu.memory_space<vmem>> -> memref<1x128xf32, #tpu.memory_space<vmem>>
        %dma_wait3A_106 = tpu.memref_squeeze %dma_wait3A_105 : memref<1x128xf32, #tpu.memory_space<vmem>> -> memref<128xf32, #tpu.memory_space<vmem>>
        %dma_wait3A_107 = arith.constant 0 : i32
        %dma_wait3A_108 = tpu.memref_slice %arg21[%run_scoped3A_92, %dma_wait3A_107] : memref<129x128xf32, #tpu.memory_space<vmem_shared>> -> memref<1x128xf32, #tpu.memory_space<vmem_shared>>
        %dma_wait3A_109 = tpu.memref_squeeze %dma_wait3A_108 : memref<1x128xf32, #tpu.memory_space<vmem_shared>> -> memref<128xf32, #tpu.memory_space<vmem_shared>>
        %dma_wait3A_110 = arith.constant 0 : i32
        %dma_wait3A_111 = tpu.memref_slice %arg21[%run_scoped3A_92, %dma_wait3A_110] : memref<129x128xf32, #tpu.memory_space<vmem_shared>> -> memref<1x128xf32, #tpu.memory_space<vmem_shared>>
        %dma_wait3A_112 = tpu.memref_squeeze %dma_wait3A_111 : memref<1x128xf32, #tpu.memory_space<vmem_shared>> -> memref<128xf32, #tpu.memory_space<vmem_shared>>
        %dma_wait3A_113 = arith.constant 0 : i32
        %dma_wait3A_114 = tpu.memref_slice %arg18[%run_scoped3A, %dma_wait3A_113] : memref<8x128xf32, #tpu.memory_space<vmem>> -> memref<1x128xf32, #tpu.memory_space<vmem>>
        %dma_wait3A_115 = tpu.memref_squeeze %dma_wait3A_114 : memref<1x128xf32, #tpu.memory_space<vmem>> -> memref<128xf32, #tpu.memory_space<vmem>>
        tpu.wait_dma2 semaphore(%run_scoped3A_93 : memref<!tpu.dma_semaphore, #tpu.memory_space<semaphore_mem>>) src(%dma_wait3A_115 : memref<128xf32, #tpu.memory_space<vmem>>) dst(%dma_wait3A_112 : memref<128xf32, #tpu.memory_space<vmem_shared>>)
        tpu.yield
      }) : () -> ()
    } else {
    }
    %scan3A_32 = arith.constant 0 : i32
    %scan3A_33 = arith.constant 0 : i32
    %scan3A_34 = arith.constant 8 : i32
    %scan3A_35 = arith.addi %scan3A_33, %scan3A_34 : i32
    %scan3A_36 = arith.constant 1 : i32
    %scan3A_37 = scf.for %scan3A_92 = %scan3A_33 to %scan3A_35 step %scan3A_36 iter_args(%scan3A_93 = %scan3A_32) -> (i32)  : i32 {
      %mul3A_94 = arith.constant 16 : i32
      %mul3A_95 = arith.muli %scan3A_92, %mul3A_94 : i32
      %swap3A = arith.index_cast %mul3A_95 : i32 to index
      %swap3A_96 = tpu.vector_load %arg17[%swap3A] {strides = array<i32>} : memref<128xf32, #tpu.memory_space<vmem>>, vector<16xf32>,
      tpu.vector_store %arg17[%swap3A], %broadcast_in_dim3A_9 {strides = array<i32>} : memref<128xf32, #tpu.memory_space<vmem>>, vector<16xf32>,
      %scan3A_97 = arith.constant 0 : i32
      scf.yield %scan3A_97 : i32
    }
    %scan3A_38 = arith.constant 8 : i32
    %barrier3A = arith.constant 0 : index
    tpu.barrier barrier_id(%barrier3A)
    %scan3A_39 = arith.constant 0 : i32
    %scan3A_40 = arith.constant 0 : i32
    %scan3A_41 = arith.constant 5 : i32
    %scan3A_42 = arith.addi %scan3A_40, %scan3A_41 : i32
    %scan3A_43 = arith.constant 1 : i32
    %scan3A_44 = scf.for %scan3A_92 = %scan3A_40 to %scan3A_42 step %scan3A_43 iter_args(%scan3A_93 = %scan3A_39) -> (i32)  : i32 {
      %mul3A_94 = arith.constant 32 : i32
      %mul3A_95 = arith.muli %scan3A_92, %mul3A_94 : i32
      "tpu.region"() ({
        %run_scoped3A = tpu.sem_alloc : memref<!tpu.dma_semaphore, #tpu.memory_space<semaphore_mem>>
        %dma_start3A = arith.constant 0 : i32
        %dma_start3A_104 = tpu.memref_slice %arg4[%arg0, %arg1, %mul3A_95, %dma_start3A] : memref<2x16x160x128xi32, #tpu.memory_space<hbm>> -> memref<1x1x32x128xi32, #tpu.memory_space<hbm>>
        %dma_start3A_105 = tpu.memref_squeeze %dma_start3A_104 : memref<1x1x32x128xi32, #tpu.memory_space<hbm>> -> memref<32x128xi32, #tpu.memory_space<hbm>>
        %dma_start3A_106 = arith.constant 0 : i32
        %dma_start3A_107 = tpu.memref_slice %arg4[%arg0, %arg1, %mul3A_95, %dma_start3A_106] : memref<2x16x160x128xi32, #tpu.memory_space<hbm>> -> memref<1x1x32x128xi32, #tpu.memory_space<hbm>>
        %dma_start3A_108 = tpu.memref_squeeze %dma_start3A_107 : memref<1x1x32x128xi32, #tpu.memory_space<hbm>> -> memref<32x128xi32, #tpu.memory_space<hbm>>
        tpu.enqueue_dma source(%dma_start3A_108 : memref<32x128xi32, #tpu.memory_space<hbm>>) target(%arg10 : memref<32x128xi32, #tpu.memory_space<vmem>>) target_semaphore(%run_scoped3A : memref<!tpu.dma_semaphore, #tpu.memory_space<semaphore_mem>>)
        %dma_wait3A = arith.constant 0 : i32
        %dma_wait3A_109 = tpu.memref_slice %arg4[%arg0, %arg1, %mul3A_95, %dma_wait3A] : memref<2x16x160x128xi32, #tpu.memory_space<hbm>> -> memref<1x1x32x128xi32, #tpu.memory_space<hbm>>
        %dma_wait3A_110 = tpu.memref_squeeze %dma_wait3A_109 : memref<1x1x32x128xi32, #tpu.memory_space<hbm>> -> memref<32x128xi32, #tpu.memory_space<hbm>>
        %dma_wait3A_111 = arith.constant 0 : i32
        %dma_wait3A_112 = tpu.memref_slice %arg4[%arg0, %arg1, %mul3A_95, %dma_wait3A_111] : memref<2x16x160x128xi32, #tpu.memory_space<hbm>> -> memref<1x1x32x128xi32, #tpu.memory_space<hbm>>
        %dma_wait3A_113 = tpu.memref_squeeze %dma_wait3A_112 : memref<1x1x32x128xi32, #tpu.memory_space<hbm>> -> memref<32x128xi32, #tpu.memory_space<hbm>>
        tpu.wait_dma2 semaphore(%run_scoped3A : memref<!tpu.dma_semaphore, #tpu.memory_space<semaphore_mem>>) src(%dma_wait3A_113 : memref<32x128xi32, #tpu.memory_space<hbm>>) dst(%arg10 : memref<32x128xi32, #tpu.memory_space<vmem>>)
        tpu.yield
      }) : () -> ()
      %scan3A_96 = arith.constant 0 : i32
      %scan3A_97 = arith.constant 0 : i32
      %scan3A_98 = arith.constant 4 : i32
      %scan3A_99 = arith.addi %scan3A_97, %scan3A_98 : i32
      %scan3A_100 = arith.constant 1 : i32
      %scan3A_101 = scf.for %scan3A_104 = %scan3A_97 to %scan3A_99 step %scan3A_100 iter_args(%scan3A_105 = %scan3A_96) -> (i32)  : i32 {
        %mul3A_106 = arith.constant 8 : i32
        %mul3A_107 = arith.muli %scan3A_104, %mul3A_106 : i32
        %add3A_108 = arith.constant 0 : i32
        %add3A_109 = arith.addi %mul3A_107, %add3A_108 : i32
        %dma_start3A = arith.constant 0 : i32
        %dma_start3A_110 = tpu.memref_slice %arg10[%add3A_109, %dma_start3A] : memref<32x128xi32, #tpu.memory_space<vmem>> -> memref<1x128xi32, #tpu.memory_space<vmem>>
        %dma_start3A_111 = tpu.memref_squeeze %dma_start3A_110 : memref<1x128xi32, #tpu.memory_space<vmem>> -> memref<128xi32, #tpu.memory_space<vmem>>
        %dma_start3A_112 = arith.constant 0 : i32
        %dma_start3A_113 = tpu.memref_slice %arg19[%dma_start3A_112] : memref<10240xf32, #tpu.memory_space<vmem_shared>> -> memref<10240xf32, #tpu.memory_space<vmem_shared>>
        tpu.enqueue_indirect_dma source(%arg17 : memref<128xf32, #tpu.memory_space<vmem>>) target(%dma_start3A_113 : memref<10240xf32, #tpu.memory_space<vmem_shared>>) offsets(%dma_start3A_111 : memref<128xi32, #tpu.memory_space<vmem>>) semaphore(%arg23 : memref<!tpu.dma_semaphore, #tpu.memory_space<semaphore_mem>>) {add = true}
        %mul3A_114 = arith.constant 8 : i32
        %mul3A_115 = arith.muli %scan3A_104, %mul3A_114 : i32
        %add3A_116 = arith.constant 1 : i32
        %add3A_117 = arith.addi %mul3A_115, %add3A_116 : i32
        %dma_start3A_118 = arith.constant 0 : i32
        %dma_start3A_119 = tpu.memref_slice %arg10[%add3A_117, %dma_start3A_118] : memref<32x128xi32, #tpu.memory_space<vmem>> -> memref<1x128xi32, #tpu.memory_space<vmem>>
        %dma_start3A_120 = tpu.memref_squeeze %dma_start3A_119 : memref<1x128xi32, #tpu.memory_space<vmem>> -> memref<128xi32, #tpu.memory_space<vmem>>
        %dma_start3A_121 = arith.constant 0 : i32
        %dma_start3A_122 = tpu.memref_slice %arg19[%dma_start3A_121] : memref<10240xf32, #tpu.memory_space<vmem_shared>> -> memref<10240xf32, #tpu.memory_space<vmem_shared>>
        tpu.enqueue_indirect_dma source(%arg17 : memref<128xf32, #tpu.memory_space<vmem>>) target(%dma_start3A_122 : memref<10240xf32, #tpu.memory_space<vmem_shared>>) offsets(%dma_start3A_120 : memref<128xi32, #tpu.memory_space<vmem>>) semaphore(%arg23 : memref<!tpu.dma_semaphore, #tpu.memory_space<semaphore_mem>>) {add = true}
        %mul3A_123 = arith.constant 8 : i32
        %mul3A_124 = arith.muli %scan3A_104, %mul3A_123 : i32
        %add3A_125 = arith.constant 2 : i32
        %add3A_126 = arith.addi %mul3A_124, %add3A_125 : i32
        %dma_start3A_127 = arith.constant 0 : i32
        %dma_start3A_128 = tpu.memref_slice %arg10[%add3A_126, %dma_start3A_127] : memref<32x128xi32, #tpu.memory_space<vmem>> -> memref<1x128xi32, #tpu.memory_space<vmem>>
        %dma_start3A_129 = tpu.memref_squeeze %dma_start3A_128 : memref<1x128xi32, #tpu.memory_space<vmem>> -> memref<128xi32, #tpu.memory_space<vmem>>
        %dma_start3A_130 = arith.constant 0 : i32
        %dma_start3A_131 = tpu.memref_slice %arg19[%dma_start3A_130] : memref<10240xf32, #tpu.memory_space<vmem_shared>> -> memref<10240xf32, #tpu.memory_space<vmem_shared>>
        tpu.enqueue_indirect_dma source(%arg17 : memref<128xf32, #tpu.memory_space<vmem>>) target(%dma_start3A_131 : memref<10240xf32, #tpu.memory_space<vmem_shared>>) offsets(%dma_start3A_129 : memref<128xi32, #tpu.memory_space<vmem>>) semaphore(%arg23 : memref<!tpu.dma_semaphore, #tpu.memory_space<semaphore_mem>>) {add = true}
        %mul3A_132 = arith.constant 8 : i32
        %mul3A_133 = arith.muli %scan3A_104, %mul3A_132 : i32
        %add3A_134 = arith.constant 3 : i32
        %add3A_135 = arith.addi %mul3A_133, %add3A_134 : i32
        %dma_start3A_136 = arith.constant 0 : i32
        %dma_start3A_137 = tpu.memref_slice %arg10[%add3A_135, %dma_start3A_136] : memref<32x128xi32, #tpu.memory_space<vmem>> -> memref<1x128xi32, #tpu.memory_space<vmem>>
        %dma_start3A_138 = tpu.memref_squeeze %dma_start3A_137 : memref<1x128xi32, #tpu.memory_space<vmem>> -> memref<128xi32, #tpu.memory_space<vmem>>
        %dma_start3A_139 = arith.constant 0 : i32
        %dma_start3A_140 = tpu.memref_slice %arg19[%dma_start3A_139] : memref<10240xf32, #tpu.memory_space<vmem_shared>> -> memref<10240xf32, #tpu.memory_space<vmem_shared>>
        tpu.enqueue_indirect_dma source(%arg17 : memref<128xf32, #tpu.memory_space<vmem>>) target(%dma_start3A_140 : memref<10240xf32, #tpu.memory_space<vmem_shared>>) offsets(%dma_start3A_138 : memref<128xi32, #tpu.memory_space<vmem>>) semaphore(%arg23 : memref<!tpu.dma_semaphore, #tpu.memory_space<semaphore_mem>>) {add = true}
        %mul3A_141 = arith.constant 8 : i32
        %mul3A_142 = arith.muli %scan3A_104, %mul3A_141 : i32
        %add3A_143 = arith.constant 4 : i32
        %add3A_144 = arith.addi %mul3A_142, %add3A_143 : i32
        %dma_start3A_145 = arith.constant 0 : i32
        %dma_start3A_146 = tpu.memref_slice %arg10[%add3A_144, %dma_start3A_145] : memref<32x128xi32, #tpu.memory_space<vmem>> -> memref<1x128xi32, #tpu.memory_space<vmem>>
        %dma_start3A_147 = tpu.memref_squeeze %dma_start3A_146 : memref<1x128xi32, #tpu.memory_space<vmem>> -> memref<128xi32, #tpu.memory_space<vmem>>
        %dma_start3A_148 = arith.constant 0 : i32
        %dma_start3A_149 = tpu.memref_slice %arg19[%dma_start3A_148] : memref<10240xf32, #tpu.memory_space<vmem_shared>> -> memref<10240xf32, #tpu.memory_space<vmem_shared>>
        tpu.enqueue_indirect_dma source(%arg17 : memref<128xf32, #tpu.memory_space<vmem>>) target(%dma_start3A_149 : memref<10240xf32, #tpu.memory_space<vmem_shared>>) offsets(%dma_start3A_147 : memref<128xi32, #tpu.memory_space<vmem>>) semaphore(%arg23 : memref<!tpu.dma_semaphore, #tpu.memory_space<semaphore_mem>>) {add = true}
        %mul3A_150 = arith.constant 8 : i32
        %mul3A_151 = arith.muli %scan3A_104, %mul3A_150 : i32
        %add3A_152 = arith.constant 5 : i32
        %add3A_153 = arith.addi %mul3A_151, %add3A_152 : i32
        %dma_start3A_154 = arith.constant 0 : i32
        %dma_start3A_155 = tpu.memref_slice %arg10[%add3A_153, %dma_start3A_154] : memref<32x128xi32, #tpu.memory_space<vmem>> -> memref<1x128xi32, #tpu.memory_space<vmem>>
        %dma_start3A_156 = tpu.memref_squeeze %dma_start3A_155 : memref<1x128xi32, #tpu.memory_space<vmem>> -> memref<128xi32, #tpu.memory_space<vmem>>
        %dma_start3A_157 = arith.constant 0 : i32
        %dma_start3A_158 = tpu.memref_slice %arg19[%dma_start3A_157] : memref<10240xf32, #tpu.memory_space<vmem_shared>> -> memref<10240xf32, #tpu.memory_space<vmem_shared>>
        tpu.enqueue_indirect_dma source(%arg17 : memref<128xf32, #tpu.memory_space<vmem>>) target(%dma_start3A_158 : memref<10240xf32, #tpu.memory_space<vmem_shared>>) offsets(%dma_start3A_156 : memref<128xi32, #tpu.memory_space<vmem>>) semaphore(%arg23 : memref<!tpu.dma_semaphore, #tpu.memory_space<semaphore_mem>>) {add = true}
        %mul3A_159 = arith.constant 8 : i32
        %mul3A_160 = arith.muli %scan3A_104, %mul3A_159 : i32
        %add3A_161 = arith.constant 6 : i32
        %add3A_162 = arith.addi %mul3A_160, %add3A_161 : i32
        %dma_start3A_163 = arith.constant 0 : i32
        %dma_start3A_164 = tpu.memref_slice %arg10[%add3A_162, %dma_start3A_163] : memref<32x128xi32, #tpu.memory_space<vmem>> -> memref<1x128xi32, #tpu.memory_space<vmem>>
        %dma_start3A_165 = tpu.memref_squeeze %dma_start3A_164 : memref<1x128xi32, #tpu.memory_space<vmem>> -> memref<128xi32, #tpu.memory_space<vmem>>
        %dma_start3A_166 = arith.constant 0 : i32
        %dma_start3A_167 = tpu.memref_slice %arg19[%dma_start3A_166] : memref<10240xf32, #tpu.memory_space<vmem_shared>> -> memref<10240xf32, #tpu.memory_space<vmem_shared>>
        tpu.enqueue_indirect_dma source(%arg17 : memref<128xf32, #tpu.memory_space<vmem>>) target(%dma_start3A_167 : memref<10240xf32, #tpu.memory_space<vmem_shared>>) offsets(%dma_start3A_165 : memref<128xi32, #tpu.memory_space<vmem>>) semaphore(%arg23 : memref<!tpu.dma_semaphore, #tpu.memory_space<semaphore_mem>>) {add = true}
        %mul3A_168 = arith.constant 8 : i32
        %mul3A_169 = arith.muli %scan3A_104, %mul3A_168 : i32
        %add3A_170 = arith.constant 7 : i32
        %add3A_171 = arith.addi %mul3A_169, %add3A_170 : i32
        %dma_start3A_172 = arith.constant 0 : i32
        %dma_start3A_173 = tpu.memref_slice %arg10[%add3A_171, %dma_start3A_172] : memref<32x128xi32, #tpu.memory_space<vmem>> -> memref<1x128xi32, #tpu.memory_space<vmem>>
        %dma_start3A_174 = tpu.memref_squeeze %dma_start3A_173 : memref<1x128xi32, #tpu.memory_space<vmem>> -> memref<128xi32, #tpu.memory_space<vmem>>
        %dma_start3A_175 = arith.constant 0 : i32
        %dma_start3A_176 = tpu.memref_slice %arg19[%dma_start3A_175] : memref<10240xf32, #tpu.memory_space<vmem_shared>> -> memref<10240xf32, #tpu.memory_space<vmem_shared>>
        tpu.enqueue_indirect_dma source(%arg17 : memref<128xf32, #tpu.memory_space<vmem>>) target(%dma_start3A_176 : memref<10240xf32, #tpu.memory_space<vmem_shared>>) offsets(%dma_start3A_174 : memref<128xi32, #tpu.memory_space<vmem>>) semaphore(%arg23 : memref<!tpu.dma_semaphore, #tpu.memory_space<semaphore_mem>>) {add = true}
        %dma_wait3A = arith.constant 0 : i32
        %dma_wait3A_177 = tpu.memref_slice %arg10[%add3A_109, %dma_wait3A] : memref<32x128xi32, #tpu.memory_space<vmem>> -> memref<1x128xi32, #tpu.memory_space<vmem>>
        %dma_wait3A_178 = tpu.memref_squeeze %dma_wait3A_177 : memref<1x128xi32, #tpu.memory_space<vmem>> -> memref<128xi32, #tpu.memory_space<vmem>>
        %dma_wait3A_179 = arith.constant 0 : i32
        %dma_wait3A_180 = tpu.memref_slice %arg19[%dma_wait3A_179] : memref<10240xf32, #tpu.memory_space<vmem_shared>> -> memref<10240xf32, #tpu.memory_space<vmem_shared>>
        tpu.wait_indirect_dma semaphore(%arg23 : memref<!tpu.dma_semaphore, #tpu.memory_space<semaphore_mem>>) src(%arg17 : memref<128xf32, #tpu.memory_space<vmem>>) dst(%dma_wait3A_180 : memref<10240xf32, #tpu.memory_space<vmem_shared>>)
        %dma_wait3A_181 = arith.constant 0 : i32
        %dma_wait3A_182 = tpu.memref_slice %arg10[%add3A_117, %dma_wait3A_181] : memref<32x128xi32, #tpu.memory_space<vmem>> -> memref<1x128xi32, #tpu.memory_space<vmem>>
        %dma_wait3A_183 = tpu.memref_squeeze %dma_wait3A_182 : memref<1x128xi32, #tpu.memory_space<vmem>> -> memref<128xi32, #tpu.memory_space<vmem>>
        %dma_wait3A_184 = arith.constant 0 : i32
        %dma_wait3A_185 = tpu.memref_slice %arg19[%dma_wait3A_184] : memref<10240xf32, #tpu.memory_space<vmem_shared>> -> memref<10240xf32, #tpu.memory_space<vmem_shared>>
        tpu.wait_indirect_dma semaphore(%arg23 : memref<!tpu.dma_semaphore, #tpu.memory_space<semaphore_mem>>) src(%arg17 : memref<128xf32, #tpu.memory_space<vmem>>) dst(%dma_wait3A_185 : memref<10240xf32, #tpu.memory_space<vmem_shared>>)
        %dma_wait3A_186 = arith.constant 0 : i32
        %dma_wait3A_187 = tpu.memref_slice %arg10[%add3A_126, %dma_wait3A_186] : memref<32x128xi32, #tpu.memory_space<vmem>> -> memref<1x128xi32, #tpu.memory_space<vmem>>
        %dma_wait3A_188 = tpu.memref_squeeze %dma_wait3A_187 : memref<1x128xi32, #tpu.memory_space<vmem>> -> memref<128xi32, #tpu.memory_space<vmem>>
        %dma_wait3A_189 = arith.constant 0 : i32
        %dma_wait3A_190 = tpu.memref_slice %arg19[%dma_wait3A_189] : memref<10240xf32, #tpu.memory_space<vmem_shared>> -> memref<10240xf32, #tpu.memory_space<vmem_shared>>
        tpu.wait_indirect_dma semaphore(%arg23 : memref<!tpu.dma_semaphore, #tpu.memory_space<semaphore_mem>>) src(%arg17 : memref<128xf32, #tpu.memory_space<vmem>>) dst(%dma_wait3A_190 : memref<10240xf32, #tpu.memory_space<vmem_shared>>)
        %dma_wait3A_191 = arith.constant 0 : i32
        %dma_wait3A_192 = tpu.memref_slice %arg10[%add3A_135, %dma_wait3A_191] : memref<32x128xi32, #tpu.memory_space<vmem>> -> memref<1x128xi32, #tpu.memory_space<vmem>>
        %dma_wait3A_193 = tpu.memref_squeeze %dma_wait3A_192 : memref<1x128xi32, #tpu.memory_space<vmem>> -> memref<128xi32, #tpu.memory_space<vmem>>
        %dma_wait3A_194 = arith.constant 0 : i32
        %dma_wait3A_195 = tpu.memref_slice %arg19[%dma_wait3A_194] : memref<10240xf32, #tpu.memory_space<vmem_shared>> -> memref<10240xf32, #tpu.memory_space<vmem_shared>>
        tpu.wait_indirect_dma semaphore(%arg23 : memref<!tpu.dma_semaphore, #tpu.memory_space<semaphore_mem>>) src(%arg17 : memref<128xf32, #tpu.memory_space<vmem>>) dst(%dma_wait3A_195 : memref<10240xf32, #tpu.memory_space<vmem_shared>>)
        %dma_wait3A_196 = arith.constant 0 : i32
        %dma_wait3A_197 = tpu.memref_slice %arg10[%add3A_144, %dma_wait3A_196] : memref<32x128xi32, #tpu.memory_space<vmem>> -> memref<1x128xi32, #tpu.memory_space<vmem>>
        %dma_wait3A_198 = tpu.memref_squeeze %dma_wait3A_197 : memref<1x128xi32, #tpu.memory_space<vmem>> -> memref<128xi32, #tpu.memory_space<vmem>>
        %dma_wait3A_199 = arith.constant 0 : i32
        %dma_wait3A_200 = tpu.memref_slice %arg19[%dma_wait3A_199] : memref<10240xf32, #tpu.memory_space<vmem_shared>> -> memref<10240xf32, #tpu.memory_space<vmem_shared>>
        tpu.wait_indirect_dma semaphore(%arg23 : memref<!tpu.dma_semaphore, #tpu.memory_space<semaphore_mem>>) src(%arg17 : memref<128xf32, #tpu.memory_space<vmem>>) dst(%dma_wait3A_200 : memref<10240xf32, #tpu.memory_space<vmem_shared>>)
        %dma_wait3A_201 = arith.constant 0 : i32
        %dma_wait3A_202 = tpu.memref_slice %arg10[%add3A_153, %dma_wait3A_201] : memref<32x128xi32, #tpu.memory_space<vmem>> -> memref<1x128xi32, #tpu.memory_space<vmem>>
        %dma_wait3A_203 = tpu.memref_squeeze %dma_wait3A_202 : memref<1x128xi32, #tpu.memory_space<vmem>> -> memref<128xi32, #tpu.memory_space<vmem>>
        %dma_wait3A_204 = arith.constant 0 : i32
        %dma_wait3A_205 = tpu.memref_slice %arg19[%dma_wait3A_204] : memref<10240xf32, #tpu.memory_space<vmem_shared>> -> memref<10240xf32, #tpu.memory_space<vmem_shared>>
        tpu.wait_indirect_dma semaphore(%arg23 : memref<!tpu.dma_semaphore, #tpu.memory_space<semaphore_mem>>) src(%arg17 : memref<128xf32, #tpu.memory_space<vmem>>) dst(%dma_wait3A_205 : memref<10240xf32, #tpu.memory_space<vmem_shared>>)
        %dma_wait3A_206 = arith.constant 0 : i32
        %dma_wait3A_207 = tpu.memref_slice %arg10[%add3A_162, %dma_wait3A_206] : memref<32x128xi32, #tpu.memory_space<vmem>> -> memref<1x128xi32, #tpu.memory_space<vmem>>
        %dma_wait3A_208 = tpu.memref_squeeze %dma_wait3A_207 : memref<1x128xi32, #tpu.memory_space<vmem>> -> memref<128xi32, #tpu.memory_space<vmem>>
        %dma_wait3A_209 = arith.constant 0 : i32
        %dma_wait3A_210 = tpu.memref_slice %arg19[%dma_wait3A_209] : memref<10240xf32, #tpu.memory_space<vmem_shared>> -> memref<10240xf32, #tpu.memory_space<vmem_shared>>
        tpu.wait_indirect_dma semaphore(%arg23 : memref<!tpu.dma_semaphore, #tpu.memory_space<semaphore_mem>>) src(%arg17 : memref<128xf32, #tpu.memory_space<vmem>>) dst(%dma_wait3A_210 : memref<10240xf32, #tpu.memory_space<vmem_shared>>)
        %dma_wait3A_211 = arith.constant 0 : i32
        %dma_wait3A_212 = tpu.memref_slice %arg10[%add3A_171, %dma_wait3A_211] : memref<32x128xi32, #tpu.memory_space<vmem>> -> memref<1x128xi32, #tpu.memory_space<vmem>>
        %dma_wait3A_213 = tpu.memref_squeeze %dma_wait3A_212 : memref<1x128xi32, #tpu.memory_space<vmem>> -> memref<128xi32, #tpu.memory_space<vmem>>
        %dma_wait3A_214 = arith.constant 0 : i32
        %dma_wait3A_215 = tpu.memref_slice %arg19[%dma_wait3A_214] : memref<10240xf32, #tpu.memory_space<vmem_shared>> -> memref<10240xf32, #tpu.memory_space<vmem_shared>>
        tpu.wait_indirect_dma semaphore(%arg23 : memref<!tpu.dma_semaphore, #tpu.memory_space<semaphore_mem>>) src(%arg17 : memref<128xf32, #tpu.memory_space<vmem>>) dst(%dma_wait3A_215 : memref<10240xf32, #tpu.memory_space<vmem_shared>>)
        %scan3A_216 = arith.constant 0 : i32
        scf.yield %scan3A_216 : i32
      }
      %scan3A_102 = arith.constant 4 : i32
      %scan3A_103 = arith.constant 0 : i32
      scf.yield %scan3A_103 : i32
    }
    %scan3A_45 = arith.constant 5 : i32
    %scan3A_46 = arith.constant 0 : i32
    %scan3A_47 = arith.constant 0 : i32
    %scan3A_48 = arith.constant 5 : i32
    %scan3A_49 = arith.addi %scan3A_47, %scan3A_48 : i32
    %scan3A_50 = arith.constant 1 : i32
    %scan3A_51 = scf.for %scan3A_92 = %scan3A_47 to %scan3A_49 step %scan3A_50 iter_args(%scan3A_93 = %scan3A_46) -> (i32)  : i32 {
      "tpu.region"() ({
        %run_scoped3A = tpu.sem_alloc : memref<!tpu.dma_semaphore, #tpu.memory_space<semaphore_mem>>
        %dma_start3A = arith.constant 0 : i32
        %dma_start3A_95 = tpu.memref_slice %arg15[%scan3A_92, %dma_start3A] : memref<5x128xi32, #tpu.memory_space<vmem>> -> memref<1x128xi32, #tpu.memory_space<vmem>>
        %dma_start3A_96 = tpu.memref_squeeze %dma_start3A_95 : memref<1x128xi32, #tpu.memory_space<vmem>> -> memref<128xi32, #tpu.memory_space<vmem>>
        %dma_start3A_97 = arith.constant 0 : i32
        %dma_start3A_98 = tpu.memref_slice %arg22[%dma_start3A_97] : memref<144xf32, #tpu.memory_space<vmem_shared>> -> memref<144xf32, #tpu.memory_space<vmem_shared>>
        tpu.enqueue_indirect_dma source(%arg17 : memref<128xf32, #tpu.memory_space<vmem>>) target(%dma_start3A_98 : memref<144xf32, #tpu.memory_space<vmem_shared>>) offsets(%dma_start3A_96 : memref<128xi32, #tpu.memory_space<vmem>>) semaphore(%run_scoped3A : memref<!tpu.dma_semaphore, #tpu.memory_space<semaphore_mem>>) {add = true}
        %dma_wait3A = arith.constant 0 : i32
        %dma_wait3A_99 = tpu.memref_slice %arg15[%scan3A_92, %dma_wait3A] : memref<5x128xi32, #tpu.memory_space<vmem>> -> memref<1x128xi32, #tpu.memory_space<vmem>>
        %dma_wait3A_100 = tpu.memref_squeeze %dma_wait3A_99 : memref<1x128xi32, #tpu.memory_space<vmem>> -> memref<128xi32, #tpu.memory_space<vmem>>
        %dma_wait3A_101 = arith.constant 0 : i32
        %dma_wait3A_102 = tpu.memref_slice %arg22[%dma_wait3A_101] : memref<144xf32, #tpu.memory_space<vmem_shared>> -> memref<144xf32, #tpu.memory_space<vmem_shared>>
        tpu.wait_indirect_dma semaphore(%run_scoped3A : memref<!tpu.dma_semaphore, #tpu.memory_space<semaphore_mem>>) src(%arg17 : memref<128xf32, #tpu.memory_space<vmem>>) dst(%dma_wait3A_102 : memref<144xf32, #tpu.memory_space<vmem_shared>>)
        tpu.yield
      }) : () -> ()
      %scan3A_94 = arith.constant 0 : i32
      scf.yield %scan3A_94 : i32
    }
    %scan3A_52 = arith.constant 5 : i32
    %barrier3A_53 = arith.constant 0 : index
    tpu.barrier barrier_id(%barrier3A_53)
    "tpu.region"() ({
      %run_scoped3A = tpu.sem_alloc : memref<!tpu.dma_semaphore, #tpu.memory_space<semaphore_mem>>
      %dma_start3A = tpu.memref_slice %arg19[%mul3A_4] : memref<10240xf32, #tpu.memory_space<vmem_shared>> -> memref<640xf32, #tpu.memory_space<vmem_shared>>
      %dma_start3A_92 = tpu.memref_slice %arg19[%mul3A_4] : memref<10240xf32, #tpu.memory_space<vmem_shared>> -> memref<640xf32, #tpu.memory_space<vmem_shared>>
      tpu.enqueue_dma source(%dma_start3A_92 : memref<640xf32, #tpu.memory_space<vmem_shared>>) target(%arg11 : memref<640xf32, #tpu.memory_space<vmem>>) target_semaphore(%run_scoped3A : memref<!tpu.dma_semaphore, #tpu.memory_space<semaphore_mem>>)
      %dma_wait3A = tpu.memref_slice %arg19[%mul3A_4] : memref<10240xf32, #tpu.memory_space<vmem_shared>> -> memref<640xf32, #tpu.memory_space<vmem_shared>>
      %dma_wait3A_93 = tpu.memref_slice %arg19[%mul3A_4] : memref<10240xf32, #tpu.memory_space<vmem_shared>> -> memref<640xf32, #tpu.memory_space<vmem_shared>>
      tpu.wait_dma2 semaphore(%run_scoped3A : memref<!tpu.dma_semaphore, #tpu.memory_space<semaphore_mem>>) src(%dma_wait3A_93 : memref<640xf32, #tpu.memory_space<vmem_shared>>) dst(%arg11 : memref<640xf32, #tpu.memory_space<vmem>>)
      tpu.yield
    }) : () -> ()
    %scan3A_54 = arith.constant 0 : i32
    %scan3A_55 = arith.constant 0 : i32
    %scan3A_56 = arith.constant 40 : i32
    %scan3A_57 = arith.addi %scan3A_55, %scan3A_56 : i32
    %scan3A_58 = arith.constant 1 : i32
    %scan3A_59 = scf.for %scan3A_92 = %scan3A_55 to %scan3A_57 step %scan3A_58 iter_args(%scan3A_93 = %scan3A_54) -> (i32)  : i32 {
      %mul3A_94 = arith.constant 16 : i32
      %mul3A_95 = arith.muli %scan3A_92, %mul3A_94 : i32
      %get3A = arith.index_cast %mul3A_95 : i32 to index
      %get3A_96 = tpu.vector_load %arg11[%get3A] {strides = array<i32>} : memref<640xf32, #tpu.memory_space<vmem>>, vector<16xf32>,
      %add3A_97 = arith.constant 1.000000e+00 : f32
      %add3A_98 = vector.broadcast %add3A_97 : f32 to vector<16xf32>
      %add3A_99 = arith.addf %get3A_96, %add3A_98 : vector<16xf32>
      %div3A = arith.divf %add3A_99, %add3A_99 : vector<16xf32>
      %add3A_100 = arith.addf %add3A_99, %div3A : vector<16xf32>
      %mul3A_101 = arith.constant 5.000000e-01 : f32
      %mul3A_102 = vector.broadcast %mul3A_101 : f32 to vector<16xf32>
      %mul3A_103 = arith.mulf %mul3A_102, %add3A_100 : vector<16xf32>
      %div3A_104 = arith.divf %add3A_99, %mul3A_103 : vector<16xf32>
      %add3A_105 = arith.addf %mul3A_103, %div3A_104 : vector<16xf32>
      %mul3A_106 = arith.constant 5.000000e-01 : f32
      %mul3A_107 = vector.broadcast %mul3A_106 : f32 to vector<16xf32>
      %mul3A_108 = arith.mulf %mul3A_107, %add3A_105 : vector<16xf32>
      %div3A_109 = arith.divf %add3A_99, %mul3A_108 : vector<16xf32>
      %add3A_110 = arith.addf %mul3A_108, %div3A_109 : vector<16xf32>
      %mul3A_111 = arith.constant 5.000000e-01 : f32
      %mul3A_112 = vector.broadcast %mul3A_111 : f32 to vector<16xf32>
      %mul3A_113 = arith.mulf %mul3A_112, %add3A_110 : vector<16xf32>
      %div3A_114 = arith.divf %add3A_99, %mul3A_113 : vector<16xf32>
      %add3A_115 = arith.addf %mul3A_113, %div3A_114 : vector<16xf32>
      %mul3A_116 = arith.constant 5.000000e-01 : f32
      %mul3A_117 = vector.broadcast %mul3A_116 : f32 to vector<16xf32>
      %mul3A_118 = arith.mulf %mul3A_117, %add3A_115 : vector<16xf32>
      %div3A_119 = arith.divf %add3A_99, %mul3A_118 : vector<16xf32>
      %add3A_120 = arith.addf %mul3A_118, %div3A_119 : vector<16xf32>
      %mul3A_121 = arith.constant 5.000000e-01 : f32
      %mul3A_122 = vector.broadcast %mul3A_121 : f32 to vector<16xf32>
      %mul3A_123 = arith.mulf %mul3A_122, %add3A_120 : vector<16xf32>
      %div3A_124 = arith.divf %add3A_99, %mul3A_123 : vector<16xf32>
      %add3A_125 = arith.addf %mul3A_123, %div3A_124 : vector<16xf32>
      %mul3A_126 = arith.constant 5.000000e-01 : f32
      %mul3A_127 = vector.broadcast %mul3A_126 : f32 to vector<16xf32>
      %mul3A_128 = arith.mulf %mul3A_127, %add3A_125 : vector<16xf32>
      %div3A_129 = arith.divf %add3A_99, %mul3A_128 : vector<16xf32>
      %add3A_130 = arith.addf %mul3A_128, %div3A_129 : vector<16xf32>
      %mul3A_131 = arith.constant 5.000000e-01 : f32
      %mul3A_132 = vector.broadcast %mul3A_131 : f32 to vector<16xf32>
      %mul3A_133 = arith.mulf %mul3A_132, %add3A_130 : vector<16xf32>
      %div3A_134 = arith.divf %add3A_99, %mul3A_133 : vector<16xf32>
      %add3A_135 = arith.addf %mul3A_133, %div3A_134 : vector<16xf32>
      %mul3A_136 = arith.constant 5.000000e-01 : f32
      %mul3A_137 = vector.broadcast %mul3A_136 : f32 to vector<16xf32>
      %mul3A_138 = arith.mulf %mul3A_137, %add3A_135 : vector<16xf32>
      %div3A_139 = arith.divf %add3A_99, %mul3A_138 : vector<16xf32>
      %add3A_140 = arith.addf %mul3A_138, %div3A_139 : vector<16xf32>
      %mul3A_141 = arith.constant 5.000000e-01 : f32
      %mul3A_142 = vector.broadcast %mul3A_141 : f32 to vector<16xf32>
      %mul3A_143 = arith.mulf %mul3A_142, %add3A_140 : vector<16xf32>
      %div3A_144 = arith.divf %add3A_99, %mul3A_143 : vector<16xf32>
      %add3A_145 = arith.addf %mul3A_143, %div3A_144 : vector<16xf32>
      %mul3A_146 = arith.constant 5.000000e-01 : f32
      %mul3A_147 = vector.broadcast %mul3A_146 : f32 to vector<16xf32>
      %mul3A_148 = arith.mulf %mul3A_147, %add3A_145 : vector<16xf32>
      %div3A_149 = arith.divf %add3A_99, %mul3A_148 : vector<16xf32>
      %add3A_150 = arith.addf %mul3A_148, %div3A_149 : vector<16xf32>
      %mul3A_151 = arith.constant 5.000000e-01 : f32
      %mul3A_152 = vector.broadcast %mul3A_151 : f32 to vector<16xf32>
      %mul3A_153 = arith.mulf %mul3A_152, %add3A_150 : vector<16xf32>
      %div3A_154 = arith.divf %add3A_99, %mul3A_153 : vector<16xf32>
      %add3A_155 = arith.addf %mul3A_153, %div3A_154 : vector<16xf32>
      %mul3A_156 = arith.constant 5.000000e-01 : f32
      %mul3A_157 = vector.broadcast %mul3A_156 : f32 to vector<16xf32>
      %mul3A_158 = arith.mulf %mul3A_157, %add3A_155 : vector<16xf32>
      %div3A_159 = arith.divf %add3A_99, %mul3A_158 : vector<16xf32>
      %add3A_160 = arith.addf %mul3A_158, %div3A_159 : vector<16xf32>
      %mul3A_161 = arith.constant 5.000000e-01 : f32
      %mul3A_162 = vector.broadcast %mul3A_161 : f32 to vector<16xf32>
      %mul3A_163 = arith.mulf %mul3A_162, %add3A_160 : vector<16xf32>
      %div3A_164 = arith.divf %add3A_99, %mul3A_163 : vector<16xf32>
      %add3A_165 = arith.addf %mul3A_163, %div3A_164 : vector<16xf32>
      %mul3A_166 = arith.constant 5.000000e-01 : f32
      %mul3A_167 = vector.broadcast %mul3A_166 : f32 to vector<16xf32>
      %mul3A_168 = arith.mulf %mul3A_167, %add3A_165 : vector<16xf32>
      %div3A_169 = arith.divf %add3A_99, %mul3A_168 : vector<16xf32>
      %add3A_170 = arith.addf %mul3A_168, %div3A_169 : vector<16xf32>
      %mul3A_171 = arith.constant 5.000000e-01 : f32
      %mul3A_172 = vector.broadcast %mul3A_171 : f32 to vector<16xf32>
      %mul3A_173 = arith.mulf %mul3A_172, %add3A_170 : vector<16xf32>
      %div3A_174 = arith.divf %add3A_99, %mul3A_173 : vector<16xf32>
      %add3A_175 = arith.addf %mul3A_173, %div3A_174 : vector<16xf32>
      %mul3A_176 = arith.constant 5.000000e-01 : f32
      %mul3A_177 = vector.broadcast %mul3A_176 : f32 to vector<16xf32>
      %mul3A_178 = arith.mulf %mul3A_177, %add3A_175 : vector<16xf32>
      %div3A_179 = arith.constant 1.000000e+00 : f32
      %div3A_180 = vector.broadcast %div3A_179 : f32 to vector<16xf32>
      %div3A_181 = arith.divf %div3A_180, %mul3A_178 : vector<16xf32>
      %mul3A_182 = arith.constant 16 : i32
      %mul3A_183 = arith.muli %scan3A_92, %mul3A_182 : i32
      %swap3A = arith.index_cast %mul3A_183 : i32 to index
      %swap3A_184 = tpu.vector_load %arg12[%swap3A] {strides = array<i32>} : memref<640xf32, #tpu.memory_space<vmem>>, vector<16xf32>,
      tpu.vector_store %arg12[%swap3A], %div3A_181 {strides = array<i32>} : memref<640xf32, #tpu.memory_space<vmem>>, vector<16xf32>,
      %scan3A_185 = arith.constant 0 : i32
      scf.yield %scan3A_185 : i32
    }
    %scan3A_60 = arith.constant 40 : i32
    %scan3A_61 = arith.constant 0 : i32
    %scan3A_62 = arith.constant 0 : i32
    %scan3A_63 = arith.constant 5 : i32
    %scan3A_64 = arith.addi %scan3A_62, %scan3A_63 : i32
    %scan3A_65 = arith.constant 1 : i32
    %scan3A_66 = scf.for %scan3A_92 = %scan3A_62 to %scan3A_64 step %scan3A_65 iter_args(%scan3A_93 = %scan3A_61) -> (i32)  : i32 {
      %mul3A_94 = arith.constant 128 : i32
      %mul3A_95 = arith.muli %scan3A_92, %mul3A_94 : i32
      %add3A_96 = arith.addi %add3A, %mul3A_95 : i32
      "tpu.region"() ({
        %run_scoped3A = tpu.sem_alloc : memref<!tpu.dma_semaphore, #tpu.memory_space<semaphore_mem>>
        %dma_start3A_149 = arith.constant 0 : i32
        %dma_start3A_150 = arith.constant 0 : i32
        %dma_start3A_151 = tpu.memref_slice %arg13[%dma_start3A_149, %dma_start3A_150] : memref<256x128xf32, #tpu.memory_space<vmem>> -> memref<128x128xf32, #tpu.memory_space<vmem>>
        %dma_start3A_152 = arith.constant 0 : i32
        %dma_start3A_153 = tpu.memref_slice %arg2[%add3A_96, %dma_start3A_152] : memref<20480x128xf32, #tpu.memory_space<hbm>> -> memref<128x128xf32, #tpu.memory_space<hbm>>
        %dma_start3A_154 = arith.constant 0 : i32
        %dma_start3A_155 = arith.constant 0 : i32
        %dma_start3A_156 = tpu.memref_slice %arg13[%dma_start3A_154, %dma_start3A_155] : memref<256x128xf32, #tpu.memory_space<vmem>> -> memref<128x128xf32, #tpu.memory_space<vmem>>
        %dma_start3A_157 = arith.constant 0 : i32
        %dma_start3A_158 = tpu.memref_slice %arg2[%add3A_96, %dma_start3A_157] : memref<20480x128xf32, #tpu.memory_space<hbm>> -> memref<128x128xf32, #tpu.memory_space<hbm>>
        tpu.enqueue_dma source(%dma_start3A_158 : memref<128x128xf32, #tpu.memory_space<hbm>>) target(%dma_start3A_156 : memref<128x128xf32, #tpu.memory_space<vmem>>) target_semaphore(%run_scoped3A : memref<!tpu.dma_semaphore, #tpu.memory_space<semaphore_mem>>)
        %dma_wait3A_159 = arith.constant 0 : i32
        %dma_wait3A_160 = arith.constant 0 : i32
        %dma_wait3A_161 = tpu.memref_slice %arg13[%dma_wait3A_159, %dma_wait3A_160] : memref<256x128xf32, #tpu.memory_space<vmem>> -> memref<128x128xf32, #tpu.memory_space<vmem>>
        %dma_wait3A_162 = arith.constant 0 : i32
        %dma_wait3A_163 = tpu.memref_slice %arg2[%add3A_96, %dma_wait3A_162] : memref<20480x128xf32, #tpu.memory_space<hbm>> -> memref<128x128xf32, #tpu.memory_space<hbm>>
        %dma_wait3A_164 = arith.constant 0 : i32
        %dma_wait3A_165 = arith.constant 0 : i32
        %dma_wait3A_166 = tpu.memref_slice %arg13[%dma_wait3A_164, %dma_wait3A_165] : memref<256x128xf32, #tpu.memory_space<vmem>> -> memref<128x128xf32, #tpu.memory_space<vmem>>
        %dma_wait3A_167 = arith.constant 0 : i32
        %dma_wait3A_168 = tpu.memref_slice %arg2[%add3A_96, %dma_wait3A_167] : memref<20480x128xf32, #tpu.memory_space<hbm>> -> memref<128x128xf32, #tpu.memory_space<hbm>>
        tpu.wait_dma2 semaphore(%run_scoped3A : memref<!tpu.dma_semaphore, #tpu.memory_space<semaphore_mem>>) src(%dma_wait3A_168 : memref<128x128xf32, #tpu.memory_space<hbm>>) dst(%dma_wait3A_166 : memref<128x128xf32, #tpu.memory_space<vmem>>)
        tpu.yield
      }) : () -> ()
      %scan3A_97 = arith.constant 0 : i32
      %scan3A_98 = arith.constant 0 : i32
      %scan3A_99 = arith.constant 128 : i32
      %scan3A_100 = arith.addi %scan3A_98, %scan3A_99 : i32
      %scan3A_101 = arith.constant 1 : i32
      %scan3A_102 = scf.for %scan3A_149 = %scan3A_98 to %scan3A_100 step %scan3A_101 iter_args(%scan3A_150 = %scan3A_97) -> (i32)  : i32 {
        %mul3A_151 = arith.constant 128 : i32
        %mul3A_152 = arith.muli %scan3A_92, %mul3A_151 : i32
        %add3A_153 = arith.addi %mul3A_152, %scan3A_149 : i32
        %broadcast_in_dim3A_154 = vector.broadcast %add3A_153 : i32 to vector<16xi32>
        %gather3A = tpu.vector_load_idx %arg12[%broadcast_in_dim3A_154] : memref<640xf32, #tpu.memory_space<vmem>>[vector<16xi32>], vector<16xf32>,
        %get3A = arith.index_cast %scan3A_149 : i32 to index
        %get3A_155 = arith.constant 0 : index
        %get3A_156 = tpu.vector_load %arg13[%get3A, %get3A_155] {strides = array<i32>} : memref<256x128xf32, #tpu.memory_space<vmem>>, vector<16xf32>,
        %mul3A_157 = arith.mulf %get3A_156, %gather3A : vector<16xf32>
        %swap3A = arith.index_cast %scan3A_149 : i32 to index
        %swap3A_158 = arith.constant 0 : index
        %swap3A_159 = tpu.vector_load %arg13[%swap3A, %swap3A_158] {strides = array<i32>} : memref<256x128xf32, #tpu.memory_space<vmem>>, vector<16xf32>,
        tpu.vector_store %arg13[%swap3A, %swap3A_158], %mul3A_157 {strides = array<i32>} : memref<256x128xf32, #tpu.memory_space<vmem>>, vector<16xf32>,
        %get3A_160 = arith.index_cast %scan3A_149 : i32 to index
        %get3A_161 = arith.constant 16 : index
        %get3A_162 = tpu.vector_load %arg13[%get3A_160, %get3A_161] {strides = array<i32>} : memref<256x128xf32, #tpu.memory_space<vmem>>, vector<16xf32>,
        %mul3A_163 = arith.mulf %get3A_162, %gather3A : vector<16xf32>
        %swap3A_164 = arith.index_cast %scan3A_149 : i32 to index
        %swap3A_165 = arith.constant 16 : index
        %swap3A_166 = tpu.vector_load %arg13[%swap3A_164, %swap3A_165] {strides = array<i32>} : memref<256x128xf32, #tpu.memory_space<vmem>>, vector<16xf32>,
        tpu.vector_store %arg13[%swap3A_164, %swap3A_165], %mul3A_163 {strides = array<i32>} : memref<256x128xf32, #tpu.memory_space<vmem>>, vector<16xf32>,
        %get3A_167 = arith.index_cast %scan3A_149 : i32 to index
        %get3A_168 = arith.constant 32 : index
        %get3A_169 = tpu.vector_load %arg13[%get3A_167, %get3A_168] {strides = array<i32>} : memref<256x128xf32, #tpu.memory_space<vmem>>, vector<16xf32>,
        %mul3A_170 = arith.mulf %get3A_169, %gather3A : vector<16xf32>
        %swap3A_171 = arith.index_cast %scan3A_149 : i32 to index
        %swap3A_172 = arith.constant 32 : index
        %swap3A_173 = tpu.vector_load %arg13[%swap3A_171, %swap3A_172] {strides = array<i32>} : memref<256x128xf32, #tpu.memory_space<vmem>>, vector<16xf32>,
        tpu.vector_store %arg13[%swap3A_171, %swap3A_172], %mul3A_170 {strides = array<i32>} : memref<256x128xf32, #tpu.memory_space<vmem>>, vector<16xf32>,
        %get3A_174 = arith.index_cast %scan3A_149 : i32 to index
        %get3A_175 = arith.constant 48 : index
        %get3A_176 = tpu.vector_load %arg13[%get3A_174, %get3A_175] {strides = array<i32>} : memref<256x128xf32, #tpu.memory_space<vmem>>, vector<16xf32>,
        %mul3A_177 = arith.mulf %get3A_176, %gather3A : vector<16xf32>
        %swap3A_178 = arith.index_cast %scan3A_149 : i32 to index
        %swap3A_179 = arith.constant 48 : index
        %swap3A_180 = tpu.vector_load %arg13[%swap3A_178, %swap3A_179] {strides = array<i32>} : memref<256x128xf32, #tpu.memory_space<vmem>>, vector<16xf32>,
        tpu.vector_store %arg13[%swap3A_178, %swap3A_179], %mul3A_177 {strides = array<i32>} : memref<256x128xf32, #tpu.memory_space<vmem>>, vector<16xf32>,
        %get3A_181 = arith.index_cast %scan3A_149 : i32 to index
        %get3A_182 = arith.constant 64 : index
        %get3A_183 = tpu.vector_load %arg13[%get3A_181, %get3A_182] {strides = array<i32>} : memref<256x128xf32, #tpu.memory_space<vmem>>, vector<16xf32>,
        %mul3A_184 = arith.mulf %get3A_183, %gather3A : vector<16xf32>
        %swap3A_185 = arith.index_cast %scan3A_149 : i32 to index
        %swap3A_186 = arith.constant 64 : index
        %swap3A_187 = tpu.vector_load %arg13[%swap3A_185, %swap3A_186] {strides = array<i32>} : memref<256x128xf32, #tpu.memory_space<vmem>>, vector<16xf32>,
        tpu.vector_store %arg13[%swap3A_185, %swap3A_186], %mul3A_184 {strides = array<i32>} : memref<256x128xf32, #tpu.memory_space<vmem>>, vector<16xf32>,
        %get3A_188 = arith.index_cast %scan3A_149 : i32 to index
        %get3A_189 = arith.constant 80 : index
        %get3A_190 = tpu.vector_load %arg13[%get3A_188, %get3A_189] {strides = array<i32>} : memref<256x128xf32, #tpu.memory_space<vmem>>, vector<16xf32>,
        %mul3A_191 = arith.mulf %get3A_190, %gather3A : vector<16xf32>
        %swap3A_192 = arith.index_cast %scan3A_149 : i32 to index
        %swap3A_193 = arith.constant 80 : index
        %swap3A_194 = tpu.vector_load %arg13[%swap3A_192, %swap3A_193] {strides = array<i32>} : memref<256x128xf32, #tpu.memory_space<vmem>>, vector<16xf32>,
        tpu.vector_store %arg13[%swap3A_192, %swap3A_193], %mul3A_191 {strides = array<i32>} : memref<256x128xf32, #tpu.memory_space<vmem>>, vector<16xf32>,
        %get3A_195 = arith.index_cast %scan3A_149 : i32 to index
        %get3A_196 = arith.constant 96 : index
        %get3A_197 = tpu.vector_load %arg13[%get3A_195, %get3A_196] {strides = array<i32>} : memref<256x128xf32, #tpu.memory_space<vmem>>, vector<16xf32>,
        %mul3A_198 = arith.mulf %get3A_197, %gather3A : vector<16xf32>
        %swap3A_199 = arith.index_cast %scan3A_149 : i32 to index
        %swap3A_200 = arith.constant 96 : index
        %swap3A_201 = tpu.vector_load %arg13[%swap3A_199, %swap3A_200] {strides = array<i32>} : memref<256x128xf32, #tpu.memory_space<vmem>>, vector<16xf32>,
        tpu.vector_store %arg13[%swap3A_199, %swap3A_200], %mul3A_198 {strides = array<i32>} : memref<256x128xf32, #tpu.memory_space<vmem>>, vector<16xf32>,
        %get3A_202 = arith.index_cast %scan3A_149 : i32 to index
        %get3A_203 = arith.constant 112 : index
        %get3A_204 = tpu.vector_load %arg13[%get3A_202, %get3A_203] {strides = array<i32>} : memref<256x128xf32, #tpu.memory_space<vmem>>, vector<16xf32>,
        %mul3A_205 = arith.mulf %get3A_204, %gather3A : vector<16xf32>
        %swap3A_206 = arith.index_cast %scan3A_149 : i32 to index
        %swap3A_207 = arith.constant 112 : index
        %swap3A_208 = tpu.vector_load %arg13[%swap3A_206, %swap3A_207] {strides = array<i32>} : memref<256x128xf32, #tpu.memory_space<vmem>>, vector<16xf32>,
        tpu.vector_store %arg13[%swap3A_206, %swap3A_207], %mul3A_205 {strides = array<i32>} : memref<256x128xf32, #tpu.memory_space<vmem>>, vector<16xf32>,
        %scan3A_209 = arith.constant 0 : i32
        scf.yield %scan3A_209 : i32
      }
      %scan3A_103 = arith.constant 128 : i32
      %mul3A_104 = arith.constant 128 : i32
      %mul3A_105 = arith.muli %scan3A_92, %mul3A_104 : i32
      %add3A_106 = arith.addi %add3A, %mul3A_105 : i32
      %dma_start3A = arith.constant 0 : i32
      %dma_start3A_107 = arith.constant 0 : i32
      %dma_start3A_108 = tpu.memref_slice %arg13[%dma_start3A, %dma_start3A_107] : memref<256x128xf32, #tpu.memory_space<vmem>> -> memref<128x128xf32, #tpu.memory_space<vmem>>
      %dma_start3A_109 = arith.constant 0 : i32
      %dma_start3A_110 = tpu.memref_slice %arg7[%add3A_106, %dma_start3A_109] : memref<20480x128xf32, #tpu.memory_space<hbm>> -> memref<128x128xf32, #tpu.memory_space<hbm>>
      %dma_start3A_111 = arith.constant 0 : i32
      %dma_start3A_112 = tpu.memref_slice %arg7[%add3A_106, %dma_start3A_111] : memref<20480x128xf32, #tpu.memory_space<hbm>> -> memref<128x128xf32, #tpu.memory_space<hbm>>
      %dma_start3A_113 = arith.constant 0 : i32
      %dma_start3A_114 = arith.constant 0 : i32
      %dma_start3A_115 = tpu.memref_slice %arg13[%dma_start3A_113, %dma_start3A_114] : memref<256x128xf32, #tpu.memory_space<vmem>> -> memref<128x128xf32, #tpu.memory_space<vmem>>
      tpu.enqueue_dma source(%dma_start3A_115 : memref<128x128xf32, #tpu.memory_space<vmem>>) target(%dma_start3A_112 : memref<128x128xf32, #tpu.memory_space<hbm>>) target_semaphore(%arg23 : memref<!tpu.dma_semaphore, #tpu.memory_space<semaphore_mem>>)
      %mul3A_116 = arith.constant 128 : i32
      %mul3A_117 = arith.muli %scan3A_92, %mul3A_116 : i32
      %add3A_118 = arith.addi %mul3A_4, %mul3A_117 : i32
      %dma_start3A_119 = arith.constant 0 : i32
      %dma_start3A_120 = arith.constant 0 : i32
      %dma_start3A_121 = tpu.memref_slice %arg13[%dma_start3A_119, %dma_start3A_120] : memref<256x128xf32, #tpu.memory_space<vmem>> -> memref<128x128xf32, #tpu.memory_space<vmem>>
      %dma_start3A_122 = arith.constant 0 : i32
      %dma_start3A_123 = tpu.memref_slice %arg20[%add3A_118, %dma_start3A_122] : memref<10240x128xf32, #tpu.memory_space<vmem_shared>> -> memref<128x128xf32, #tpu.memory_space<vmem_shared>>
      %dma_start3A_124 = arith.constant 0 : i32
      %dma_start3A_125 = tpu.memref_slice %arg20[%add3A_118, %dma_start3A_124] : memref<10240x128xf32, #tpu.memory_space<vmem_shared>> -> memref<128x128xf32, #tpu.memory_space<vmem_shared>>
      %dma_start3A_126 = arith.constant 0 : i32
      %dma_start3A_127 = arith.constant 0 : i32
      %dma_start3A_128 = tpu.memref_slice %arg13[%dma_start3A_126, %dma_start3A_127] : memref<256x128xf32, #tpu.memory_space<vmem>> -> memref<128x128xf32, #tpu.memory_space<vmem>>
      tpu.enqueue_dma source(%dma_start3A_128 : memref<128x128xf32, #tpu.memory_space<vmem>>) target(%dma_start3A_125 : memref<128x128xf32, #tpu.memory_space<vmem_shared>>) target_semaphore(%arg24 : memref<!tpu.dma_semaphore, #tpu.memory_space<semaphore_mem>>)
      %dma_wait3A = arith.constant 0 : i32
      %dma_wait3A_129 = arith.constant 0 : i32
      %dma_wait3A_130 = tpu.memref_slice %arg13[%dma_wait3A, %dma_wait3A_129] : memref<256x128xf32, #tpu.memory_space<vmem>> -> memref<128x128xf32, #tpu.memory_space<vmem>>
      %dma_wait3A_131 = arith.constant 0 : i32
      %dma_wait3A_132 = tpu.memref_slice %arg7[%add3A_106, %dma_wait3A_131] : memref<20480x128xf32, #tpu.memory_space<hbm>> -> memref<128x128xf32, #tpu.memory_space<hbm>>
      %dma_wait3A_133 = arith.constant 0 : i32
      %dma_wait3A_134 = tpu.memref_slice %arg7[%add3A_106, %dma_wait3A_133] : memref<20480x128xf32, #tpu.memory_space<hbm>> -> memref<128x128xf32, #tpu.memory_space<hbm>>
      %dma_wait3A_135 = arith.constant 0 : i32
      %dma_wait3A_136 = arith.constant 0 : i32
      %dma_wait3A_137 = tpu.memref_slice %arg13[%dma_wait3A_135, %dma_wait3A_136] : memref<256x128xf32, #tpu.memory_space<vmem>> -> memref<128x128xf32, #tpu.memory_space<vmem>>
      tpu.wait_dma2 semaphore(%arg23 : memref<!tpu.dma_semaphore, #tpu.memory_space<semaphore_mem>>) src(%dma_wait3A_137 : memref<128x128xf32, #tpu.memory_space<vmem>>) dst(%dma_wait3A_134 : memref<128x128xf32, #tpu.memory_space<hbm>>)
      %dma_wait3A_138 = arith.constant 0 : i32
      %dma_wait3A_139 = arith.constant 0 : i32
      %dma_wait3A_140 = tpu.memref_slice %arg13[%dma_wait3A_138, %dma_wait3A_139] : memref<256x128xf32, #tpu.memory_space<vmem>> -> memref<128x128xf32, #tpu.memory_space<vmem>>
      %dma_wait3A_141 = arith.constant 0 : i32
      %dma_wait3A_142 = tpu.memref_slice %arg20[%add3A_118, %dma_wait3A_141] : memref<10240x128xf32, #tpu.memory_space<vmem_shared>> -> memref<128x128xf32, #tpu.memory_space<vmem_shared>>
      %dma_wait3A_143 = arith.constant 0 : i32
      %dma_wait3A_144 = tpu.memref_slice %arg20[%add3A_118, %dma_wait3A_143] : memref<10240x128xf32, #tpu.memory_space<vmem_shared>> -> memref<128x128xf32, #tpu.memory_space<vmem_shared>>
      %dma_wait3A_145 = arith.constant 0 : i32
      %dma_wait3A_146 = arith.constant 0 : i32
      %dma_wait3A_147 = tpu.memref_slice %arg13[%dma_wait3A_145, %dma_wait3A_146] : memref<256x128xf32, #tpu.memory_space<vmem>> -> memref<128x128xf32, #tpu.memory_space<vmem>>
      tpu.wait_dma2 semaphore(%arg24 : memref<!tpu.dma_semaphore, #tpu.memory_space<semaphore_mem>>) src(%dma_wait3A_147 : memref<128x128xf32, #tpu.memory_space<vmem>>) dst(%dma_wait3A_144 : memref<128x128xf32, #tpu.memory_space<vmem_shared>>)
      %scan3A_148 = arith.constant 0 : i32
      scf.yield %scan3A_148 : i32
    }
    %scan3A_67 = arith.constant 5 : i32
    %barrier3A_68 = arith.constant 0 : index
    tpu.barrier barrier_id(%barrier3A_68)
    %scan3A_69 = arith.constant 0 : i32
    %scan3A_70 = arith.constant 0 : i32
    %scan3A_71 = arith.constant 5 : i32
    %scan3A_72 = arith.addi %scan3A_70, %scan3A_71 : i32
    %scan3A_73 = arith.constant 1 : i32
    %scan3A_74 = scf.for %scan3A_92 = %scan3A_70 to %scan3A_72 step %scan3A_73 iter_args(%scan3A_93 = %scan3A_69) -> (i32)  : i32 {
      %mul3A_94 = arith.constant 32 : i32
      %mul3A_95 = arith.muli %scan3A_92, %mul3A_94 : i32
      "tpu.region"() ({
        %run_scoped3A = tpu.sem_alloc : memref<!tpu.dma_semaphore, #tpu.memory_space<semaphore_mem>>
        %dma_start3A_184 = arith.constant 0 : i32
        %dma_start3A_185 = tpu.memref_slice %arg3[%arg0, %arg1, %mul3A_95, %dma_start3A_184] : memref<2x16x160x128xi32, #tpu.memory_space<hbm>> -> memref<1x1x32x128xi32, #tpu.memory_space<hbm>>
        %dma_start3A_186 = tpu.memref_squeeze %dma_start3A_185 : memref<1x1x32x128xi32, #tpu.memory_space<hbm>> -> memref<32x128xi32, #tpu.memory_space<hbm>>
        %dma_start3A_187 = arith.constant 0 : i32
        %dma_start3A_188 = tpu.memref_slice %arg3[%arg0, %arg1, %mul3A_95, %dma_start3A_187] : memref<2x16x160x128xi32, #tpu.memory_space<hbm>> -> memref<1x1x32x128xi32, #tpu.memory_space<hbm>>
        %dma_start3A_189 = tpu.memref_squeeze %dma_start3A_188 : memref<1x1x32x128xi32, #tpu.memory_space<hbm>> -> memref<32x128xi32, #tpu.memory_space<hbm>>
        tpu.enqueue_dma source(%dma_start3A_189 : memref<32x128xi32, #tpu.memory_space<hbm>>) target(%arg9 : memref<32x128xi32, #tpu.memory_space<vmem>>) target_semaphore(%run_scoped3A : memref<!tpu.dma_semaphore, #tpu.memory_space<semaphore_mem>>)
        %dma_wait3A_190 = arith.constant 0 : i32
        %dma_wait3A_191 = tpu.memref_slice %arg3[%arg0, %arg1, %mul3A_95, %dma_wait3A_190] : memref<2x16x160x128xi32, #tpu.memory_space<hbm>> -> memref<1x1x32x128xi32, #tpu.memory_space<hbm>>
        %dma_wait3A_192 = tpu.memref_squeeze %dma_wait3A_191 : memref<1x1x32x128xi32, #tpu.memory_space<hbm>> -> memref<32x128xi32, #tpu.memory_space<hbm>>
        %dma_wait3A_193 = arith.constant 0 : i32
        %dma_wait3A_194 = tpu.memref_slice %arg3[%arg0, %arg1, %mul3A_95, %dma_wait3A_193] : memref<2x16x160x128xi32, #tpu.memory_space<hbm>> -> memref<1x1x32x128xi32, #tpu.memory_space<hbm>>
        %dma_wait3A_195 = tpu.memref_squeeze %dma_wait3A_194 : memref<1x1x32x128xi32, #tpu.memory_space<hbm>> -> memref<32x128xi32, #tpu.memory_space<hbm>>
        tpu.wait_dma2 semaphore(%run_scoped3A : memref<!tpu.dma_semaphore, #tpu.memory_space<semaphore_mem>>) src(%dma_wait3A_195 : memref<32x128xi32, #tpu.memory_space<hbm>>) dst(%arg9 : memref<32x128xi32, #tpu.memory_space<vmem>>)
        tpu.yield
      }) : () -> ()
      %mul3A_96 = arith.constant 32 : i32
      %mul3A_97 = arith.muli %scan3A_92, %mul3A_96 : i32
      "tpu.region"() ({
        %run_scoped3A = tpu.sem_alloc : memref<!tpu.dma_semaphore, #tpu.memory_space<semaphore_mem>>
        %dma_start3A_184 = arith.constant 0 : i32
        %dma_start3A_185 = tpu.memref_slice %arg4[%arg0, %arg1, %mul3A_97, %dma_start3A_184] : memref<2x16x160x128xi32, #tpu.memory_space<hbm>> -> memref<1x1x32x128xi32, #tpu.memory_space<hbm>>
        %dma_start3A_186 = tpu.memref_squeeze %dma_start3A_185 : memref<1x1x32x128xi32, #tpu.memory_space<hbm>> -> memref<32x128xi32, #tpu.memory_space<hbm>>
        %dma_start3A_187 = arith.constant 0 : i32
        %dma_start3A_188 = tpu.memref_slice %arg4[%arg0, %arg1, %mul3A_97, %dma_start3A_187] : memref<2x16x160x128xi32, #tpu.memory_space<hbm>> -> memref<1x1x32x128xi32, #tpu.memory_space<hbm>>
        %dma_start3A_189 = tpu.memref_squeeze %dma_start3A_188 : memref<1x1x32x128xi32, #tpu.memory_space<hbm>> -> memref<32x128xi32, #tpu.memory_space<hbm>>
        tpu.enqueue_dma source(%dma_start3A_189 : memref<32x128xi32, #tpu.memory_space<hbm>>) target(%arg10 : memref<32x128xi32, #tpu.memory_space<vmem>>) target_semaphore(%run_scoped3A : memref<!tpu.dma_semaphore, #tpu.memory_space<semaphore_mem>>)
        %dma_wait3A_190 = arith.constant 0 : i32
        %dma_wait3A_191 = tpu.memref_slice %arg4[%arg0, %arg1, %mul3A_97, %dma_wait3A_190] : memref<2x16x160x128xi32, #tpu.memory_space<hbm>> -> memref<1x1x32x128xi32, #tpu.memory_space<hbm>>
        %dma_wait3A_192 = tpu.memref_squeeze %dma_wait3A_191 : memref<1x1x32x128xi32, #tpu.memory_space<hbm>> -> memref<32x128xi32, #tpu.memory_space<hbm>>
        %dma_wait3A_193 = arith.constant 0 : i32
        %dma_wait3A_194 = tpu.memref_slice %arg4[%arg0, %arg1, %mul3A_97, %dma_wait3A_193] : memref<2x16x160x128xi32, #tpu.memory_space<hbm>> -> memref<1x1x32x128xi32, #tpu.memory_space<hbm>>
        %dma_wait3A_195 = tpu.memref_squeeze %dma_wait3A_194 : memref<1x1x32x128xi32, #tpu.memory_space<hbm>> -> memref<32x128xi32, #tpu.memory_space<hbm>>
        tpu.wait_dma2 semaphore(%run_scoped3A : memref<!tpu.dma_semaphore, #tpu.memory_space<semaphore_mem>>) src(%dma_wait3A_195 : memref<32x128xi32, #tpu.memory_space<hbm>>) dst(%arg10 : memref<32x128xi32, #tpu.memory_space<vmem>>)
        tpu.yield
      }) : () -> ()
      %dma_start3A = arith.constant 0 : i32
      %dma_start3A_98 = arith.constant 0 : i32
      %dma_start3A_99 = arith.constant 0 : i32
      %dma_start3A_100 = tpu.memref_slice %arg13[%dma_start3A_98, %dma_start3A_99] : memref<256x128xf32, #tpu.memory_space<vmem>> -> memref<128x128xf32, #tpu.memory_space<vmem>>
      %dma_start3A_101 = arith.constant 0 : i32
      %dma_start3A_102 = tpu.memref_slice %arg9[%dma_start3A, %dma_start3A_101] : memref<32x128xi32, #tpu.memory_space<vmem>> -> memref<1x128xi32, #tpu.memory_space<vmem>>
      %dma_start3A_103 = tpu.memref_squeeze %dma_start3A_102 : memref<1x128xi32, #tpu.memory_space<vmem>> -> memref<128xi32, #tpu.memory_space<vmem>>
      %dma_start3A_104 = arith.constant 0 : i32
      %dma_start3A_105 = arith.constant 0 : i32
      %dma_start3A_106 = tpu.memref_slice %arg7[%dma_start3A_104, %dma_start3A_105] : memref<20480x128xf32, #tpu.memory_space<hbm>> -> memref<20480x128xf32, #tpu.memory_space<hbm>>
      tpu.enqueue_indirect_dma source(%dma_start3A_106 : memref<20480x128xf32, #tpu.memory_space<hbm>>) target(%dma_start3A_100 : memref<128x128xf32, #tpu.memory_space<vmem>>) offsets(%dma_start3A_103 : memref<128xi32, #tpu.memory_space<vmem>>) semaphore(%arg23 : memref<!tpu.dma_semaphore, #tpu.memory_space<semaphore_mem>>)
      %dma_wait3A = arith.constant 0 : i32
      %dma_wait3A_107 = arith.constant 0 : i32
      %dma_wait3A_108 = arith.constant 0 : i32
      %dma_wait3A_109 = tpu.memref_slice %arg13[%dma_wait3A_107, %dma_wait3A_108] : memref<256x128xf32, #tpu.memory_space<vmem>> -> memref<128x128xf32, #tpu.memory_space<vmem>>
      %dma_wait3A_110 = arith.constant 0 : i32
      %dma_wait3A_111 = tpu.memref_slice %arg9[%dma_wait3A, %dma_wait3A_110] : memref<32x128xi32, #tpu.memory_space<vmem>> -> memref<1x128xi32, #tpu.memory_space<vmem>>
      %dma_wait3A_112 = tpu.memref_squeeze %dma_wait3A_111 : memref<1x128xi32, #tpu.memory_space<vmem>> -> memref<128xi32, #tpu.memory_space<vmem>>
      %dma_wait3A_113 = arith.constant 0 : i32
      %dma_wait3A_114 = arith.constant 0 : i32
      %dma_wait3A_115 = tpu.memref_slice %arg7[%dma_wait3A_113, %dma_wait3A_114] : memref<20480x128xf32, #tpu.memory_space<hbm>> -> memref<20480x128xf32, #tpu.memory_space<hbm>>
      tpu.wait_indirect_dma semaphore(%arg23 : memref<!tpu.dma_semaphore, #tpu.memory_space<semaphore_mem>>) src(%dma_wait3A_115 : memref<20480x128xf32, #tpu.memory_space<hbm>>) dst(%dma_wait3A_109 : memref<128x128xf32, #tpu.memory_space<vmem>>)
      %dma_start3A_116 = arith.constant 1 : i32
      %dma_start3A_117 = arith.constant 128 : i32
      %dma_start3A_118 = arith.constant 0 : i32
      %dma_start3A_119 = tpu.memref_slice %arg13[%dma_start3A_117, %dma_start3A_118] : memref<256x128xf32, #tpu.memory_space<vmem>> -> memref<128x128xf32, #tpu.memory_space<vmem>>
      %dma_start3A_120 = arith.constant 0 : i32
      %dma_start3A_121 = tpu.memref_slice %arg9[%dma_start3A_116, %dma_start3A_120] : memref<32x128xi32, #tpu.memory_space<vmem>> -> memref<1x128xi32, #tpu.memory_space<vmem>>
      %dma_start3A_122 = tpu.memref_squeeze %dma_start3A_121 : memref<1x128xi32, #tpu.memory_space<vmem>> -> memref<128xi32, #tpu.memory_space<vmem>>
      %dma_start3A_123 = arith.constant 0 : i32
      %dma_start3A_124 = arith.constant 0 : i32
      %dma_start3A_125 = tpu.memref_slice %arg7[%dma_start3A_123, %dma_start3A_124] : memref<20480x128xf32, #tpu.memory_space<hbm>> -> memref<20480x128xf32, #tpu.memory_space<hbm>>
      tpu.enqueue_indirect_dma source(%dma_start3A_125 : memref<20480x128xf32, #tpu.memory_space<hbm>>) target(%dma_start3A_119 : memref<128x128xf32, #tpu.memory_space<vmem>>) offsets(%dma_start3A_122 : memref<128xi32, #tpu.memory_space<vmem>>) semaphore(%arg23 : memref<!tpu.dma_semaphore, #tpu.memory_space<semaphore_mem>>)
      %dma_start3A_126 = arith.constant 0 : i32
      %dma_start3A_127 = arith.constant 0 : i32
      %dma_start3A_128 = arith.constant 0 : i32
      %dma_start3A_129 = tpu.memref_slice %arg13[%dma_start3A_127, %dma_start3A_128] : memref<256x128xf32, #tpu.memory_space<vmem>> -> memref<128x128xf32, #tpu.memory_space<vmem>>
      %dma_start3A_130 = arith.constant 0 : i32
      %dma_start3A_131 = tpu.memref_slice %arg10[%dma_start3A_126, %dma_start3A_130] : memref<32x128xi32, #tpu.memory_space<vmem>> -> memref<1x128xi32, #tpu.memory_space<vmem>>
      %dma_start3A_132 = tpu.memref_squeeze %dma_start3A_131 : memref<1x128xi32, #tpu.memory_space<vmem>> -> memref<128xi32, #tpu.memory_space<vmem>>
      %dma_start3A_133 = arith.constant 0 : i32
      %dma_start3A_134 = arith.constant 0 : i32
      %dma_start3A_135 = tpu.memref_slice %arg20[%dma_start3A_133, %dma_start3A_134] : memref<10240x128xf32, #tpu.memory_space<vmem_shared>> -> memref<10240x128xf32, #tpu.memory_space<vmem_shared>>
      tpu.enqueue_indirect_dma source(%dma_start3A_129 : memref<128x128xf32, #tpu.memory_space<vmem>>) target(%dma_start3A_135 : memref<10240x128xf32, #tpu.memory_space<vmem_shared>>) offsets(%dma_start3A_132 : memref<128xi32, #tpu.memory_space<vmem>>) semaphore(%arg24 : memref<!tpu.dma_semaphore, #tpu.memory_space<semaphore_mem>>) {add = true}
      %dma_wait3A_136 = arith.constant 1 : i32
      %dma_wait3A_137 = arith.constant 128 : i32
      %dma_wait3A_138 = arith.constant 0 : i32
      %dma_wait3A_139 = tpu.memref_slice %arg13[%dma_wait3A_137, %dma_wait3A_138] : memref<256x128xf32, #tpu.memory_space<vmem>> -> memref<128x128xf32, #tpu.memory_space<vmem>>
      %dma_wait3A_140 = arith.constant 0 : i32
      %dma_wait3A_141 = tpu.memref_slice %arg9[%dma_wait3A_136, %dma_wait3A_140] : memref<32x128xi32, #tpu.memory_space<vmem>> -> memref<1x128xi32, #tpu.memory_space<vmem>>
      %dma_wait3A_142 = tpu.memref_squeeze %dma_wait3A_141 : memref<1x128xi32, #tpu.memory_space<vmem>> -> memref<128xi32, #tpu.memory_space<vmem>>
      %dma_wait3A_143 = arith.constant 0 : i32
      %dma_wait3A_144 = arith.constant 0 : i32
      %dma_wait3A_145 = tpu.memref_slice %arg7[%dma_wait3A_143, %dma_wait3A_144] : memref<20480x128xf32, #tpu.memory_space<hbm>> -> memref<20480x128xf32, #tpu.memory_space<hbm>>
      tpu.wait_indirect_dma semaphore(%arg23 : memref<!tpu.dma_semaphore, #tpu.memory_space<semaphore_mem>>) src(%dma_wait3A_145 : memref<20480x128xf32, #tpu.memory_space<hbm>>) dst(%dma_wait3A_139 : memref<128x128xf32, #tpu.memory_space<vmem>>)
      %dma_wait3A_146 = arith.constant 0 : i32
      %dma_wait3A_147 = arith.constant 0 : i32
      %dma_wait3A_148 = arith.constant 0 : i32
      %dma_wait3A_149 = tpu.memref_slice %arg13[%dma_wait3A_147, %dma_wait3A_148] : memref<256x128xf32, #tpu.memory_space<vmem>> -> memref<128x128xf32, #tpu.memory_space<vmem>>
      %dma_wait3A_150 = arith.constant 0 : i32
      %dma_wait3A_151 = tpu.memref_slice %arg10[%dma_wait3A_146, %dma_wait3A_150] : memref<32x128xi32, #tpu.memory_space<vmem>> -> memref<1x128xi32, #tpu.memory_space<vmem>>
      %dma_wait3A_152 = tpu.memref_squeeze %dma_wait3A_151 : memref<1x128xi32, #tpu.memory_space<vmem>> -> memref<128xi32, #tpu.memory_space<vmem>>
      %dma_wait3A_153 = arith.constant 0 : i32
      %dma_wait3A_154 = arith.constant 0 : i32
      %dma_wait3A_155 = tpu.memref_slice %arg20[%dma_wait3A_153, %dma_wait3A_154] : memref<10240x128xf32, #tpu.memory_space<vmem_shared>> -> memref<10240x128xf32, #tpu.memory_space<vmem_shared>>
      tpu.wait_indirect_dma semaphore(%arg24 : memref<!tpu.dma_semaphore, #tpu.memory_space<semaphore_mem>>) src(%dma_wait3A_149 : memref<128x128xf32, #tpu.memory_space<vmem>>) dst(%dma_wait3A_155 : memref<10240x128xf32, #tpu.memory_space<vmem_shared>>)
      %scan3A_156 = arith.constant 0 : i32
      %scan3A_157 = arith.constant 1 : i32
      %scan3A_158 = arith.constant 15 : i32
      %scan3A_159 = arith.addi %scan3A_157, %scan3A_158 : i32
      %scan3A_160 = arith.constant 1 : i32
      %scan3A_161 = scf.for %scan3A_184 = %scan3A_157 to %scan3A_159 step %scan3A_160 iter_args(%scan3A_185 = %scan3A_156) -> (i32)  : i32 {
        %mul3A_186 = arith.constant 2 : i32
        %mul3A_187 = arith.muli %mul3A_186, %scan3A_184 : i32
        %dma_start3A_188 = arith.constant 0 : i32
        %dma_start3A_189 = arith.constant 0 : i32
        %dma_start3A_190 = tpu.memref_slice %arg13[%dma_start3A_188, %dma_start3A_189] : memref<256x128xf32, #tpu.memory_space<vmem>> -> memref<128x128xf32, #tpu.memory_space<vmem>>
        %dma_start3A_191 = arith.constant 0 : i32
        %dma_start3A_192 = tpu.memref_slice %arg9[%mul3A_187, %dma_start3A_191] : memref<32x128xi32, #tpu.memory_space<vmem>> -> memref<1x128xi32, #tpu.memory_space<vmem>>
        %dma_start3A_193 = tpu.memref_squeeze %dma_start3A_192 : memref<1x128xi32, #tpu.memory_space<vmem>> -> memref<128xi32, #tpu.memory_space<vmem>>
        %dma_start3A_194 = arith.constant 0 : i32
        %dma_start3A_195 = arith.constant 0 : i32
        %dma_start3A_196 = tpu.memref_slice %arg7[%dma_start3A_194, %dma_start3A_195] : memref<20480x128xf32, #tpu.memory_space<hbm>> -> memref<20480x128xf32, #tpu.memory_space<hbm>>
        tpu.enqueue_indirect_dma source(%dma_start3A_196 : memref<20480x128xf32, #tpu.memory_space<hbm>>) target(%dma_start3A_190 : memref<128x128xf32, #tpu.memory_space<vmem>>) offsets(%dma_start3A_193 : memref<128xi32, #tpu.memory_space<vmem>>) semaphore(%arg23 : memref<!tpu.dma_semaphore, #tpu.memory_space<semaphore_mem>>)
        %mul3A_197 = arith.constant 2 : i32
        %mul3A_198 = arith.muli %mul3A_197, %scan3A_184 : i32
        %sub3A = arith.constant 1 : i32
        %sub3A_199 = arith.subi %mul3A_198, %sub3A : i32
        %dma_start3A_200 = arith.constant 128 : i32
        %dma_start3A_201 = arith.constant 0 : i32
        %dma_start3A_202 = tpu.memref_slice %arg13[%dma_start3A_200, %dma_start3A_201] : memref<256x128xf32, #tpu.memory_space<vmem>> -> memref<128x128xf32, #tpu.memory_space<vmem>>
        %dma_start3A_203 = arith.constant 0 : i32
        %dma_start3A_204 = tpu.memref_slice %arg10[%sub3A_199, %dma_start3A_203] : memref<32x128xi32, #tpu.memory_space<vmem>> -> memref<1x128xi32, #tpu.memory_space<vmem>>
        %dma_start3A_205 = tpu.memref_squeeze %dma_start3A_204 : memref<1x128xi32, #tpu.memory_space<vmem>> -> memref<128xi32, #tpu.memory_space<vmem>>
        %dma_start3A_206 = arith.constant 0 : i32
        %dma_start3A_207 = arith.constant 0 : i32
        %dma_start3A_208 = tpu.memref_slice %arg20[%dma_start3A_206, %dma_start3A_207] : memref<10240x128xf32, #tpu.memory_space<vmem_shared>> -> memref<10240x128xf32, #tpu.memory_space<vmem_shared>>
        tpu.enqueue_indirect_dma source(%dma_start3A_202 : memref<128x128xf32, #tpu.memory_space<vmem>>) target(%dma_start3A_208 : memref<10240x128xf32, #tpu.memory_space<vmem_shared>>) offsets(%dma_start3A_205 : memref<128xi32, #tpu.memory_space<vmem>>) semaphore(%arg24 : memref<!tpu.dma_semaphore, #tpu.memory_space<semaphore_mem>>) {add = true}
        %dma_wait3A_209 = arith.constant 0 : i32
        %dma_wait3A_210 = arith.constant 0 : i32
        %dma_wait3A_211 = tpu.memref_slice %arg13[%dma_wait3A_209, %dma_wait3A_210] : memref<256x128xf32, #tpu.memory_space<vmem>> -> memref<128x128xf32, #tpu.memory_space<vmem>>
        %dma_wait3A_212 = arith.constant 0 : i32
        %dma_wait3A_213 = tpu.memref_slice %arg9[%mul3A_187, %dma_wait3A_212] : memref<32x128xi32, #tpu.memory_space<vmem>> -> memref<1x128xi32, #tpu.memory_space<vmem>>
        %dma_wait3A_214 = tpu.memref_squeeze %dma_wait3A_213 : memref<1x128xi32, #tpu.memory_space<vmem>> -> memref<128xi32, #tpu.memory_space<vmem>>
        %dma_wait3A_215 = arith.constant 0 : i32
        %dma_wait3A_216 = arith.constant 0 : i32
        %dma_wait3A_217 = tpu.memref_slice %arg7[%dma_wait3A_215, %dma_wait3A_216] : memref<20480x128xf32, #tpu.memory_space<hbm>> -> memref<20480x128xf32, #tpu.memory_space<hbm>>
        tpu.wait_indirect_dma semaphore(%arg23 : memref<!tpu.dma_semaphore, #tpu.memory_space<semaphore_mem>>) src(%dma_wait3A_217 : memref<20480x128xf32, #tpu.memory_space<hbm>>) dst(%dma_wait3A_211 : memref<128x128xf32, #tpu.memory_space<vmem>>)
        %dma_wait3A_218 = arith.constant 128 : i32
        %dma_wait3A_219 = arith.constant 0 : i32
        %dma_wait3A_220 = tpu.memref_slice %arg13[%dma_wait3A_218, %dma_wait3A_219] : memref<256x128xf32, #tpu.memory_space<vmem>> -> memref<128x128xf32, #tpu.memory_space<vmem>>
        %dma_wait3A_221 = arith.constant 0 : i32
        %dma_wait3A_222 = tpu.memref_slice %arg10[%sub3A_199, %dma_wait3A_221] : memref<32x128xi32, #tpu.memory_space<vmem>> -> memref<1x128xi32, #tpu.memory_space<vmem>>
        %dma_wait3A_223 = tpu.memref_squeeze %dma_wait3A_222 : memref<1x128xi32, #tpu.memory_space<vmem>> -> memref<128xi32, #tpu.memory_space<vmem>>
        %dma_wait3A_224 = arith.constant 0 : i32
        %dma_wait3A_225 = arith.constant 0 : i32
        %dma_wait3A_226 = tpu.memref_slice %arg20[%dma_wait3A_224, %dma_wait3A_225] : memref<10240x128xf32, #tpu.memory_space<vmem_shared>> -> memref<10240x128xf32, #tpu.memory_space<vmem_shared>>
        tpu.wait_indirect_dma semaphore(%arg24 : memref<!tpu.dma_semaphore, #tpu.memory_space<semaphore_mem>>) src(%dma_wait3A_220 : memref<128x128xf32, #tpu.memory_space<vmem>>) dst(%dma_wait3A_226 : memref<10240x128xf32, #tpu.memory_space<vmem_shared>>)
        %mul3A_227 = arith.constant 2 : i32
        %mul3A_228 = arith.muli %mul3A_227, %scan3A_184 : i32
        %add3A_229 = arith.constant 1 : i32
        %add3A_230 = arith.addi %mul3A_228, %add3A_229 : i32
        %dma_start3A_231 = arith.constant 128 : i32
        %dma_start3A_232 = arith.constant 0 : i32
        %dma_start3A_233 = tpu.memref_slice %arg13[%dma_start3A_231, %dma_start3A_232] : memref<256x128xf32, #tpu.memory_space<vmem>> -> memref<128x128xf32, #tpu.memory_space<vmem>>
        %dma_start3A_234 = arith.constant 0 : i32
        %dma_start3A_235 = tpu.memref_slice %arg9[%add3A_230, %dma_start3A_234] : memref<32x128xi32, #tpu.memory_space<vmem>> -> memref<1x128xi32, #tpu.memory_space<vmem>>
        %dma_start3A_236 = tpu.memref_squeeze %dma_start3A_235 : memref<1x128xi32, #tpu.memory_space<vmem>> -> memref<128xi32, #tpu.memory_space<vmem>>
        %dma_start3A_237 = arith.constant 0 : i32
        %dma_start3A_238 = arith.constant 0 : i32
        %dma_start3A_239 = tpu.memref_slice %arg7[%dma_start3A_237, %dma_start3A_238] : memref<20480x128xf32, #tpu.memory_space<hbm>> -> memref<20480x128xf32, #tpu.memory_space<hbm>>
        tpu.enqueue_indirect_dma source(%dma_start3A_239 : memref<20480x128xf32, #tpu.memory_space<hbm>>) target(%dma_start3A_233 : memref<128x128xf32, #tpu.memory_space<vmem>>) offsets(%dma_start3A_236 : memref<128xi32, #tpu.memory_space<vmem>>) semaphore(%arg23 : memref<!tpu.dma_semaphore, #tpu.memory_space<semaphore_mem>>)
        %mul3A_240 = arith.constant 2 : i32
        %mul3A_241 = arith.muli %mul3A_240, %scan3A_184 : i32
        %dma_start3A_242 = arith.constant 0 : i32
        %dma_start3A_243 = arith.constant 0 : i32
        %dma_start3A_244 = tpu.memref_slice %arg13[%dma_start3A_242, %dma_start3A_243] : memref<256x128xf32, #tpu.memory_space<vmem>> -> memref<128x128xf32, #tpu.memory_space<vmem>>
        %dma_start3A_245 = arith.constant 0 : i32
        %dma_start3A_246 = tpu.memref_slice %arg10[%mul3A_241, %dma_start3A_245] : memref<32x128xi32, #tpu.memory_space<vmem>> -> memref<1x128xi32, #tpu.memory_space<vmem>>
        %dma_start3A_247 = tpu.memref_squeeze %dma_start3A_246 : memref<1x128xi32, #tpu.memory_space<vmem>> -> memref<128xi32, #tpu.memory_space<vmem>>
        %dma_start3A_248 = arith.constant 0 : i32
        %dma_start3A_249 = arith.constant 0 : i32
        %dma_start3A_250 = tpu.memref_slice %arg20[%dma_start3A_248, %dma_start3A_249] : memref<10240x128xf32, #tpu.memory_space<vmem_shared>> -> memref<10240x128xf32, #tpu.memory_space<vmem_shared>>
        tpu.enqueue_indirect_dma source(%dma_start3A_244 : memref<128x128xf32, #tpu.memory_space<vmem>>) target(%dma_start3A_250 : memref<10240x128xf32, #tpu.memory_space<vmem_shared>>) offsets(%dma_start3A_247 : memref<128xi32, #tpu.memory_space<vmem>>) semaphore(%arg24 : memref<!tpu.dma_semaphore, #tpu.memory_space<semaphore_mem>>) {add = true}
        %dma_wait3A_251 = arith.constant 128 : i32
        %dma_wait3A_252 = arith.constant 0 : i32
        %dma_wait3A_253 = tpu.memref_slice %arg13[%dma_wait3A_251, %dma_wait3A_252] : memref<256x128xf32, #tpu.memory_space<vmem>> -> memref<128x128xf32, #tpu.memory_space<vmem>>
        %dma_wait3A_254 = arith.constant 0 : i32
        %dma_wait3A_255 = tpu.memref_slice %arg9[%add3A_230, %dma_wait3A_254] : memref<32x128xi32, #tpu.memory_space<vmem>> -> memref<1x128xi32, #tpu.memory_space<vmem>>
        %dma_wait3A_256 = tpu.memref_squeeze %dma_wait3A_255 : memref<1x128xi32, #tpu.memory_space<vmem>> -> memref<128xi32, #tpu.memory_space<vmem>>
        %dma_wait3A_257 = arith.constant 0 : i32
        %dma_wait3A_258 = arith.constant 0 : i32
        %dma_wait3A_259 = tpu.memref_slice %arg7[%dma_wait3A_257, %dma_wait3A_258] : memref<20480x128xf32, #tpu.memory_space<hbm>> -> memref<20480x128xf32, #tpu.memory_space<hbm>>
        tpu.wait_indirect_dma semaphore(%arg23 : memref<!tpu.dma_semaphore, #tpu.memory_space<semaphore_mem>>) src(%dma_wait3A_259 : memref<20480x128xf32, #tpu.memory_space<hbm>>) dst(%dma_wait3A_253 : memref<128x128xf32, #tpu.memory_space<vmem>>)
        %dma_wait3A_260 = arith.constant 0 : i32
        %dma_wait3A_261 = arith.constant 0 : i32
        %dma_wait3A_262 = tpu.memref_slice %arg13[%dma_wait3A_260, %dma_wait3A_261] : memref<256x128xf32, #tpu.memory_space<vmem>> -> memref<128x128xf32, #tpu.memory_space<vmem>>
        %dma_wait3A_263 = arith.constant 0 : i32
        %dma_wait3A_264 = tpu.memref_slice %arg10[%mul3A_241, %dma_wait3A_263] : memref<32x128xi32, #tpu.memory_space<vmem>> -> memref<1x128xi32, #tpu.memory_space<vmem>>
        %dma_wait3A_265 = tpu.memref_squeeze %dma_wait3A_264 : memref<1x128xi32, #tpu.memory_space<vmem>> -> memref<128xi32, #tpu.memory_space<vmem>>
        %dma_wait3A_266 = arith.constant 0 : i32
        %dma_wait3A_267 = arith.constant 0 : i32
        %dma_wait3A_268 = tpu.memref_slice %arg20[%dma_wait3A_266, %dma_wait3A_267] : memref<10240x128xf32, #tpu.memory_space<vmem_shared>> -> memref<10240x128xf32, #tpu.memory_space<vmem_shared>>
        tpu.wait_indirect_dma semaphore(%arg24 : memref<!tpu.dma_semaphore, #tpu.memory_space<semaphore_mem>>) src(%dma_wait3A_262 : memref<128x128xf32, #tpu.memory_space<vmem>>) dst(%dma_wait3A_268 : memref<10240x128xf32, #tpu.memory_space<vmem_shared>>)
        %scan3A_269 = arith.constant 0 : i32
        scf.yield %scan3A_269 : i32
      }
      %scan3A_162 = arith.constant 15 : i32
      %dma_start3A_163 = arith.constant 31 : i32
      %dma_start3A_164 = arith.constant 128 : i32
      %dma_start3A_165 = arith.constant 0 : i32
      %dma_start3A_166 = tpu.memref_slice %arg13[%dma_start3A_164, %dma_start3A_165] : memref<256x128xf32, #tpu.memory_space<vmem>> -> memref<128x128xf32, #tpu.memory_space<vmem>>
      %dma_start3A_167 = arith.constant 0 : i32
      %dma_start3A_168 = tpu.memref_slice %arg10[%dma_start3A_163, %dma_start3A_167] : memref<32x128xi32, #tpu.memory_space<vmem>> -> memref<1x128xi32, #tpu.memory_space<vmem>>
      %dma_start3A_169 = tpu.memref_squeeze %dma_start3A_168 : memref<1x128xi32, #tpu.memory_space<vmem>> -> memref<128xi32, #tpu.memory_space<vmem>>
      %dma_start3A_170 = arith.constant 0 : i32
      %dma_start3A_171 = arith.constant 0 : i32
      %dma_start3A_172 = tpu.memref_slice %arg20[%dma_start3A_170, %dma_start3A_171] : memref<10240x128xf32, #tpu.memory_space<vmem_shared>> -> memref<10240x128xf32, #tpu.memory_space<vmem_shared>>
      tpu.enqueue_indirect_dma source(%dma_start3A_166 : memref<128x128xf32, #tpu.memory_space<vmem>>) target(%dma_start3A_172 : memref<10240x128xf32, #tpu.memory_space<vmem_shared>>) offsets(%dma_start3A_169 : memref<128xi32, #tpu.memory_space<vmem>>) semaphore(%arg24 : memref<!tpu.dma_semaphore, #tpu.memory_space<semaphore_mem>>) {add = true}
      %dma_wait3A_173 = arith.constant 31 : i32
      %dma_wait3A_174 = arith.constant 128 : i32
      %dma_wait3A_175 = arith.constant 0 : i32
      %dma_wait3A_176 = tpu.memref_slice %arg13[%dma_wait3A_174, %dma_wait3A_175] : memref<256x128xf32, #tpu.memory_space<vmem>> -> memref<128x128xf32, #tpu.memory_space<vmem>>
      %dma_wait3A_177 = arith.constant 0 : i32
      %dma_wait3A_178 = tpu.memref_slice %arg10[%dma_wait3A_173, %dma_wait3A_177] : memref<32x128xi32, #tpu.memory_space<vmem>> -> memref<1x128xi32, #tpu.memory_space<vmem>>
      %dma_wait3A_179 = tpu.memref_squeeze %dma_wait3A_178 : memref<1x128xi32, #tpu.memory_space<vmem>> -> memref<128xi32, #tpu.memory_space<vmem>>
      %dma_wait3A_180 = arith.constant 0 : i32
      %dma_wait3A_181 = arith.constant 0 : i32
      %dma_wait3A_182 = tpu.memref_slice %arg20[%dma_wait3A_180, %dma_wait3A_181] : memref<10240x128xf32, #tpu.memory_space<vmem_shared>> -> memref<10240x128xf32, #tpu.memory_space<vmem_shared>>
      tpu.wait_indirect_dma semaphore(%arg24 : memref<!tpu.dma_semaphore, #tpu.memory_space<semaphore_mem>>) src(%dma_wait3A_176 : memref<128x128xf32, #tpu.memory_space<vmem>>) dst(%dma_wait3A_182 : memref<10240x128xf32, #tpu.memory_space<vmem_shared>>)
      %scan3A_183 = arith.constant 0 : i32
      scf.yield %scan3A_183 : i32
    }
    %scan3A_75 = arith.constant 5 : i32
    %barrier3A_76 = arith.constant 0 : index
    tpu.barrier barrier_id(%barrier3A_76)
    %scan3A_77 = arith.constant 0 : i32
    %scan3A_78 = arith.constant 0 : i32
    %scan3A_79 = arith.constant 5 : i32
    %scan3A_80 = arith.addi %scan3A_78, %scan3A_79 : i32
    %scan3A_81 = arith.constant 1 : i32
    %scan3A_82 = scf.for %scan3A_92 = %scan3A_78 to %scan3A_80 step %scan3A_81 iter_args(%scan3A_93 = %scan3A_77) -> (i32)  : i32 {
      %mul3A_94 = arith.constant 128 : i32
      %mul3A_95 = arith.muli %scan3A_92, %mul3A_94 : i32
      %add3A_96 = arith.addi %mul3A_4, %mul3A_95 : i32
      "tpu.region"() ({
        %run_scoped3A = tpu.sem_alloc : memref<!tpu.dma_semaphore, #tpu.memory_space<semaphore_mem>>
        %dma_start3A = arith.constant 0 : i32
        %dma_start3A_105 = arith.constant 0 : i32
        %dma_start3A_106 = tpu.memref_slice %arg13[%dma_start3A, %dma_start3A_105] : memref<256x128xf32, #tpu.memory_space<vmem>> -> memref<128x128xf32, #tpu.memory_space<vmem>>
        %dma_start3A_107 = arith.constant 0 : i32
        %dma_start3A_108 = tpu.memref_slice %arg20[%add3A_96, %dma_start3A_107] : memref<10240x128xf32, #tpu.memory_space<vmem_shared>> -> memref<128x128xf32, #tpu.memory_space<vmem_shared>>
        %dma_start3A_109 = arith.constant 0 : i32
        %dma_start3A_110 = arith.constant 0 : i32
        %dma_start3A_111 = tpu.memref_slice %arg13[%dma_start3A_109, %dma_start3A_110] : memref<256x128xf32, #tpu.memory_space<vmem>> -> memref<128x128xf32, #tpu.memory_space<vmem>>
        %dma_start3A_112 = arith.constant 0 : i32
        %dma_start3A_113 = tpu.memref_slice %arg20[%add3A_96, %dma_start3A_112] : memref<10240x128xf32, #tpu.memory_space<vmem_shared>> -> memref<128x128xf32, #tpu.memory_space<vmem_shared>>
        tpu.enqueue_dma source(%dma_start3A_113 : memref<128x128xf32, #tpu.memory_space<vmem_shared>>) target(%dma_start3A_111 : memref<128x128xf32, #tpu.memory_space<vmem>>) target_semaphore(%run_scoped3A : memref<!tpu.dma_semaphore, #tpu.memory_space<semaphore_mem>>)
        %dma_wait3A = arith.constant 0 : i32
        %dma_wait3A_114 = arith.constant 0 : i32
        %dma_wait3A_115 = tpu.memref_slice %arg13[%dma_wait3A, %dma_wait3A_114] : memref<256x128xf32, #tpu.memory_space<vmem>> -> memref<128x128xf32, #tpu.memory_space<vmem>>
        %dma_wait3A_116 = arith.constant 0 : i32
        %dma_wait3A_117 = tpu.memref_slice %arg20[%add3A_96, %dma_wait3A_116] : memref<10240x128xf32, #tpu.memory_space<vmem_shared>> -> memref<128x128xf32, #tpu.memory_space<vmem_shared>>
        %dma_wait3A_118 = arith.constant 0 : i32
        %dma_wait3A_119 = arith.constant 0 : i32
        %dma_wait3A_120 = tpu.memref_slice %arg13[%dma_wait3A_118, %dma_wait3A_119] : memref<256x128xf32, #tpu.memory_space<vmem>> -> memref<128x128xf32, #tpu.memory_space<vmem>>
        %dma_wait3A_121 = arith.constant 0 : i32
        %dma_wait3A_122 = tpu.memref_slice %arg20[%add3A_96, %dma_wait3A_121] : memref<10240x128xf32, #tpu.memory_space<vmem_shared>> -> memref<128x128xf32, #tpu.memory_space<vmem_shared>>
        tpu.wait_dma2 semaphore(%run_scoped3A : memref<!tpu.dma_semaphore, #tpu.memory_space<semaphore_mem>>) src(%dma_wait3A_122 : memref<128x128xf32, #tpu.memory_space<vmem_shared>>) dst(%dma_wait3A_120 : memref<128x128xf32, #tpu.memory_space<vmem>>)
        tpu.yield
      }) : () -> ()
      %scan3A_97 = arith.constant 0 : i32
      %scan3A_98 = arith.constant 0 : i32
      %scan3A_99 = arith.constant 128 : i32
      %scan3A_100 = arith.addi %scan3A_98, %scan3A_99 : i32
      %scan3A_101 = arith.constant 1 : i32
      %scan3A_102 = scf.for %scan3A_105 = %scan3A_98 to %scan3A_100 step %scan3A_101 iter_args(%scan3A_106 = %scan3A_97) -> (i32)  : i32 {
        %mul3A_107 = arith.constant 128 : i32
        %mul3A_108 = arith.muli %scan3A_92, %mul3A_107 : i32
        %add3A_109 = arith.addi %mul3A_108, %scan3A_105 : i32
        %broadcast_in_dim3A_110 = vector.broadcast %add3A_109 : i32 to vector<16xi32>
        %gather3A = tpu.vector_load_idx %arg12[%broadcast_in_dim3A_110] : memref<640xf32, #tpu.memory_space<vmem>>[vector<16xi32>], vector<16xf32>,
        %get3A = arith.index_cast %scan3A_105 : i32 to index
        %get3A_111 = arith.constant 0 : index
        %get3A_112 = tpu.vector_load %arg13[%get3A, %get3A_111] {strides = array<i32>} : memref<256x128xf32, #tpu.memory_space<vmem>>, vector<16xf32>,
        %mul3A_113 = arith.mulf %get3A_112, %gather3A : vector<16xf32>
        %get3A_114 = arith.constant 0 : index
        %get3A_115 = tpu.vector_load %arg16[%get3A_114] {strides = array<i32>} : memref<128xf32, #tpu.memory_space<vmem>>, vector<16xf32>,
        %add3A_116 = arith.addf %mul3A_113, %get3A_115 : vector<16xf32>
        %max3A = arith.constant 0.000000e+00 : f32
        %max3A_117 = vector.broadcast %max3A : f32 to vector<16xf32>
        %max3A_118 = arith.maximumf %add3A_116, %max3A_117 : vector<16xf32>
        %swap3A = arith.index_cast %scan3A_105 : i32 to index
        %swap3A_119 = arith.constant 0 : index
        %swap3A_120 = tpu.vector_load %arg13[%swap3A, %swap3A_119] {strides = array<i32>} : memref<256x128xf32, #tpu.memory_space<vmem>>, vector<16xf32>,
        tpu.vector_store %arg13[%swap3A, %swap3A_119], %max3A_118 {strides = array<i32>} : memref<256x128xf32, #tpu.memory_space<vmem>>, vector<16xf32>,
        %get3A_121 = arith.index_cast %scan3A_105 : i32 to index
        %get3A_122 = arith.constant 16 : index
        %get3A_123 = tpu.vector_load %arg13[%get3A_121, %get3A_122] {strides = array<i32>} : memref<256x128xf32, #tpu.memory_space<vmem>>, vector<16xf32>,
        %mul3A_124 = arith.mulf %get3A_123, %gather3A : vector<16xf32>
        %get3A_125 = arith.constant 16 : index
        %get3A_126 = tpu.vector_load %arg16[%get3A_125] {strides = array<i32>} : memref<128xf32, #tpu.memory_space<vmem>>, vector<16xf32>,
        %add3A_127 = arith.addf %mul3A_124, %get3A_126 : vector<16xf32>
        %max3A_128 = arith.constant 0.000000e+00 : f32
        %max3A_129 = vector.broadcast %max3A_128 : f32 to vector<16xf32>
        %max3A_130 = arith.maximumf %add3A_127, %max3A_129 : vector<16xf32>
        %swap3A_131 = arith.index_cast %scan3A_105 : i32 to index
        %swap3A_132 = arith.constant 16 : index
        %swap3A_133 = tpu.vector_load %arg13[%swap3A_131, %swap3A_132] {strides = array<i32>} : memref<256x128xf32, #tpu.memory_space<vmem>>, vector<16xf32>,
        tpu.vector_store %arg13[%swap3A_131, %swap3A_132], %max3A_130 {strides = array<i32>} : memref<256x128xf32, #tpu.memory_space<vmem>>, vector<16xf32>,
        %get3A_134 = arith.index_cast %scan3A_105 : i32 to index
        %get3A_135 = arith.constant 32 : index
        %get3A_136 = tpu.vector_load %arg13[%get3A_134, %get3A_135] {strides = array<i32>} : memref<256x128xf32, #tpu.memory_space<vmem>>, vector<16xf32>,
        %mul3A_137 = arith.mulf %get3A_136, %gather3A : vector<16xf32>
        %get3A_138 = arith.constant 32 : index
        %get3A_139 = tpu.vector_load %arg16[%get3A_138] {strides = array<i32>} : memref<128xf32, #tpu.memory_space<vmem>>, vector<16xf32>,
        %add3A_140 = arith.addf %mul3A_137, %get3A_139 : vector<16xf32>
        %max3A_141 = arith.constant 0.000000e+00 : f32
        %max3A_142 = vector.broadcast %max3A_141 : f32 to vector<16xf32>
        %max3A_143 = arith.maximumf %add3A_140, %max3A_142 : vector<16xf32>
        %swap3A_144 = arith.index_cast %scan3A_105 : i32 to index
        %swap3A_145 = arith.constant 32 : index
        %swap3A_146 = tpu.vector_load %arg13[%swap3A_144, %swap3A_145] {strides = array<i32>} : memref<256x128xf32, #tpu.memory_space<vmem>>, vector<16xf32>,
        tpu.vector_store %arg13[%swap3A_144, %swap3A_145], %max3A_143 {strides = array<i32>} : memref<256x128xf32, #tpu.memory_space<vmem>>, vector<16xf32>,
        %get3A_147 = arith.index_cast %scan3A_105 : i32 to index
        %get3A_148 = arith.constant 48 : index
        %get3A_149 = tpu.vector_load %arg13[%get3A_147, %get3A_148] {strides = array<i32>} : memref<256x128xf32, #tpu.memory_space<vmem>>, vector<16xf32>,
        %mul3A_150 = arith.mulf %get3A_149, %gather3A : vector<16xf32>
        %get3A_151 = arith.constant 48 : index
        %get3A_152 = tpu.vector_load %arg16[%get3A_151] {strides = array<i32>} : memref<128xf32, #tpu.memory_space<vmem>>, vector<16xf32>,
        %add3A_153 = arith.addf %mul3A_150, %get3A_152 : vector<16xf32>
        %max3A_154 = arith.constant 0.000000e+00 : f32
        %max3A_155 = vector.broadcast %max3A_154 : f32 to vector<16xf32>
        %max3A_156 = arith.maximumf %add3A_153, %max3A_155 : vector<16xf32>
        %swap3A_157 = arith.index_cast %scan3A_105 : i32 to index
        %swap3A_158 = arith.constant 48 : index
        %swap3A_159 = tpu.vector_load %arg13[%swap3A_157, %swap3A_158] {strides = array<i32>} : memref<256x128xf32, #tpu.memory_space<vmem>>, vector<16xf32>,
        tpu.vector_store %arg13[%swap3A_157, %swap3A_158], %max3A_156 {strides = array<i32>} : memref<256x128xf32, #tpu.memory_space<vmem>>, vector<16xf32>,
        %get3A_160 = arith.index_cast %scan3A_105 : i32 to index
        %get3A_161 = arith.constant 64 : index
        %get3A_162 = tpu.vector_load %arg13[%get3A_160, %get3A_161] {strides = array<i32>} : memref<256x128xf32, #tpu.memory_space<vmem>>, vector<16xf32>,
        %mul3A_163 = arith.mulf %get3A_162, %gather3A : vector<16xf32>
        %get3A_164 = arith.constant 64 : index
        %get3A_165 = tpu.vector_load %arg16[%get3A_164] {strides = array<i32>} : memref<128xf32, #tpu.memory_space<vmem>>, vector<16xf32>,
        %add3A_166 = arith.addf %mul3A_163, %get3A_165 : vector<16xf32>
        %max3A_167 = arith.constant 0.000000e+00 : f32
        %max3A_168 = vector.broadcast %max3A_167 : f32 to vector<16xf32>
        %max3A_169 = arith.maximumf %add3A_166, %max3A_168 : vector<16xf32>
        %swap3A_170 = arith.index_cast %scan3A_105 : i32 to index
        %swap3A_171 = arith.constant 64 : index
        %swap3A_172 = tpu.vector_load %arg13[%swap3A_170, %swap3A_171] {strides = array<i32>} : memref<256x128xf32, #tpu.memory_space<vmem>>, vector<16xf32>,
        tpu.vector_store %arg13[%swap3A_170, %swap3A_171], %max3A_169 {strides = array<i32>} : memref<256x128xf32, #tpu.memory_space<vmem>>, vector<16xf32>,
        %get3A_173 = arith.index_cast %scan3A_105 : i32 to index
        %get3A_174 = arith.constant 80 : index
        %get3A_175 = tpu.vector_load %arg13[%get3A_173, %get3A_174] {strides = array<i32>} : memref<256x128xf32, #tpu.memory_space<vmem>>, vector<16xf32>,
        %mul3A_176 = arith.mulf %get3A_175, %gather3A : vector<16xf32>
        %get3A_177 = arith.constant 80 : index
        %get3A_178 = tpu.vector_load %arg16[%get3A_177] {strides = array<i32>} : memref<128xf32, #tpu.memory_space<vmem>>, vector<16xf32>,
        %add3A_179 = arith.addf %mul3A_176, %get3A_178 : vector<16xf32>
        %max3A_180 = arith.constant 0.000000e+00 : f32
        %max3A_181 = vector.broadcast %max3A_180 : f32 to vector<16xf32>
        %max3A_182 = arith.maximumf %add3A_179, %max3A_181 : vector<16xf32>
        %swap3A_183 = arith.index_cast %scan3A_105 : i32 to index
        %swap3A_184 = arith.constant 80 : index
        %swap3A_185 = tpu.vector_load %arg13[%swap3A_183, %swap3A_184] {strides = array<i32>} : memref<256x128xf32, #tpu.memory_space<vmem>>, vector<16xf32>,
        tpu.vector_store %arg13[%swap3A_183, %swap3A_184], %max3A_182 {strides = array<i32>} : memref<256x128xf32, #tpu.memory_space<vmem>>, vector<16xf32>,
        %get3A_186 = arith.index_cast %scan3A_105 : i32 to index
        %get3A_187 = arith.constant 96 : index
        %get3A_188 = tpu.vector_load %arg13[%get3A_186, %get3A_187] {strides = array<i32>} : memref<256x128xf32, #tpu.memory_space<vmem>>, vector<16xf32>,
        %mul3A_189 = arith.mulf %get3A_188, %gather3A : vector<16xf32>
        %get3A_190 = arith.constant 96 : index
        %get3A_191 = tpu.vector_load %arg16[%get3A_190] {strides = array<i32>} : memref<128xf32, #tpu.memory_space<vmem>>, vector<16xf32>,
        %add3A_192 = arith.addf %mul3A_189, %get3A_191 : vector<16xf32>
        %max3A_193 = arith.constant 0.000000e+00 : f32
        %max3A_194 = vector.broadcast %max3A_193 : f32 to vector<16xf32>
        %max3A_195 = arith.maximumf %add3A_192, %max3A_194 : vector<16xf32>
        %swap3A_196 = arith.index_cast %scan3A_105 : i32 to index
        %swap3A_197 = arith.constant 96 : index
        %swap3A_198 = tpu.vector_load %arg13[%swap3A_196, %swap3A_197] {strides = array<i32>} : memref<256x128xf32, #tpu.memory_space<vmem>>, vector<16xf32>,
        tpu.vector_store %arg13[%swap3A_196, %swap3A_197], %max3A_195 {strides = array<i32>} : memref<256x128xf32, #tpu.memory_space<vmem>>, vector<16xf32>,
        %get3A_199 = arith.index_cast %scan3A_105 : i32 to index
        %get3A_200 = arith.constant 112 : index
        %get3A_201 = tpu.vector_load %arg13[%get3A_199, %get3A_200] {strides = array<i32>} : memref<256x128xf32, #tpu.memory_space<vmem>>, vector<16xf32>,
        %mul3A_202 = arith.mulf %get3A_201, %gather3A : vector<16xf32>
        %get3A_203 = arith.constant 112 : index
        %get3A_204 = tpu.vector_load %arg16[%get3A_203] {strides = array<i32>} : memref<128xf32, #tpu.memory_space<vmem>>, vector<16xf32>,
        %add3A_205 = arith.addf %mul3A_202, %get3A_204 : vector<16xf32>
        %max3A_206 = arith.constant 0.000000e+00 : f32
        %max3A_207 = vector.broadcast %max3A_206 : f32 to vector<16xf32>
        %max3A_208 = arith.maximumf %add3A_205, %max3A_207 : vector<16xf32>
        %swap3A_209 = arith.index_cast %scan3A_105 : i32 to index
        %swap3A_210 = arith.constant 112 : index
        %swap3A_211 = tpu.vector_load %arg13[%swap3A_209, %swap3A_210] {strides = array<i32>} : memref<256x128xf32, #tpu.memory_space<vmem>>, vector<16xf32>,
        tpu.vector_store %arg13[%swap3A_209, %swap3A_210], %max3A_208 {strides = array<i32>} : memref<256x128xf32, #tpu.memory_space<vmem>>, vector<16xf32>,
        %scan3A_212 = arith.constant 0 : i32
        scf.yield %scan3A_212 : i32
      }
      %scan3A_103 = arith.constant 128 : i32
      "tpu.region"() ({
        %run_scoped3A = tpu.sem_alloc : memref<!tpu.dma_semaphore, #tpu.memory_space<semaphore_mem>>
        %dma_start3A = arith.constant 0 : i32
        %dma_start3A_105 = arith.constant 0 : i32
        %dma_start3A_106 = tpu.memref_slice %arg13[%dma_start3A, %dma_start3A_105] : memref<256x128xf32, #tpu.memory_space<vmem>> -> memref<128x128xf32, #tpu.memory_space<vmem>>
        %dma_start3A_107 = arith.constant 0 : i32
        %dma_start3A_108 = tpu.memref_slice %arg15[%scan3A_92, %dma_start3A_107] : memref<5x128xi32, #tpu.memory_space<vmem>> -> memref<1x128xi32, #tpu.memory_space<vmem>>
        %dma_start3A_109 = tpu.memref_squeeze %dma_start3A_108 : memref<1x128xi32, #tpu.memory_space<vmem>> -> memref<128xi32, #tpu.memory_space<vmem>>
        %dma_start3A_110 = arith.constant 0 : i32
        %dma_start3A_111 = arith.constant 0 : i32
        %dma_start3A_112 = tpu.memref_slice %arg21[%dma_start3A_110, %dma_start3A_111] : memref<129x128xf32, #tpu.memory_space<vmem_shared>> -> memref<129x128xf32, #tpu.memory_space<vmem_shared>>
        tpu.enqueue_indirect_dma source(%dma_start3A_106 : memref<128x128xf32, #tpu.memory_space<vmem>>) target(%dma_start3A_112 : memref<129x128xf32, #tpu.memory_space<vmem_shared>>) offsets(%dma_start3A_109 : memref<128xi32, #tpu.memory_space<vmem>>) semaphore(%run_scoped3A : memref<!tpu.dma_semaphore, #tpu.memory_space<semaphore_mem>>) {add = true}
        %dma_wait3A = arith.constant 0 : i32
        %dma_wait3A_113 = arith.constant 0 : i32
        %dma_wait3A_114 = tpu.memref_slice %arg13[%dma_wait3A, %dma_wait3A_113] : memref<256x128xf32, #tpu.memory_space<vmem>> -> memref<128x128xf32, #tpu.memory_space<vmem>>
        %dma_wait3A_115 = arith.constant 0 : i32
        %dma_wait3A_116 = tpu.memref_slice %arg15[%scan3A_92, %dma_wait3A_115] : memref<5x128xi32, #tpu.memory_space<vmem>> -> memref<1x128xi32, #tpu.memory_space<vmem>>
        %dma_wait3A_117 = tpu.memref_squeeze %dma_wait3A_116 : memref<1x128xi32, #tpu.memory_space<vmem>> -> memref<128xi32, #tpu.memory_space<vmem>>
        %dma_wait3A_118 = arith.constant 0 : i32
        %dma_wait3A_119 = arith.constant 0 : i32
        %dma_wait3A_120 = tpu.memref_slice %arg21[%dma_wait3A_118, %dma_wait3A_119] : memref<129x128xf32, #tpu.memory_space<vmem_shared>> -> memref<129x128xf32, #tpu.memory_space<vmem_shared>>
        tpu.wait_indirect_dma semaphore(%run_scoped3A : memref<!tpu.dma_semaphore, #tpu.memory_space<semaphore_mem>>) src(%dma_wait3A_114 : memref<128x128xf32, #tpu.memory_space<vmem>>) dst(%dma_wait3A_120 : memref<129x128xf32, #tpu.memory_space<vmem_shared>>)
        tpu.yield
      }) : () -> ()
      %scan3A_104 = arith.constant 0 : i32
      scf.yield %scan3A_104 : i32
    }
    %scan3A_83 = arith.constant 5 : i32
    %barrier3A_84 = arith.constant 0 : index
    tpu.barrier barrier_id(%barrier3A_84)
    "tpu.region"() ({
      %run_scoped3A = tpu.sem_alloc : memref<!tpu.dma_semaphore, #tpu.memory_space<semaphore_mem>>
      tpu.enqueue_dma source(%arg22 : memref<144xf32, #tpu.memory_space<vmem_shared>>) target(%arg14 : memref<144xf32, #tpu.memory_space<vmem>>) target_semaphore(%run_scoped3A : memref<!tpu.dma_semaphore, #tpu.memory_space<semaphore_mem>>)
      tpu.wait_dma2 semaphore(%run_scoped3A : memref<!tpu.dma_semaphore, #tpu.memory_space<semaphore_mem>>) src(%arg22 : memref<144xf32, #tpu.memory_space<vmem_shared>>) dst(%arg14 : memref<144xf32, #tpu.memory_space<vmem>>)
      tpu.yield
    }) : () -> ()
    "tpu.region"() ({
      %run_scoped3A = tpu.sem_alloc : memref<!tpu.dma_semaphore, #tpu.memory_space<semaphore_mem>>
      %dma_start3A = arith.constant 0 : i32
      %dma_start3A_92 = tpu.memref_slice %arg21[%mul3A_6, %dma_start3A] : memref<129x128xf32, #tpu.memory_space<vmem_shared>> -> memref<8x128xf32, #tpu.memory_space<vmem_shared>>
      %dma_start3A_93 = arith.constant 0 : i32
      %dma_start3A_94 = tpu.memref_slice %arg21[%mul3A_6, %dma_start3A_93] : memref<129x128xf32, #tpu.memory_space<vmem_shared>> -> memref<8x128xf32, #tpu.memory_space<vmem_shared>>
      tpu.enqueue_dma source(%dma_start3A_94 : memref<8x128xf32, #tpu.memory_space<vmem_shared>>) target(%arg18 : memref<8x128xf32, #tpu.memory_space<vmem>>) target_semaphore(%run_scoped3A : memref<!tpu.dma_semaphore, #tpu.memory_space<semaphore_mem>>)
      %dma_wait3A = arith.constant 0 : i32
      %dma_wait3A_95 = tpu.memref_slice %arg21[%mul3A_6, %dma_wait3A] : memref<129x128xf32, #tpu.memory_space<vmem_shared>> -> memref<8x128xf32, #tpu.memory_space<vmem_shared>>
      %dma_wait3A_96 = arith.constant 0 : i32
      %dma_wait3A_97 = tpu.memref_slice %arg21[%mul3A_6, %dma_wait3A_96] : memref<129x128xf32, #tpu.memory_space<vmem_shared>> -> memref<8x128xf32, #tpu.memory_space<vmem_shared>>
      tpu.wait_dma2 semaphore(%run_scoped3A : memref<!tpu.dma_semaphore, #tpu.memory_space<semaphore_mem>>) src(%dma_wait3A_97 : memref<8x128xf32, #tpu.memory_space<vmem_shared>>) dst(%arg18 : memref<8x128xf32, #tpu.memory_space<vmem>>)
      tpu.yield
    }) : () -> ()
    %scan3A_85 = arith.constant 0 : i32
    %scan3A_86 = arith.constant 0 : i32
    %scan3A_87 = arith.constant 8 : i32
    %scan3A_88 = arith.addi %scan3A_86, %scan3A_87 : i32
    %scan3A_89 = arith.constant 1 : i32
    %scan3A_90 = scf.for %scan3A_92 = %scan3A_86 to %scan3A_88 step %scan3A_89 iter_args(%scan3A_93 = %scan3A_85) -> (i32)  : i32 {
      %add3A_94 = arith.addi %mul3A_6, %scan3A_92 : i32
      %broadcast_in_dim3A_95 = vector.broadcast %add3A_94 : i32 to vector<16xi32>
      %gather3A = tpu.vector_load_idx %arg14[%broadcast_in_dim3A_95] : memref<144xf32, #tpu.memory_space<vmem>>[vector<16xi32>], vector<16xf32>,
      %max3A = arith.constant 1.000000e+00 : f32
      %max3A_96 = vector.broadcast %max3A : f32 to vector<16xf32>
      %max3A_97 = arith.maximumf %gather3A, %max3A_96 : vector<16xf32>
      %div3A = arith.constant 1.000000e+00 : f32
      %div3A_98 = vector.broadcast %div3A : f32 to vector<16xf32>
      %div3A_99 = arith.divf %div3A_98, %max3A_97 : vector<16xf32>
      %get3A = arith.index_cast %scan3A_92 : i32 to index
      %get3A_100 = arith.constant 0 : index
      %get3A_101 = tpu.vector_load %arg18[%get3A, %get3A_100] {strides = array<i32>} : memref<8x128xf32, #tpu.memory_space<vmem>>, vector<16xf32>,
      %mul3A_102 = arith.mulf %get3A_101, %div3A_99 : vector<16xf32>
      %swap3A = arith.index_cast %scan3A_92 : i32 to index
      %swap3A_103 = arith.constant 0 : index
      %swap3A_104 = tpu.vector_load %arg18[%swap3A, %swap3A_103] {strides = array<i32>} : memref<8x128xf32, #tpu.memory_space<vmem>>, vector<16xf32>,
      tpu.vector_store %arg18[%swap3A, %swap3A_103], %mul3A_102 {strides = array<i32>} : memref<8x128xf32, #tpu.memory_space<vmem>>, vector<16xf32>,
      %get3A_105 = arith.index_cast %scan3A_92 : i32 to index
      %get3A_106 = arith.constant 16 : index
      %get3A_107 = tpu.vector_load %arg18[%get3A_105, %get3A_106] {strides = array<i32>} : memref<8x128xf32, #tpu.memory_space<vmem>>, vector<16xf32>,
      %mul3A_108 = arith.mulf %get3A_107, %div3A_99 : vector<16xf32>
      %swap3A_109 = arith.index_cast %scan3A_92 : i32 to index
      %swap3A_110 = arith.constant 16 : index
      %swap3A_111 = tpu.vector_load %arg18[%swap3A_109, %swap3A_110] {strides = array<i32>} : memref<8x128xf32, #tpu.memory_space<vmem>>, vector<16xf32>,
      tpu.vector_store %arg18[%swap3A_109, %swap3A_110], %mul3A_108 {strides = array<i32>} : memref<8x128xf32, #tpu.memory_space<vmem>>, vector<16xf32>,
      %get3A_112 = arith.index_cast %scan3A_92 : i32 to index
      %get3A_113 = arith.constant 32 : index
      %get3A_114 = tpu.vector_load %arg18[%get3A_112, %get3A_113] {strides = array<i32>} : memref<8x128xf32, #tpu.memory_space<vmem>>, vector<16xf32>,
      %mul3A_115 = arith.mulf %get3A_114, %div3A_99 : vector<16xf32>
      %swap3A_116 = arith.index_cast %scan3A_92 : i32 to index
      %swap3A_117 = arith.constant 32 : index
      %swap3A_118 = tpu.vector_load %arg18[%swap3A_116, %swap3A_117] {strides = array<i32>} : memref<8x128xf32, #tpu.memory_space<vmem>>, vector<16xf32>,
      tpu.vector_store %arg18[%swap3A_116, %swap3A_117], %mul3A_115 {strides = array<i32>} : memref<8x128xf32, #tpu.memory_space<vmem>>, vector<16xf32>,
      %get3A_119 = arith.index_cast %scan3A_92 : i32 to index
      %get3A_120 = arith.constant 48 : index
      %get3A_121 = tpu.vector_load %arg18[%get3A_119, %get3A_120] {strides = array<i32>} : memref<8x128xf32, #tpu.memory_space<vmem>>, vector<16xf32>,
      %mul3A_122 = arith.mulf %get3A_121, %div3A_99 : vector<16xf32>
      %swap3A_123 = arith.index_cast %scan3A_92 : i32 to index
      %swap3A_124 = arith.constant 48 : index
      %swap3A_125 = tpu.vector_load %arg18[%swap3A_123, %swap3A_124] {strides = array<i32>} : memref<8x128xf32, #tpu.memory_space<vmem>>, vector<16xf32>,
      tpu.vector_store %arg18[%swap3A_123, %swap3A_124], %mul3A_122 {strides = array<i32>} : memref<8x128xf32, #tpu.memory_space<vmem>>, vector<16xf32>,
      %get3A_126 = arith.index_cast %scan3A_92 : i32 to index
      %get3A_127 = arith.constant 64 : index
      %get3A_128 = tpu.vector_load %arg18[%get3A_126, %get3A_127] {strides = array<i32>} : memref<8x128xf32, #tpu.memory_space<vmem>>, vector<16xf32>,
      %mul3A_129 = arith.mulf %get3A_128, %div3A_99 : vector<16xf32>
      %swap3A_130 = arith.index_cast %scan3A_92 : i32 to index
      %swap3A_131 = arith.constant 64 : index
      %swap3A_132 = tpu.vector_load %arg18[%swap3A_130, %swap3A_131] {strides = array<i32>} : memref<8x128xf32, #tpu.memory_space<vmem>>, vector<16xf32>,
      tpu.vector_store %arg18[%swap3A_130, %swap3A_131], %mul3A_129 {strides = array<i32>} : memref<8x128xf32, #tpu.memory_space<vmem>>, vector<16xf32>,
      %get3A_133 = arith.index_cast %scan3A_92 : i32 to index
      %get3A_134 = arith.constant 80 : index
      %get3A_135 = tpu.vector_load %arg18[%get3A_133, %get3A_134] {strides = array<i32>} : memref<8x128xf32, #tpu.memory_space<vmem>>, vector<16xf32>,
      %mul3A_136 = arith.mulf %get3A_135, %div3A_99 : vector<16xf32>
      %swap3A_137 = arith.index_cast %scan3A_92 : i32 to index
      %swap3A_138 = arith.constant 80 : index
      %swap3A_139 = tpu.vector_load %arg18[%swap3A_137, %swap3A_138] {strides = array<i32>} : memref<8x128xf32, #tpu.memory_space<vmem>>, vector<16xf32>,
      tpu.vector_store %arg18[%swap3A_137, %swap3A_138], %mul3A_136 {strides = array<i32>} : memref<8x128xf32, #tpu.memory_space<vmem>>, vector<16xf32>,
      %get3A_140 = arith.index_cast %scan3A_92 : i32 to index
      %get3A_141 = arith.constant 96 : index
      %get3A_142 = tpu.vector_load %arg18[%get3A_140, %get3A_141] {strides = array<i32>} : memref<8x128xf32, #tpu.memory_space<vmem>>, vector<16xf32>,
      %mul3A_143 = arith.mulf %get3A_142, %div3A_99 : vector<16xf32>
      %swap3A_144 = arith.index_cast %scan3A_92 : i32 to index
      %swap3A_145 = arith.constant 96 : index
      %swap3A_146 = tpu.vector_load %arg18[%swap3A_144, %swap3A_145] {strides = array<i32>} : memref<8x128xf32, #tpu.memory_space<vmem>>, vector<16xf32>,
      tpu.vector_store %arg18[%swap3A_144, %swap3A_145], %mul3A_143 {strides = array<i32>} : memref<8x128xf32, #tpu.memory_space<vmem>>, vector<16xf32>,
      %get3A_147 = arith.index_cast %scan3A_92 : i32 to index
      %get3A_148 = arith.constant 112 : index
      %get3A_149 = tpu.vector_load %arg18[%get3A_147, %get3A_148] {strides = array<i32>} : memref<8x128xf32, #tpu.memory_space<vmem>>, vector<16xf32>,
      %mul3A_150 = arith.mulf %get3A_149, %div3A_99 : vector<16xf32>
      %swap3A_151 = arith.index_cast %scan3A_92 : i32 to index
      %swap3A_152 = arith.constant 112 : index
      %swap3A_153 = tpu.vector_load %arg18[%swap3A_151, %swap3A_152] {strides = array<i32>} : memref<8x128xf32, #tpu.memory_space<vmem>>, vector<16xf32>,
      tpu.vector_store %arg18[%swap3A_151, %swap3A_152], %mul3A_150 {strides = array<i32>} : memref<8x128xf32, #tpu.memory_space<vmem>>, vector<16xf32>,
      %scan3A_154 = arith.constant 0 : i32
      scf.yield %scan3A_154 : i32
    }
    %scan3A_91 = arith.constant 8 : i32
    "tpu.region"() ({
      %run_scoped3A = tpu.sem_alloc : memref<!tpu.dma_semaphore, #tpu.memory_space<semaphore_mem>>
      %dma_start3A = arith.constant 0 : i32
      %dma_start3A_92 = tpu.memref_slice %arg8[%arg0, %mul3A_6, %dma_start3A] : memref<2x128x128xf32, #tpu.memory_space<hbm>> -> memref<1x8x128xf32, #tpu.memory_space<hbm>>
      %dma_start3A_93 = tpu.memref_squeeze %dma_start3A_92 : memref<1x8x128xf32, #tpu.memory_space<hbm>> -> memref<8x128xf32, #tpu.memory_space<hbm>>
      %dma_start3A_94 = arith.constant 0 : i32
      %dma_start3A_95 = tpu.memref_slice %arg8[%arg0, %mul3A_6, %dma_start3A_94] : memref<2x128x128xf32, #tpu.memory_space<hbm>> -> memref<1x8x128xf32, #tpu.memory_space<hbm>>
      %dma_start3A_96 = tpu.memref_squeeze %dma_start3A_95 : memref<1x8x128xf32, #tpu.memory_space<hbm>> -> memref<8x128xf32, #tpu.memory_space<hbm>>
      tpu.enqueue_dma source(%arg18 : memref<8x128xf32, #tpu.memory_space<vmem>>) target(%dma_start3A_96 : memref<8x128xf32, #tpu.memory_space<hbm>>) target_semaphore(%run_scoped3A : memref<!tpu.dma_semaphore, #tpu.memory_space<semaphore_mem>>)
      %dma_wait3A = arith.constant 0 : i32
      %dma_wait3A_97 = tpu.memref_slice %arg8[%arg0, %mul3A_6, %dma_wait3A] : memref<2x128x128xf32, #tpu.memory_space<hbm>> -> memref<1x8x128xf32, #tpu.memory_space<hbm>>
      %dma_wait3A_98 = tpu.memref_squeeze %dma_wait3A_97 : memref<1x8x128xf32, #tpu.memory_space<hbm>> -> memref<8x128xf32, #tpu.memory_space<hbm>>
      %dma_wait3A_99 = arith.constant 0 : i32
      %dma_wait3A_100 = tpu.memref_slice %arg8[%arg0, %mul3A_6, %dma_wait3A_99] : memref<2x128x128xf32, #tpu.memory_space<hbm>> -> memref<1x8x128xf32, #tpu.memory_space<hbm>>
      %dma_wait3A_101 = tpu.memref_squeeze %dma_wait3A_100 : memref<1x8x128xf32, #tpu.memory_space<hbm>> -> memref<8x128xf32, #tpu.memory_space<hbm>>
      tpu.wait_dma2 semaphore(%run_scoped3A : memref<!tpu.dma_semaphore, #tpu.memory_space<semaphore_mem>>) src(%arg18 : memref<8x128xf32, #tpu.memory_space<vmem>>) dst(%dma_wait3A_101 : memref<8x128xf32, #tpu.memory_space<hbm>>)
      tpu.yield
    }) : () -> ()
    return
  }
}

module attributes {stable_mosaic.version = 14 : i64} {
  func.func @_mm_body(%arg0: i32, %arg1: memref<1280x128xf32, #tpu.memory_space<vmem>>, %arg2: memref<128x128xf32, #tpu.memory_space<vmem>>, %arg3: memref<1280x128xf32, #tpu.memory_space<vmem>>) attributes {dimension_semantics = [#tpu.dimension_semantics<arbitrary>], iteration_bounds = array<i64: 16>, scalar_prefetch = 0 : i64, scratch_operands = 0 : i64, tpu.core_type = #tpu.core_type<tc>, window_params = [{transform_indices = @transform_0, window_bounds = array<i64: 1280, 128>}, {pipeline_mode = #tpu.pipeline_mode<synchronous>, transform_indices = @transform_1, window_bounds = array<i64: 128, 128>}, {transform_indices = @transform_2, window_bounds = array<i64: 1280, 128>}]} {
    %get3A = arith.constant 0 : index
    %get3A_0 = arith.constant 0 : index
    %get3A_1 = vector.load %arg1[%get3A, %get3A_0] : memref<1280x128xf32, #tpu.memory_space<vmem>>, vector<1280x128xf32>
    %get3A_2 = arith.constant 0 : index
    %get3A_3 = arith.constant 0 : index
    %get3A_4 = vector.load %arg2[%get3A_2, %get3A_3] : memref<128x128xf32, #tpu.memory_space<vmem>>, vector<128x128xf32>
    %dot_general3A = arith.constant dense<0.000000e+00> : vector<1280x128xf32>
    %dot_general3A_5 = tpu.matmul %get3A_1, %get3A_4, %dot_general3A {dimension_numbers = #tpu.dot_dimension_numbers<[1], [0], [0], [1], [0, 0, 1, 1], [], []>, transpose_lhs_hint = false} : vector<1280x128xf32>, vector<128x128xf32>, vector<1280x128xf32> -> vector<1280x128xf32>
    %swap3A = arith.constant 0 : index
    %swap3A_6 = arith.constant 0 : index
    %swap3A_7 = vector.load %arg3[%swap3A, %swap3A_6] : memref<1280x128xf32, #tpu.memory_space<vmem>>, vector<1280x128xf32>
    tpu.vector_store %arg3[%swap3A, %swap3A_6], %dot_general3A_5 {strides = array<i32>} : memref<1280x128xf32, #tpu.memory_space<vmem>>, vector<1280x128xf32>,
    return
  }
  func.func @transform_0(%arg0: i32) -> (i32, i32) {
    %c0_i32 = arith.constant 0 : i32
    %c0_i32_0 = arith.constant 0 : i32
    return %arg0, %c0_i32 : i32, i32
  }
  func.func @transform_1(%arg0: i32) -> (i32, i32) {
    %c0_i32 = arith.constant 0 : i32
    %c0_i32_0 = arith.constant 0 : i32
    %c0_i32_1 = arith.constant 0 : i32
    return %c0_i32, %c0_i32_0 : i32, i32
  }
  func.func @transform_2(%arg0: i32) -> (i32, i32) {
    %c0_i32 = arith.constant 0 : i32
    %c0_i32_0 = arith.constant 0 : i32
    return %arg0, %c0_i32 : i32, i32
  }
}

module attributes {stable_mosaic.version = 14 : i64} {
  func.func @_lin_body(%arg0: memref<2x128x128xf32, #tpu.memory_space<vmem>>, %arg1: memref<256x7xf32, #tpu.memory_space<vmem>>, %arg2: memref<1x7xf32, #tpu.memory_space<vmem>>, %arg3: memref<128x7xf32, #tpu.memory_space<vmem>>) attributes {dimension_semantics = [], scalar_prefetch = 0 : i64, scratch_operands = 0 : i64, tpu.core_type = #tpu.core_type<tc>} {
    %get3A = arith.constant 0 : index
    %get3A_0 = arith.constant 0 : index
    %get3A_1 = arith.constant 0 : index
    %get3A_2 = vector.load %arg0[%get3A, %get3A_0, %get3A_1] : memref<2x128x128xf32, #tpu.memory_space<vmem>>, vector<2x128x128xf32>
    %slice3A = vector.extract_strided_slice %get3A_2 {offsets = [0, 0, 0], sizes = [1, 128, 128], strides = [1, 1, 1]} : vector<2x128x128xf32> to vector<1x128x128xf32>
    %squeeze3A = vector.shape_cast %slice3A : vector<1x128x128xf32> to vector<128x128xf32>
    %get3A_3 = arith.constant 0 : index
    %get3A_4 = arith.constant 0 : index
    %get3A_5 = vector.load %arg1[%get3A_3, %get3A_4] : memref<256x7xf32, #tpu.memory_space<vmem>>, vector<128x7xf32>
    %dot_general3A = arith.constant dense<0.000000e+00> : vector<128x7xf32>
    %dot_general3A_6 = tpu.matmul %squeeze3A, %get3A_5, %dot_general3A {dimension_numbers = #tpu.dot_dimension_numbers<[1], [0], [0], [1], [0, 0, 1, 1], [], []>, transpose_lhs_hint = false} : vector<128x128xf32>, vector<128x7xf32>, vector<128x7xf32> -> vector<128x7xf32>
    %slice3A_7 = vector.extract_strided_slice %get3A_2 {offsets = [1, 0, 0], sizes = [1, 128, 128], strides = [1, 1, 1]} : vector<2x128x128xf32> to vector<1x128x128xf32>
    %squeeze3A_8 = vector.shape_cast %slice3A_7 : vector<1x128x128xf32> to vector<128x128xf32>
    %get3A_9 = arith.constant 128 : index
    %get3A_10 = arith.constant 0 : index
    %get3A_11 = vector.load %arg1[%get3A_9, %get3A_10] : memref<256x7xf32, #tpu.memory_space<vmem>>, vector<128x7xf32>
    %dot_general3A_12 = arith.constant dense<0.000000e+00> : vector<128x7xf32>
    %dot_general3A_13 = tpu.matmul %squeeze3A_8, %get3A_11, %dot_general3A_12 {dimension_numbers = #tpu.dot_dimension_numbers<[1], [0], [0], [1], [0, 0, 1, 1], [], []>, transpose_lhs_hint = false} : vector<128x128xf32>, vector<128x7xf32>, vector<128x7xf32> -> vector<128x7xf32>
    %add3A = arith.addf %dot_general3A_6, %dot_general3A_13 : vector<128x7xf32>
    %get3A_14 = arith.constant 0 : index
    %get3A_15 = arith.constant 0 : index
    %get3A_16 = vector.load %arg2[%get3A_14, %get3A_15] : memref<1x7xf32, #tpu.memory_space<vmem>>, vector<1x7xf32>
    %add3A_17 = vector.broadcast %get3A_16 : vector<1x7xf32> to vector<128x7xf32>
    %add3A_18 = arith.addf %add3A, %add3A_17 : vector<128x7xf32>
    %swap3A = arith.constant 0 : index
    %swap3A_19 = arith.constant 0 : index
    %swap3A_20 = vector.load %arg3[%swap3A, %swap3A_19] : memref<128x7xf32, #tpu.memory_space<vmem>>, vector<128x7xf32>
    tpu.vector_store %arg3[%swap3A, %swap3A_19], %add3A_18 {strides = array<i32>} : memref<128x7xf32, #tpu.memory_space<vmem>>, vector<128x7xf32>,
    return
  }
}

</mosaic_0001>

<sc_bundles>
// kernel: kernel.5.cloned.1.call-start
scs
__scs_entry_jumppad:
0x0: {  	(pc) =	sbr.rel $0x88, $3  }
0x1: {  	(tag) =	ssettag $0x0;
	lr =	simm.s32 $0x1  }
0x2: {  	[smem:$0x3F97] =	sst lr;
	_ =	strace $0xD0000000  }
0x3: {  	_ = 	snop  }
0x4: {  	_ = 	snop  }
0x5: {  	_ = 	snop  }
0x6: {  	_ = 	snop  }
0x7: {  	_ = 	snop  }
__scs_overlays_trampoline_lowered:
0x8: {  	[smem:$0x3FA6] =	sst s0  }
0x9: {  	[smem:$0x3FA7] =	sst s1  }
0xa: {  	[smem:$0x3FA8] =	sst s2  }
0xb: {  	[smem:$0x3FA9] =	sst s3  }
0xc: {  	[smem:$0x3FAA] =	sst s4  }
0xd: {  	[smem:$0x3FAB] =	sst s5  }
0xe: {  	[smem:$0x3FAC] =	sst s6  }
0xf: {  	[smem:$0x3FAD] =	sst s7  }
0x10: {  	[smem:$0x3FAE] =	sst s8  }
0x11: {  	[smem:$0x3FAF] =	sst s9;
	s0 =	simm.s32 @!p0 $0x0  }
0x12: {  	s1 =	sld [smem:$0x3F95];
	s0 =	simm.s32 @p0 $0x1  }
0x13: {  	[smem:$0x3FB0] =	sst s0;
	s0 =	simm.s32 @!p1 $0x0  }
0x14: {  	s2 =	sld [smem:$0x3F94];
	s0 =	simm.s32 @p1 $0x1  }
0x15: {  	[smem:$0x3FB1] =	sst s0;
	s0 =	simm.s32 @!p2 $0x0  }
0x16: {  	s3 =	sld [smem:$0x3FDB];
	s0 =	simm.s32 @p2 $0x1  }
0x17: {  	s4 =	simm.s32 $0x1BF5;
	[smem:$0x3FB3] =	sst s0  }
0x18: {  	s0 =	sld [smem:$0x3F96];
	_ =	swait.ge [sflag:s4], $0x0  }
0x19: {  	s7 =	sld [smem:$0x3F97]  }
0x1a: {  	s8 =	sadd.s32 $0xFFFFE003, lr  }
0x1b: {  	s9 =	sadd.s32 $0xFFFFFEF7, lr;
	s5 =	simm.s32 $0xFFFFFFFF;
	p2 =	slt.u32 s8, $0xFFFFF086  }
0x1c: {  	p1 =	slt.u32 s9, $0xF7A;
	s5 =	simm.s32 @!p2 $0x0  }
0x1d: {  	s5 =	simm.s32 @p1 $0x1;
	p0 =	seq.s32 s7, s2  }
0x1e: {  	s7 =	smul.u32 @!p0 $0xF7A, s2;
	p2 =	seq.s32 @!p0 s5, $0x0  }
0x1f: {  	s9 =	smul.u32 $0xF7A, s1;
	s8 =	simm.s32 @!p0 $0x1BF5;
	p2 =	por !p2, p0  }
0x20: {  	[sflag:s8] =	ssyncset.s32 @!p0 $0xFFFFF086;
	s6 =	sadd.s32 @!p0 s3, s7;
	s7 =	simm.s32 @!p0 $0x108  }
0x21: {  	s3 =	sadd.s32 s3, s9;
	s6 =	sadd.s32 @!p0 $0x88, s6;
	s7 =	simm.s32 @p2 $0x1082  }
0x22: {  	[simem:s7], [sflag:s8] =	dma.local @!p0 [hbm:s6], $0xF7A  }
0x23: {  	s9 =	sor.u32 $0xD0000000, s2;
	s6 =	simm.s32 $0x108;
	_ =	swait.ge @!p0 [sflag:s8], $0x0  }
0x24: {  	s3 =	sadd.s32 $0x88, s3;
	s6 =	simm.s32 @!p1 $0x1082;
	[sflag:s4] =	ssyncset.s32 $0xFFFFF086  }
0x25: {  	[simem:s6], [sflag:s4] =	dma.local [hbm:s3], $0xF7A  }
0x26: {  	[smem:$0x3F97] =	sst s1;
	(tag) =	ssettag s2;
	_ =	strace s9  }
0x27: {  	s1 =	sld [smem:$0x3FA7]  }
0x28: {  	s2 =	sld [smem:$0x3FA8]  }
0x29: {  	s4 =	sld [smem:$0x3FAA]  }
0x2a: {  	p0 =	seq.s32 s5, $0x0;
	s5 =	sld [smem:$0x3FAB]  }
0x2b: {  	s6 =	sld [smem:$0x3FAC]  }
0x2c: {  	s7 =	sld [smem:$0x3FAD]  }
0x2d: {  	s3 =	simm.s32 $0x108;
	s8 =	sld [smem:$0x3FAE]  }
0x2e: {  	s3 =	simm.s32 @!p0 $0x1082;
	s9 =	sld [smem:$0x3FAF]  }
0x2f: {  	lr =	sadd.s32 s0, s3;
	s0 =	sld [smem:$0x3FA6]  }
0x30: {  	s3 =	sld [smem:$0x3FA9]  }
0x31: {  	[smem:$0x3FB2] =	sst s10  }
0x32: {  	s10 =	sld [smem:$0x3FB0];
	_ =	sdelay $0x3  }
0x33: {  	p0 =	seq.s32 s10, $0x1;
	s10 =	sld [smem:$0x3FB2];
	_ =	sdelay $0x3  }
0x34: {  	[smem:$0x3FB2] =	sst s10  }
0x35: {  	s10 =	sld [smem:$0x3FB1];
	_ =	sdelay $0x3  }
0x36: {  	p1 =	seq.s32 s10, $0x1;
	s10 =	sld [smem:$0x3FB2];
	_ =	sdelay $0x3  }
0x37: {  	[smem:$0x3FB2] =	sst s10  }
0x38: {  	s10 =	sld [smem:$0x3FB3]  }
0x39: {  	_ = 	snop;
	(pc) =	sbr.ind lr, $3  }
0x3a: {  	_ = 	snop  }
0x3b: {  	_ = 	snop  }
0x3c: {  	p2 =	seq.s32 s10, $0x1;
	s10 =	sld [smem:$0x3FB2]  }
0x3d: {  	_ =	shalt  }
0x3e: {  	_ =	shalt  }
0x3f: {  	_ =	shalt  }
0x40: {  	_ =	shalt  }
0x41: {  	_ =	shalt  }
0x42: {  	_ =	shalt  }
0x43: {  	_ =	shalt  }
0x44: {  	_ =	shalt  }
0x45: {  	_ =	shalt  }
0x46: {  	_ =	shalt  }
0x47: {  	_ =	shalt  }
0x48: {  	_ =	shalt  }
0x49: {  	_ =	shalt  }
0x4a: {  	_ =	shalt  }
0x4b: {  	_ =	shalt  }
0x4c: {  	_ =	shalt  }
0x4d: {  	_ =	shalt  }
0x4e: {  	_ =	shalt  }
0x4f: {  	_ =	shalt  }
0x50: {  	_ =	shalt  }
0x51: {  	_ =	shalt  }
0x52: {  	_ =	shalt  }
0x53: {  	_ =	shalt  }
0x54: {  	_ =	shalt  }
0x55: {  	_ =	shalt  }
0x56: {  	_ =	shalt  }
0x57: {  	_ =	shalt  }
0x58: {  	_ =	shalt  }
0x59: {  	_ =	shalt  }
0x5a: {  	_ =	shalt  }
0x5b: {  	_ =	shalt  }
0x5c: {  	_ =	shalt  }
0x5d: {  	_ =	shalt  }
0x5e: {  	_ =	shalt  }
0x5f: {  	_ =	shalt  }
0x60: {  	_ =	shalt  }
0x61: {  	_ =	shalt  }
0x62: {  	_ =	shalt  }
0x63: {  	_ =	shalt  }
0x64: {  	_ =	shalt  }
0x65: {  	_ =	shalt  }
0x66: {  	_ =	shalt  }
0x67: {  	_ =	shalt  }
0x68: {  	_ =	shalt  }
0x69: {  	_ =	shalt  }
0x6a: {  	_ =	shalt  }
0x6b: {  	_ =	shalt  }
0x6c: {  	_ =	shalt  }
0x6d: {  	_ =	shalt  }
0x6e: {  	_ =	shalt  }
0x6f: {  	_ =	shalt  }
0x70: {  	_ =	shalt  }
0x71: {  	_ =	shalt  }
0x72: {  	_ =	shalt  }
0x73: {  	_ =	shalt  }
0x74: {  	_ =	shalt  }
0x75: {  	_ =	shalt  }
0x76: {  	_ =	shalt  }
0x77: {  	_ =	shalt  }
0x78: {  	_ =	shalt  }
0x79: {  	_ =	shalt  }
0x7a: {  	_ =	shalt  }
0x7b: {  	_ =	shalt  }
0x7c: {  	_ =	shalt  }
0x7d: {  	_ =	shalt  }
0x7e: {  	_ =	shalt  }
0x7f: {  	_ =	shalt  }
0x80: {  	_ =	shalt  }
0x81: {  	_ =	shalt  }
0x82: {  	_ =	shalt  }
0x83: {  	_ =	shalt  }
0x84: {  	_ =	shalt  }
0x85: {  	_ =	shalt  }
0x86: {  	_ =	shalt  }
0x87: {  	_ =	shalt  }
.Lfunc_end0:
.L_simem_size_0:
called_computation_lowered:
.L_overlay_start_0:
0x88: {  	s2 =	sld [smem:$0x3FD9]  }
0x89: {  	s3 =	sld [smem:$0x3FFE];
	_ =	sdelay $0x1  }
0x8a: {  	s1 =	srdreg.scid  }
0x8b: {  	s0 =	sand.u32 $0x1, s1  }
0x8c: {  	s17 =	sshll.u32 s0, $0xA;
	s2 =	sadd.s32 s3, s2  }
0x8d: {  	s2 =	sadd.s32 s2, s17  }
0x8e: {  	[smem:$0x3FBE] =	sst s2  }
0x8f: {  	_ = 	snop  }
0x90: {  	s2 =	sld [smem:$0x3FC2];
	(tm) =	ssettm $0x1  }
0x91: {  	s18 =	sld [smem:$0x3FFB];
	_ =	sdelay $0x3  }
0x92: {  	_ =	strace s18  }
0x93: {  	s3 =	sld [smem:$0x3FFC];
	_ =	sdelay $0x3  }
0x94: {  	_ =	strace s3  }
0x95: {  	s3 =	sld [smem:$0x3FFD];
	_ =	sdelay $0x3  }
0x96: {  	_ =	strace s3  }
0x97: {  	_ =	strace $0x8FFFFFFF  }
0x98: {  	s19 =	sld [smem:$0x3FDB];
	_ =	sdelay $0x1  }
0x99: {  	s4 =	simm.s32 $_scs_section_size  }
0x9a: {  	s5 =	simm.s32 $_size__tile_overlayer_lowered;
	s6 =	simm.s32 $_tile_overlayer_lowered  }
0x9b: {  	s22 =	simm.s32 $0x1BFF;
	s21 =	sshll.u32 s6, $0x1;
	s3 =	sadd.s32 s4, s19  }
0x9c: {  	s7 =	simm.s32 $0x0;
	s20 =	sshll.u32 s5, $0x1;
	s5 =	sadd.s32 s21, s3  }
0x9d: {  	[timem:s7], [sflag:s22] =	dma.local [hbm:s5], s20  }
0x9e: {  	_ =	swait.ge [sflag:s22], s20  }
0x9f: {  	s4 =	ssub.s32 $0x0, s20;
	[sflag:s22] =	ssyncset.done $0x0  }
0xa0: {  	[sflag:s22] =	ssyncadd.s32 s4;
	_ =	sdelay $0x1  }
0xa1: {  	s23 =	simm.s32 $0x1B8B  }
0xa2: {  	_ =	swait.ge [sflag:s23], $0x1  }
0xa3: {  	[sflag:s23] =	ssyncset.done $0x0  }
0xa4: {  	s25 =	simm.s32 $0x1B8E;
	s24 =	sld [smem:$0x3FFE];
	[sflag:s23] =	ssyncadd.s32 $0xFFFFFFFF  }
0xa5: {  	s26 =	simm.s32 $execute0_lowered;
	[smem:$0x3FD2] =	sst s25  }
0xa6: {  	s5 =	sshll.u32 s26, $0x1;
	_ =	strace $0x80000046;
	[dreg:$0x1] =	wrdreg $0xFFFFFFFF  }
0xa7: {  	s28 =	simm.s32 $_size_execute0_lowered;
	s3 =	sadd.s32 s3, s5;
	[dreg:$0x0] =	wrdreg $0x0  }
0xa8: {  	s5 =	sshll.u32 s28, $0x1;
	[dreg:$0x2] =	wrdreg s3  }
0xa9: {  	[dreg:$0x3] =	wrdreg s5  }
0xaa: {  	[dreg:$0x4] =	wrdreg $0xC0  }
0xab: {  	_ =	task [dreg:s7], $0x5FFFF  }
0xac: {  	[dreg:$0x1] =	wrdreg $0xFFFFFFFF  }
0xad: {  	[dreg:$0x0] =	wrdreg $0x60  }
0xae: {  	[dreg:$0x2] =	wrdreg s24  }
0xaf: {  	[dreg:$0x3] =	wrdreg s2  }
0xb0: {  	[dreg:$0x4] =	wrdreg $0xB1800  }
0xb1: {  	[dreg:$0x5] =	wrdreg $0x1F1800  }
0xb2: {  	[dreg:$0x6] =	wrdreg $0xAF000  }
0xb3: {  	[dreg:$0x7] =	wrdreg $0x1F5880  }
0xb4: {  	[dreg:$0x8] =	wrdreg $0x9  }
0xb5: {  	_ =	task.clear_ibuf [dreg:s7], $0x9FFFF;
	_ =	strace $0x90000046  }
0xb6: {  	s29 =	simm.s32 $0x9;
	_ =	strace $0x80000048  }
0xb7: {  	_ =	swait.ge [sflag:s29], $0x1  }
0xb8: {  	[sflag:s29] =	ssyncadd.s32 $0xFFFFFFFF  }
0xb9: {  	_ =	strace $0x90000048  }
0xba: {  	_ =	sfence  }
0xbb: {  	s30 =	sld [smem:$0x0];
	_ =	sdelay $0x2  }
0xbc: {  	s31 =	sshll.u32 s1, $0xD;
	s1 =	sshrl.u32 s1, $0x2  }
0xbd: {  	s3 =	sand.u32 $0x4000, s31;
	s1 =	sadd.s32 s1, s30  }
0xbe: {  	s0 =	sor.u32 s3, s0;
	s1 =	sshll.u32 s1, $0x11  }
0xbf: {  	s0 =	sor.u32 s1, s0  }
0xc0: {  	s0 =	sadd.s32 $0x8F2B, s0  }
0xc1: {  	[sflag:s0] =	ssyncadd.remote.s32 $0x1  }
0xc2: {  	_ =	sfence.sel $0xFFFF  }
0xc3: {  	[dreg:$0x0] =	wrdreg $0xFFFFFFFF;
	(pc) =	sbr.abs _section_cstart, $3  }
0xc4: {  	[dreg:$0x1] =	wrdreg $0xFFFFFFFF  }
0xc5: {  	_ =	task.clear_ibuf [dreg:s7], $0x2FFFF;
	_ =	strace $0x9FFFFFFF  }
0xc6: {  	(tm) =	ssettm $0x7FFFFFFF  }
0xc7: {  	_ =	shalt  }
tec
execute0_lowered:
.L_overlay_start_1:
0x0: {  	(tag) =	ssettag $0x1  }
0x1: {  	s0 =	rddreg [dreg:$0x0]  }
0x2: {  	s2 =	rddreg [dreg:$0x2]  }
0x3: {  	s12 =	rddreg [dreg:$0x3]  }
0x4: {  	s4 =	rddreg [dreg:$0x4]  }
0x5: {  	s15 =	rddreg [dreg:$0x5];
	s6 =	simm.s32 $0x0;
	s1 =	srdreg.scid  }
0x6: {  	s3 =	stileid.u32;
	s21 =	simm.s32 $0x1080;
	s22 =	simm.s32 $0x1100  }
0x7: {  	s26 =	simm.s32 $0x1180;
	s28 =	simm.s32 $0x80;
	s29 =	simm.s32 $0xAA80  }
0x8: {  	s30 =	simm.s32 $0x1;
	s31 =	simm.s32 $0x2500;
	[smem:$0x7FF] =	sst s6  }
0x9: {  	s18 =	sadd.s32 $0x1800, s0;
	_ =	strace $0x80000047;
	[dreg:$0x8] =	wrdreg s21  }
0xa: {  	s19 =	sadd.s32 $0x52800, s0;
	s20 =	sadd.s32 $0x66800, s0;
	[dreg:$0x9] =	wrdreg s22  }
0xb: {  	s1 =	sand.u32 $0x1, s1;
	s10 =	sadd.s32 $0x7A800, s0;
	[dreg:$0xa] =	wrdreg s26  }
0xc: {  	s8 =	sshll.u32 s3, $0x7;
	s9 =	smul.u32 $0x5000, s3;
	[dreg:$0x12] =	wrdreg s18  }
0xd: {  	s24 =	smul.u32 $0x280, s3;
	s23 =	sshll.u32 s3, $0xA;
	[dreg:$0x13] =	wrdreg s19  }
0xe: {  	p0 =	sne.s32 s3, $0x0;
	s21 =	simm.s32 $0x1380;
	[dreg:$0x14] =	wrdreg s20  }
0xf: {  	s5 =	smul.u32 $0x50000, s1;
	s22 =	simm.s32 $0x1400;
	[dreg:$0xe] =	wrdreg s21  }
0x10: {  	s7 =	sshll.u32 s1, $0xB;
	s26 =	simm.s32 $0x1500;
	[dreg:$0xf] =	wrdreg s22  }
0x11: {  	s13 =	ssub.s32 $0x2, s1;
	s7 =	sor.u32 s8, s7;
	[dreg:$0x11] =	wrdreg s26  }
0x12: {  	s8 =	sadd.s32 s23, s12;
	s12 =	sadd.s32 $0x4000, s12;
	[dreg:$0x15] =	wrdreg s24  }
0x13: {  	s1 =	smul.u32 $0x2800, s1;
	s23 =	simm.s32 $0x1480;
	[dreg:$0x1b] =	wrdreg s12  }
0x14: {  	s11 =	sshrl.u32 s13, $0x1;
	s22 =	simm.s32 $0x1000;
	[dreg:$0x10] =	wrdreg s23  }
0x15: {  	s25 =	sadd.s32 s9, s5;
	s1 =	sadd.s32 s24, s1;
	[dreg:$0x1a] =	wrdreg s8  }
0x16: {  	s5 =	ssub.s32 s13, s11;
	s11 =	simm.s32 $0x1200;
	[dreg:$0x17] =	wrdreg s1  }
0x17: {  	s26 =	simm.s32 $0x3;
	s0 =	sadd.s32 s7, s0;
	[dreg:$0xb] =	wrdreg s11  }
0x18: {  	s9 =	sshll.u32 s3, $0x3;
	s13 =	sadd.s32 s24, s4;
	[dreg:$0x16] =	wrdreg s25  }
0x19: {  	s12 =	simm.s32 $0x3;
	s7 =	simm.s32 $0xAB00;
	[dreg:$0x19] =	wrdreg s13  }
0x1a: {  	s23 =	simm.s32 $0x6500;
	s17 =	sadd.s32 $0x51800, s0;
	[dreg:$0x1e] =	wrdreg s9  }
0x1b: {  	s14 =	sshrl.u32 s25, $0x3;
	s0 =	sadd.s32 $0xCA800, s0;
	[dreg:$0x18] =	wrdreg s17  }
0x1c: {  	s11 =	simm.s32 $0x1000;
	s16 =	sadd.s32 s14, s20;
	[dreg:$0x1c] =	wrdreg s0  }
0x1d: {  	s1 =	simm.s32 $0x2;
	s14 =	simm.s32 $0x1280;
	[dreg:$0x7] =	wrdreg s16  }
0x1e: {  	s17 =	smax.u32 s5, $0x1;
	s0 =	simm.s32 $0x2280;
	[dreg:$0xc] =	wrdreg s14  }
0x1f: {  	s5 =	simm.s32 $0x0;
	s16 =	simm.s32 $0x1300;
	[dreg:$0x1d] =	wrdreg s17  }
0x20: {  	v0 =	vimm.f32 $0.0e+00;
	v1 =	vimm.f32 $1.000000000e+00;
	s14 =	simm.s32 $0x2000;
	[dreg:$0xd] =	wrdreg s16;
	s16 =	simm.s32 $0xA600  }
.LBB2_1:
0x21: {  	[dreg:$0x1f] =	wrdreg s5  }
0x22: {  	s3 =	rddreg [dreg:$0x18]  }
0x23: {  	[tilespmem:s16], [sflag:$0x3] =	stream.linear.gather [hbm4b:s3+s6], $0x280, $0x38;
	[tilespmem:$0x1F598] =	vst v63  }
0x24: {  	_ =	swait.ge [sflag:s12], $0x280  }
0x25: {  	[sflag:s12] =	ssyncset.done $0x0  }
0x26: {  	[sflag:s12] =	ssyncadd.s32 $0xFFFFFD80  }
0x27: {  	s25 =	simm.s32 $0xAA00;
	s24 =	rddreg [dreg:$0x1]  }
0x28: {  	[tilespmem:s25], [sflag:$0x3] =	stream.linear.gather [hbm4b:s24+s6], $0x80, $0x38;
	[tilespmem:$0x1F598] =	vst v63  }
0x29: {  	_ =	swait.ge [sflag:s12], $0x80  }
0x2a: {  	[sflag:s12] =	ssyncset.done $0x0  }
0x2b: {  	[sflag:s12] =	ssyncadd.s32 $0xFFFFFF80  }
0x2c: {  	[tilespmem:$0x2000] =	vst v0  }
0x2d: {  	[tilespmem:$0x2010] =	vst v0  }
0x2e: {  	[tilespmem:$0x2020] =	vst v0  }
0x2f: {  	[tilespmem:$0x2030] =	vst v0  }
0x30: {  	[tilespmem:$0x2040] =	vst v0  }
0x31: {  	[tilespmem:$0x2050] =	vst v0  }
0x32: {  	[tilespmem:$0x2060] =	vst v0  }
0x33: {  	[tilespmem:$0x2070] =	vst v0  }
0x34: {  	[tilespmem:$0x2080] =	vst v0  }
0x35: {  	[tilespmem:$0x2090] =	vst v0  }
0x36: {  	[tilespmem:$0x20A0] =	vst v0  }
0x37: {  	[tilespmem:$0x20B0] =	vst v0  }
0x38: {  	[tilespmem:$0x20C0] =	vst v0  }
0x39: {  	[tilespmem:$0x20D0] =	vst v0  }
0x3a: {  	[tilespmem:$0x20E0] =	vst v0  }
0x3b: {  	[tilespmem:$0x20F0] =	vst v0  }
0x3c: {  	[tilespmem:$0x2100] =	vst v0  }
0x3d: {  	[tilespmem:$0x2110] =	vst v0  }
0x3e: {  	[tilespmem:$0x2120] =	vst v0  }
0x3f: {  	[tilespmem:$0x2130] =	vst v0  }
0x40: {  	[tilespmem:$0x2140] =	vst v0  }
0x41: {  	[tilespmem:$0x2150] =	vst v0  }
0x42: {  	[tilespmem:$0x2160] =	vst v0  }
0x43: {  	[tilespmem:$0x2170] =	vst v0  }
0x44: {  	[tilespmem:$0x2180] =	vst v0  }
0x45: {  	[tilespmem:$0x2190] =	vst v0  }
0x46: {  	[tilespmem:$0x21A0] =	vst v0  }
0x47: {  	[tilespmem:$0x21B0] =	vst v0  }
0x48: {  	[tilespmem:$0x21C0] =	vst v0  }
0x49: {  	[tilespmem:$0x21D0] =	vst v0  }
0x4a: {  	[tilespmem:$0x21E0] =	vst v0  }
0x4b: {  	[tilespmem:$0x21F0] =	vst v0  }
0x4c: {  	[tilespmem:$0x2200] =	vst v0  }
0x4d: {  	[tilespmem:$0x2210] =	vst v0  }
0x4e: {  	[tilespmem:$0x2220] =	vst v0  }
0x4f: {  	[tilespmem:$0x2230] =	vst v0  }
0x50: {  	[tilespmem:$0x2240] =	vst v0  }
0x51: {  	[tilespmem:$0x2250] =	vst v0  }
0x52: {  	[tilespmem:$0x2260] =	vst v0  }
0x53: {  	[tilespmem:$0x2270] =	vst v0  }
0x54: {  	[spmem:s13] =	stream.linear.scatter [tilespmem:s14], [sflag:$0x3], $0x280, $0x38;
	[tilespmem:$0x1F598] =	vst v63  }
0x55: {  	_ =	swait.ge [sflag:s12], $0x280  }
0x56: {  	[sflag:s12] =	ssyncset.done $0x0  }
0x57: {  	[sflag:s12] =	ssyncadd.s32 $0xFFFFFD80  }
0x58: {  	[tilespmem:$0xA500] =	vst v0  }
0x59: {  	[tilespmem:$0xA510] =	vst v0  }
0x5a: {  	[tilespmem:$0xA520] =	vst v0  }
0x5b: {  	[tilespmem:$0xA530] =	vst v0  }
0x5c: {  	[tilespmem:$0xA540] =	vst v0  }
0x5d: {  	[tilespmem:$0xA550] =	vst v0  }
0x5e: {  	[tilespmem:$0xA560] =	vst v0  }
0x5f: {  	[tilespmem:$0xA570] =	vst v0  }
0x60: {  	[tilespmem:$0xA580] =	vst v0  }
0x61: {  	[tilespmem:$0xAB00] =	vst v0  }
0x62: {  	[tilespmem:$0xAB10] =	vst v0  }
0x63: {  	[tilespmem:$0xAB20] =	vst v0  }
0x64: {  	[tilespmem:$0xAB30] =	vst v0  }
0x65: {  	[tilespmem:$0xAB40] =	vst v0  }
0x66: {  	[tilespmem:$0xAB50] =	vst v0  }
0x67: {  	[tilespmem:$0xAB60] =	vst v0  }
0x68: {  	[tilespmem:$0xAB70] =	vst v0  }
0x69: {  	[tilespmem:$0xAB80] =	vst v0  }
0x6a: {  	[tilespmem:$0xAB90] =	vst v0  }
0x6b: {  	[tilespmem:$0xABA0] =	vst v0  }
0x6c: {  	[tilespmem:$0xABB0] =	vst v0  }
0x6d: {  	[tilespmem:$0xABC0] =	vst v0  }
0x6e: {  	[tilespmem:$0xABD0] =	vst v0  }
0x6f: {  	[tilespmem:$0xABE0] =	vst v0  }
0x70: {  	[tilespmem:$0xABF0] =	vst v0  }
0x71: {  	[tilespmem:$0xAC00] =	vst v0  }
0x72: {  	[tilespmem:$0xAC10] =	vst v0  }
0x73: {  	[tilespmem:$0xAC20] =	vst v0  }
0x74: {  	[tilespmem:$0xAC30] =	vst v0  }
0x75: {  	[tilespmem:$0xAC40] =	vst v0  }
0x76: {  	[tilespmem:$0xAC50] =	vst v0  }
0x77: {  	[tilespmem:$0xAC60] =	vst v0  }
0x78: {  	[tilespmem:$0xAC70] =	vst v0  }
0x79: {  	[tilespmem:$0xAC80] =	vst v0  }
0x7a: {  	[tilespmem:$0xAC90] =	vst v0  }
0x7b: {  	[tilespmem:$0xACA0] =	vst v0  }
0x7c: {  	[tilespmem:$0xACB0] =	vst v0  }
0x7d: {  	[tilespmem:$0xACC0] =	vst v0  }
0x7e: {  	[tilespmem:$0xACD0] =	vst v0  }
0x7f: {  	[tilespmem:$0xACE0] =	vst v0  }
0x80: {  	[tilespmem:$0xACF0] =	vst v0  }
0x81: {  	[tilespmem:$0xAD00] =	vst v0  }
0x82: {  	[tilespmem:$0xAD10] =	vst v0  }
0x83: {  	[tilespmem:$0xAD20] =	vst v0  }
0x84: {  	[tilespmem:$0xAD30] =	vst v0  }
0x85: {  	[tilespmem:$0xAD40] =	vst v0  }
0x86: {  	[tilespmem:$0xAD50] =	vst v0  }
0x87: {  	[tilespmem:$0xAD60] =	vst v0  }
0x88: {  	[tilespmem:$0xAD70] =	vst v0  }
0x89: {  	[tilespmem:$0xAD80] =	vst v0  }
0x8a: {  	[tilespmem:$0xAD90] =	vst v0  }
0x8b: {  	[tilespmem:$0xADA0] =	vst v0  }
0x8c: {  	[tilespmem:$0xADB0] =	vst v0  }
0x8d: {  	[tilespmem:$0xADC0] =	vst v0  }
0x8e: {  	[tilespmem:$0xADD0] =	vst v0  }
0x8f: {  	[tilespmem:$0xADE0] =	vst v0  }
0x90: {  	[tilespmem:$0xADF0] =	vst v0  }
0x91: {  	[tilespmem:$0xAE00] =	vst v0  }
0x92: {  	[tilespmem:$0xAE10] =	vst v0  }
0x93: {  	[tilespmem:$0xAE20] =	vst v0  }
0x94: {  	[tilespmem:$0xAE30] =	vst v0  }
0x95: {  	[tilespmem:$0xAE40] =	vst v0  }
0x96: {  	[tilespmem:$0xAE50] =	vst v0  }
0x97: {  	[tilespmem:$0xAE60] =	vst v0  }
0x98: {  	[tilespmem:$0xAE70] =	vst v0  }
0x99: {  	[tilespmem:$0xAE80] =	vst v0  }
0x9a: {  	[tilespmem:$0xAE90] =	vst v0  }
0x9b: {  	[tilespmem:$0xAEA0] =	vst v0  }
0x9c: {  	[tilespmem:$0xAEB0] =	vst v0  }
0x9d: {  	[tilespmem:$0xAEC0] =	vst v0  }
0x9e: {  	[tilespmem:$0xAED0] =	vst v0  }
0x9f: {  	[tilespmem:$0xAEE0] =	vst v0  }
0xa0: {  	[tilespmem:$0xAEF0] =	vst v0  }
0xa1: {  	[spmem:s8] =	stream.linear.scatter [tilespmem:s7], [sflag:$0x3], $0x400, $0x38;
	[tilespmem:$0x1F598] =	vst v63  }
0xa2: {  	_ =	swait.ge [sflag:s12], $0x400  }
0xa3: {  	[sflag:s12] =	ssyncset.done $0x0  }
0xa4: {  	s3 =	simm.s32 @!p0 $0xA500;
	[sflag:s12] =	ssyncadd.s32 $0xFFFFFC00  }
0xa5: {  	[spmem:s15] =	stream.linear.scatter @!p0 [tilespmem:s3], [sflag:$0x3], $0x100, $0x38;
	[tilespmem:$0x1F598] =	vst v63  }
0xa6: {  	s3 =	simm.s32 @!p0 $0x3  }
0xa7: {  	_ =	swait.ge @!p0 [sflag:s3], $0x100  }
0xa8: {  	[sflag:s3] =	ssyncset.done @!p0 $0x0  }
0xa9: {  	s5 =	simm.s32 @!p0 $0xAB00;
	s7 =	rddreg [dreg:$0x1b];
	[sflag:s3] =	ssyncadd.s32 @!p0 $0xFFFFFF00  }
0xaa: {  	[spmem:s7] =	stream.linear.scatter @!p0 [tilespmem:s5], [sflag:$0x3], $0x80, $0x38;
	[tilespmem:$0x1F598] =	vst v63  }
0xab: {  	_ =	swait.ge @!p0 [sflag:s3], $0x80  }
0xac: {  	[sflag:s3] =	ssyncset.done @!p0 $0x0  }
0xad: {  	[sflag:s3] =	ssyncadd.s32 @!p0 $0xFFFFFF80  }
0xae: {  	[tilespmem:$0xAA80] =	vst v1  }
0xaf: {  	[tilespmem:$0xAA90] =	vst v1  }
0xb0: {  	[tilespmem:$0xAAA0] =	vst v1  }
0xb1: {  	[tilespmem:$0xAAB0] =	vst v1  }
0xb2: {  	[tilespmem:$0xAAC0] =	vst v1  }
0xb3: {  	[tilespmem:$0xAAD0] =	vst v1  }
0xb4: {  	[tilespmem:$0xAAE0] =	vst v1  }
0xb5: {  	[tilespmem:$0xAAF0] =	vst v1  }
0xb6: {  	[bflag:$0x0] =	sbarrier.arrive $0xFFFF  }
0xb7: {  	s8 =	rddreg [dreg:$0x7]  }
0xb8: {  	s3 =	sadd.s32 $0x0, s8  }
0xb9: {  	[tilespmem:s11], [sflag:$0x3] =	stream.linear.gather [hbm4b:s3+s6], $0x1000, $0x38;
	[tilespmem:$0x1F598] =	vst v63  }
0xba: {  	_ =	swait.ge [sflag:s12], $0x1000  }
0xbb: {  	[sflag:s12] =	ssyncset.done $0x0  }
0xbc: {  	[sflag:s12] =	ssyncadd.s32 $0xFFFFF000  }
0xbd: {  	[spmem:s4] =	stream.indirect.scatter.add.f32 [tilespmem:s29], [sflag:$0x1], $0x1, s11, s28, $0xb8;
	[tilespmem:$0x1F598] =	vst v63  }
0xbe: {  	s9 =	rddreg [dreg:$0x8]  }
0xbf: {  	[spmem:s4] =	stream.indirect.scatter.add.f32 [tilespmem:s29], [sflag:$0x1], $0x1, s9, s28, $0xb8;
	[tilespmem:$0x1F598] =	vst v63  }
0xc0: {  	s12 =	rddreg [dreg:$0x9]  }
0xc1: {  	[spmem:s4] =	stream.indirect.scatter.add.f32 [tilespmem:s29], [sflag:$0x1], $0x1, s12, s28, $0xb8;
	[tilespmem:$0x1F598] =	vst v63  }
0xc2: {  	s13 =	rddreg [dreg:$0xa]  }
0xc3: {  	[spmem:s4] =	stream.indirect.scatter.add.f32 [tilespmem:s29], [sflag:$0x1], $0x1, s13, s28, $0xb8;
	[tilespmem:$0x1F598] =	vst v63  }
0xc4: {  	s14 =	rddreg [dreg:$0xb]  }
0xc5: {  	[spmem:s4] =	stream.indirect.scatter.add.f32 [tilespmem:s29], [sflag:$0x1], $0x1, s14, s28, $0xb8;
	[tilespmem:$0x1F598] =	vst v63  }
0xc6: {  	s15 =	rddreg [dreg:$0xc]  }
0xc7: {  	[spmem:s4] =	stream.indirect.scatter.add.f32 [tilespmem:s29], [sflag:$0x1], $0x1, s15, s28, $0xb8;
	[tilespmem:$0x1F598] =	vst v63  }
0xc8: {  	s16 =	rddreg [dreg:$0xd]  }
0xc9: {  	[spmem:s4] =	stream.indirect.scatter.add.f32 [tilespmem:s29], [sflag:$0x1], $0x1, s16, s28, $0xb8;
	[tilespmem:$0x1F598] =	vst v63  }
0xca: {  	s17 =	rddreg [dreg:$0xe]  }
0xcb: {  	[spmem:s4] =	stream.indirect.scatter.add.f32 [tilespmem:s29], [sflag:$0x1], $0x1, s17, s28, $0xb8;
	[tilespmem:$0x1F598] =	vst v63  }
0xcc: {  	_ =	swait.ge [sflag:s30], $0x80  }
0xcd: {  	[sflag:s30] =	ssyncset.done $0x0  }
0xce: {  	[sflag:s30] =	ssyncadd.s32 $0xFFFFFF80  }
0xcf: {  	_ =	swait.ge [sflag:s30], $0x80  }
0xd0: {  	[sflag:s30] =	ssyncset.done $0x0  }
0xd1: {  	[sflag:s30] =	ssyncadd.s32 $0xFFFFFF80  }
0xd2: {  	_ =	swait.ge [sflag:s30], $0x80  }
0xd3: {  	[sflag:s30] =	ssyncset.done $0x0  }
0xd4: {  	[sflag:s30] =	ssyncadd.s32 $0xFFFFFF80  }
0xd5: {  	_ =	swait.ge [sflag:s30], $0x80  }
0xd6: {  	[sflag:s30] =	ssyncset.done $0x0  }
0xd7: {  	[sflag:s30] =	ssyncadd.s32 $0xFFFFFF80  }
0xd8: {  	_ =	swait.ge [sflag:s30], $0x80  }
0xd9: {  	[sflag:s30] =	ssyncset.done $0x0  }
0xda: {  	[sflag:s30] =	ssyncadd.s32 $0xFFFFFF80  }
0xdb: {  	_ =	swait.ge [sflag:s30], $0x80  }
0xdc: {  	[sflag:s30] =	ssyncset.done $0x0  }
0xdd: {  	[sflag:s30] =	ssyncadd.s32 $0xFFFFFF80  }
0xde: {  	_ =	swait.ge [sflag:s30], $0x80  }
0xdf: {  	[sflag:s30] =	ssyncset.done $0x0  }
0xe0: {  	[sflag:s30] =	ssyncadd.s32 $0xFFFFFF80  }
0xe1: {  	_ =	swait.ge [sflag:s30], $0x80  }
0xe2: {  	[sflag:s30] =	ssyncset.done $0x0  }
0xe3: {  	s18 =	rddreg [dreg:$0xf];
	[sflag:s30] =	ssyncadd.s32 $0xFFFFFF80  }
0xe4: {  	[spmem:s4] =	stream.indirect.scatter.add.f32 [tilespmem:s29], [sflag:$0x1], $0x1, s18, s28, $0xb8;
	[tilespmem:$0x1F598] =	vst v63  }
0xe5: {  	s19 =	rddreg [dreg:$0x10]  }
0xe6: {  	[spmem:s4] =	stream.indirect.scatter.add.f32 [tilespmem:s29], [sflag:$0x1], $0x1, s19, s28, $0xb8;
	[tilespmem:$0x1F598] =	vst v63  }
0xe7: {  	s20 =	rddreg [dreg:$0x11]  }
0xe8: {  	[spmem:s4] =	stream.indirect.scatter.add.f32 [tilespmem:s29], [sflag:$0x1], $0x1, s20, s28, $0xb8;
	[tilespmem:$0x1F598] =	vst v63  }
0xe9: {  	s18 =	simm.s32 $0x1580  }
0xea: {  	[spmem:s4] =	stream.indirect.scatter.add.f32 [tilespmem:s29], [sflag:$0x1], $0x1, s18, s28, $0xb8;
	[tilespmem:$0x1F598] =	vst v63  }
0xeb: {  	s19 =	simm.s32 $0x1600  }
0xec: {  	[spmem:s4] =	stream.indirect.scatter.add.f32 [tilespmem:s29], [sflag:$0x1], $0x1, s19, s28, $0xb8;
	[tilespmem:$0x1F598] =	vst v63  }
0xed: {  	s20 =	simm.s32 $0x1680  }
0xee: {  	[spmem:s4] =	stream.indirect.scatter.add.f32 [tilespmem:s29], [sflag:$0x1], $0x1, s20, s28, $0xb8;
	[tilespmem:$0x1F598] =	vst v63  }
0xef: {  	s24 =	simm.s32 $0x1700  }
0xf0: {  	[spmem:s4] =	stream.indirect.scatter.add.f32 [tilespmem:s29], [sflag:$0x1], $0x1, s24, s28, $0xb8;
	[tilespmem:$0x1F598] =	vst v63  }
0xf1: {  	s25 =	simm.s32 $0x1780  }
0xf2: {  	[spmem:s4] =	stream.indirect.scatter.add.f32 [tilespmem:s29], [sflag:$0x1], $0x1, s25, s28, $0xb8;
	[tilespmem:$0x1F598] =	vst v63  }
0xf3: {  	_ =	swait.ge [sflag:s30], $0x80  }
0xf4: {  	[sflag:s30] =	ssyncset.done $0x0  }
0xf5: {  	[sflag:s30] =	ssyncadd.s32 $0xFFFFFF80  }
0xf6: {  	_ =	swait.ge [sflag:s30], $0x80  }
0xf7: {  	[sflag:s30] =	ssyncset.done $0x0  }
0xf8: {  	[sflag:s30] =	ssyncadd.s32 $0xFFFFFF80  }
0xf9: {  	_ =	swait.ge [sflag:s30], $0x80  }
0xfa: {  	[sflag:s30] =	ssyncset.done $0x0  }
0xfb: {  	[sflag:s30] =	ssyncadd.s32 $0xFFFFFF80  }
0xfc: {  	_ =	swait.ge [sflag:s30], $0x80  }
0xfd: {  	[sflag:s30] =	ssyncset.done $0x0  }
0xfe: {  	[sflag:s30] =	ssyncadd.s32 $0xFFFFFF80  }
0xff: {  	_ =	swait.ge [sflag:s30], $0x80  }
0x100: {  	[sflag:s30] =	ssyncset.done $0x0  }
0x101: {  	[sflag:s30] =	ssyncadd.s32 $0xFFFFFF80  }
0x102: {  	_ =	swait.ge [sflag:s30], $0x80  }
0x103: {  	[sflag:s30] =	ssyncset.done $0x0  }
0x104: {  	[sflag:s30] =	ssyncadd.s32 $0xFFFFFF80  }
0x105: {  	_ =	swait.ge [sflag:s30], $0x80  }
0x106: {  	[sflag:s30] =	ssyncset.done $0x0  }
0x107: {  	[sflag:s30] =	ssyncadd.s32 $0xFFFFFF80  }
0x108: {  	_ =	swait.ge [sflag:s30], $0x80  }
0x109: {  	[sflag:s30] =	ssyncset.done $0x0  }
0x10a: {  	s21 =	simm.s32 $0x1800;
	[sflag:s30] =	ssyncadd.s32 $0xFFFFFF80  }
0x10b: {  	[spmem:s4] =	stream.indirect.scatter.add.f32 [tilespmem:s29], [sflag:$0x1], $0x1, s21, s28, $0xb8;
	[tilespmem:$0x1F598] =	vst v63  }
0x10c: {  	s17 =	simm.s32 $0x1880  }
0x10d: {  	[spmem:s4] =	stream.indirect.scatter.add.f32 [tilespmem:s29], [sflag:$0x1], $0x1, s17, s28, $0xb8;
	[tilespmem:$0x1F598] =	vst v63  }
0x10e: {  	s16 =	simm.s32 $0x1900  }
0x10f: {  	[spmem:s4] =	stream.indirect.scatter.add.f32 [tilespmem:s29], [sflag:$0x1], $0x1, s16, s28, $0xb8;
	[tilespmem:$0x1F598] =	vst v63  }
0x110: {  	s9 =	simm.s32 $0x1980  }
0x111: {  	[spmem:s4] =	stream.indirect.scatter.add.f32 [tilespmem:s29], [sflag:$0x1], $0x1, s9, s28, $0xb8;
	[tilespmem:$0x1F598] =	vst v63  }
0x112: {  	s15 =	simm.s32 $0x1A00  }
0x113: {  	[spmem:s4] =	stream.indirect.scatter.add.f32 [tilespmem:s29], [sflag:$0x1], $0x1, s15, s28, $0xb8;
	[tilespmem:$0x1F598] =	vst v63  }
0x114: {  	s12 =	simm.s32 $0x1A80  }
0x115: {  	[spmem:s4] =	stream.indirect.scatter.add.f32 [tilespmem:s29], [sflag:$0x1], $0x1, s12, s28, $0xb8;
	[tilespmem:$0x1F598] =	vst v63  }
0x116: {  	s6 =	simm.s32 $0x1B00  }
0x117: {  	[spmem:s4] =	stream.indirect.scatter.add.f32 [tilespmem:s29], [sflag:$0x1], $0x1, s6, s28, $0xb8;
	[tilespmem:$0x1F598] =	vst v63  }
0x118: {  	s3 =	simm.s32 $0x1B80  }
0x119: {  	[spmem:s4] =	stream.indirect.scatter.add.f32 [tilespmem:s29], [sflag:$0x1], $0x1, s3, s28, $0xb8;
	[tilespmem:$0x1F598] =	vst v63  }
0x11a: {  	_ =	swait.ge [sflag:s30], $0x80  }
0x11b: {  	[sflag:s30] =	ssyncset.done $0x0  }
0x11c: {  	[sflag:s30] =	ssyncadd.s32 $0xFFFFFF80  }
0x11d: {  	_ =	swait.ge [sflag:s30], $0x80  }
0x11e: {  	[sflag:s30] =	ssyncset.done $0x0  }
0x11f: {  	[sflag:s30] =	ssyncadd.s32 $0xFFFFFF80  }
0x120: {  	_ =	swait.ge [sflag:s30], $0x80  }
0x121: {  	[sflag:s30] =	ssyncset.done $0x0  }
0x122: {  	[sflag:s30] =	ssyncadd.s32 $0xFFFFFF80  }
0x123: {  	_ =	swait.ge [sflag:s30], $0x80  }
0x124: {  	[sflag:s30] =	ssyncset.done $0x0  }
0x125: {  	[sflag:s30] =	ssyncadd.s32 $0xFFFFFF80  }
0x126: {  	_ =	swait.ge [sflag:s30], $0x80  }
0x127: {  	[sflag:s30] =	ssyncset.done $0x0  }
0x128: {  	[sflag:s30] =	ssyncadd.s32 $0xFFFFFF80  }
0x129: {  	_ =	swait.ge [sflag:s30], $0x80  }
0x12a: {  	[sflag:s30] =	ssyncset.done $0x0  }
0x12b: {  	[sflag:s30] =	ssyncadd.s32 $0xFFFFFF80  }
0x12c: {  	_ =	swait.ge [sflag:s30], $0x80  }
0x12d: {  	[sflag:s30] =	ssyncset.done $0x0  }
0x12e: {  	[sflag:s30] =	ssyncadd.s32 $0xFFFFFF80  }
0x12f: {  	_ =	swait.ge [sflag:s30], $0x80  }
0x130: {  	[sflag:s30] =	ssyncset.done $0x0  }
0x131: {  	s21 =	simm.s32 $0x1C00;
	[sflag:s30] =	ssyncadd.s32 $0xFFFFFF80  }
0x132: {  	[spmem:s4] =	stream.indirect.scatter.add.f32 [tilespmem:s29], [sflag:$0x1], $0x1, s21, s28, $0xb8;
	[tilespmem:$0x1F598] =	vst v63  }
0x133: {  	s13 =	simm.s32 $0x1C80  }
0x134: {  	[spmem:s4] =	stream.indirect.scatter.add.f32 [tilespmem:s29], [sflag:$0x1], $0x1, s13, s28, $0xb8;
	[tilespmem:$0x1F598] =	vst v63  }
0x135: {  	s5 =	simm.s32 $0x1D00  }
0x136: {  	[spmem:s4] =	stream.indirect.scatter.add.f32 [tilespmem:s29], [sflag:$0x1], $0x1, s5, s28, $0xb8;
	[tilespmem:$0x1F598] =	vst v63  }
0x137: {  	s8 =	simm.s32 $0x1D80  }
0x138: {  	[spmem:s4] =	stream.indirect.scatter.add.f32 [tilespmem:s29], [sflag:$0x1], $0x1, s8, s28, $0xb8;
	[tilespmem:$0x1F598] =	vst v63  }
0x139: {  	s7 =	simm.s32 $0x1E00  }
0x13a: {  	[spmem:s4] =	stream.indirect.scatter.add.f32 [tilespmem:s29], [sflag:$0x1], $0x1, s7, s28, $0xb8;
	[tilespmem:$0x1F598] =	vst v63  }
0x13b: {  	s5 =	simm.s32 $0x1E80  }
0x13c: {  	[spmem:s4] =	stream.indirect.scatter.add.f32 [tilespmem:s29], [sflag:$0x1], $0x1, s5, s28, $0xb8;
	[tilespmem:$0x1F598] =	vst v63  }
0x13d: {  	s7 =	simm.s32 $0x1F00  }
0x13e: {  	[spmem:s4] =	stream.indirect.scatter.add.f32 [tilespmem:s29], [sflag:$0x1], $0x1, s7, s28, $0xb8;
	[tilespmem:$0x1F598] =	vst v63  }
0x13f: {  	s8 =	simm.s32 $0x1F80  }
0x140: {  	[spmem:s4] =	stream.indirect.scatter.add.f32 [tilespmem:s29], [sflag:$0x1], $0x1, s8, s28, $0xb8;
	[tilespmem:$0x1F598] =	vst v63  }
0x141: {  	_ =	swait.ge [sflag:s30], $0x80  }
0x142: {  	[sflag:s30] =	ssyncset.done $0x0  }
0x143: {  	[sflag:s30] =	ssyncadd.s32 $0xFFFFFF80  }
0x144: {  	_ =	swait.ge [sflag:s30], $0x80  }
0x145: {  	[sflag:s30] =	ssyncset.done $0x0  }
0x146: {  	[sflag:s30] =	ssyncadd.s32 $0xFFFFFF80  }
0x147: {  	_ =	swait.ge [sflag:s30], $0x80  }
0x148: {  	[sflag:s30] =	ssyncset.done $0x0  }
0x149: {  	[sflag:s30] =	ssyncadd.s32 $0xFFFFFF80  }
0x14a: {  	_ =	swait.ge [sflag:s30], $0x80  }
0x14b: {  	[sflag:s30] =	ssyncset.done $0x0  }
0x14c: {  	[sflag:s30] =	ssyncadd.s32 $0xFFFFFF80  }
0x14d: {  	_ =	swait.ge [sflag:s30], $0x80  }
0x14e: {  	[sflag:s30] =	ssyncset.done $0x0  }
0x14f: {  	[sflag:s30] =	ssyncadd.s32 $0xFFFFFF80  }
0x150: {  	_ =	swait.ge [sflag:s30], $0x80  }
0x151: {  	[sflag:s30] =	ssyncset.done $0x0  }
0x152: {  	[sflag:s30] =	ssyncadd.s32 $0xFFFFFF80  }
0x153: {  	_ =	swait.ge [sflag:s30], $0x80  }
0x154: {  	s11 =	simm.s32 $0x1B00;
	s14 =	simm.s32 $0x0;
	[sflag:s30] =	ssyncset.done $0x0  }
0x155: {  	s6 =	simm.s32 $0x1B80;
	s3 =	simm.s32 $0x200;
	[sflag:s30] =	ssyncadd.s32 $0xFFFFFF80  }
0x156: {  	s21 =	simm.s32 $0x1E80;
	s13 =	simm.s32 $0x1E00;
	_ =	swait.ge [sflag:s30], $0x80  }
0x157: {  	s5 =	simm.s32 $0x400;
	s7 =	rddreg [dreg:$0x7];
	[sflag:s30] =	ssyncset.done $0x0  }
.LBB2_2:
0x158: {  	[sflag:s30] =	ssyncadd.s32 $0xFFFFFF80;
	s7 =	sadd.s32 s3, s7  }
0x159: {  	[tilespmem:s22], [sflag:$0x3] =	stream.linear.gather [hbm4b:s7+s14], $0x1000, $0x38;
	[tilespmem:$0x1F598] =	vst v63  }
0x15a: {  	_ =	swait.ge [sflag:s26], $0x1000  }
0x15b: {  	[sflag:s26] =	ssyncset.done $0x0  }
0x15c: {  	[sflag:s26] =	ssyncadd.s32 $0xFFFFF000  }
0x15d: {  	[spmem:s4] =	stream.indirect.scatter.add.f32 [tilespmem:s29], [sflag:$0x1], $0x1, s22, s28, $0xb8;
	[tilespmem:$0x1F598] =	vst v63  }
0x15e: {  	s8 =	smov.u32 s5;
	s7 =	rddreg [dreg:$0x8]  }
0x15f: {  	[spmem:s4] =	stream.indirect.scatter.add.f32 [tilespmem:s29], [sflag:$0x1], $0x1, s7, s28, $0xb8;
	[tilespmem:$0x1F598] =	vst v63  }
0x160: {  	s3 =	smov.u32 s8;
	s8 =	rddreg [dreg:$0x9]  }
0x161: {  	[spmem:s4] =	stream.indirect.scatter.add.f32 [tilespmem:s29], [sflag:$0x1], $0x1, s8, s28, $0xb8;
	[tilespmem:$0x1F598] =	vst v63  }
0x162: {  	s7 =	rddreg [dreg:$0xa]  }
0x163: {  	[spmem:s4] =	stream.indirect.scatter.add.f32 [tilespmem:s29], [sflag:$0x1], $0x1, s7, s28, $0xb8;
	[tilespmem:$0x1F598] =	vst v63  }
0x164: {  	s8 =	rddreg [dreg:$0xb]  }
0x165: {  	[spmem:s4] =	stream.indirect.scatter.add.f32 [tilespmem:s29], [sflag:$0x1], $0x1, s8, s28, $0xb8;
	[tilespmem:$0x1F598] =	vst v63  }
0x166: {  	s7 =	rddreg [dreg:$0xc]  }
0x167: {  	[spmem:s4] =	stream.indirect.scatter.add.f32 [tilespmem:s29], [sflag:$0x1], $0x1, s7, s28, $0xb8;
	[tilespmem:$0x1F598] =	vst v63  }
0x168: {  	s8 =	rddreg [dreg:$0xd]  }
0x169: {  	[spmem:s4] =	stream.indirect.scatter.add.f32 [tilespmem:s29], [sflag:$0x1], $0x1, s8, s28, $0xb8;
	[tilespmem:$0x1F598] =	vst v63  }
0x16a: {  	s7 =	rddreg [dreg:$0xe]  }
0x16b: {  	[spmem:s4] =	stream.indirect.scatter.add.f32 [tilespmem:s29], [sflag:$0x1], $0x1, s7, s28, $0xb8;
	[tilespmem:$0x1F598] =	vst v63  }
0x16c: {  	_ =	swait.ge [sflag:s30], $0x80  }
0x16d: {  	[sflag:s30] =	ssyncset.done $0x0  }
0x16e: {  	[sflag:s30] =	ssyncadd.s32 $0xFFFFFF80  }
0x16f: {  	_ =	swait.ge [sflag:s30], $0x80  }
0x170: {  	[sflag:s30] =	ssyncset.done $0x0  }
0x171: {  	[sflag:s30] =	ssyncadd.s32 $0xFFFFFF80  }
0x172: {  	_ =	swait.ge [sflag:s30], $0x80  }
0x173: {  	[sflag:s30] =	ssyncset.done $0x0  }
0x174: {  	[sflag:s30] =	ssyncadd.s32 $0xFFFFFF80  }
0x175: {  	_ =	swait.ge [sflag:s30], $0x80  }
0x176: {  	[sflag:s30] =	ssyncset.done $0x0  }
0x177: {  	[sflag:s30] =	ssyncadd.s32 $0xFFFFFF80  }
0x178: {  	_ =	swait.ge [sflag:s30], $0x80  }
0x179: {  	[sflag:s30] =	ssyncset.done $0x0  }
0x17a: {  	[sflag:s30] =	ssyncadd.s32 $0xFFFFFF80  }
0x17b: {  	_ =	swait.ge [sflag:s30], $0x80  }
0x17c: {  	[sflag:s30] =	ssyncset.done $0x0  }
0x17d: {  	[sflag:s30] =	ssyncadd.s32 $0xFFFFFF80  }
0x17e: {  	_ =	swait.ge [sflag:s30], $0x80  }
0x17f: {  	[sflag:s30] =	ssyncset.done $0x0  }
0x180: {  	[sflag:s30] =	ssyncadd.s32 $0xFFFFFF80  }
0x181: {  	_ =	swait.ge [sflag:s30], $0x80  }
0x182: {  	[sflag:s30] =	ssyncset.done $0x0  }
0x183: {  	s7 =	rddreg [dreg:$0xf];
	[sflag:s30] =	ssyncadd.s32 $0xFFFFFF80  }
0x184: {  	[spmem:s4] =	stream.indirect.scatter.add.f32 [tilespmem:s29], [sflag:$0x1], $0x1, s7, s28, $0xb8;
	[tilespmem:$0x1F598] =	vst v63  }
0x185: {  	s8 =	rddreg [dreg:$0x10]  }
0x186: {  	[spmem:s4] =	stream.indirect.scatter.add.f32 [tilespmem:s29], [sflag:$0x1], $0x1, s8, s28, $0xb8;
	[tilespmem:$0x1F598] =	vst v63  }
0x187: {  	s7 =	rddreg [dreg:$0x11]  }
0x188: {  	[spmem:s4] =	stream.indirect.scatter.add.f32 [tilespmem:s29], [sflag:$0x1], $0x1, s7, s28, $0xb8;
	[tilespmem:$0x1F598] =	vst v63  }
0x189: {  	_ = 	snop  }
0x18a: {  	[spmem:s4] =	stream.indirect.scatter.add.f32 [tilespmem:s29], [sflag:$0x1], $0x1, s18, s28, $0xb8;
	[tilespmem:$0x1F598] =	vst v63  }
0x18b: {  	_ = 	snop  }
0x18c: {  	[spmem:s4] =	stream.indirect.scatter.add.f32 [tilespmem:s29], [sflag:$0x1], $0x1, s19, s28, $0xb8;
	[tilespmem:$0x1F598] =	vst v63  }
0x18d: {  	_ = 	snop  }
0x18e: {  	[spmem:s4] =	stream.indirect.scatter.add.f32 [tilespmem:s29], [sflag:$0x1], $0x1, s20, s28, $0xb8;
	[tilespmem:$0x1F598] =	vst v63  }
0x18f: {  	_ = 	snop  }
0x190: {  	[spmem:s4] =	stream.indirect.scatter.add.f32 [tilespmem:s29], [sflag:$0x1], $0x1, s24, s28, $0xb8;
	[tilespmem:$0x1F598] =	vst v63  }
0x191: {  	_ = 	snop  }
0x192: {  	[spmem:s4] =	stream.indirect.scatter.add.f32 [tilespmem:s29], [sflag:$0x1], $0x1, s25, s28, $0xb8;
	[tilespmem:$0x1F598] =	vst v63  }
0x193: {  	_ =	swait.ge [sflag:s30], $0x80  }
0x194: {  	[sflag:s30] =	ssyncset.done $0x0  }
0x195: {  	[sflag:s30] =	ssyncadd.s32 $0xFFFFFF80  }
0x196: {  	_ =	swait.ge [sflag:s30], $0x80  }
0x197: {  	[sflag:s30] =	ssyncset.done $0x0  }
0x198: {  	[sflag:s30] =	ssyncadd.s32 $0xFFFFFF80  }
0x199: {  	_ =	swait.ge [sflag:s30], $0x80  }
0x19a: {  	[sflag:s30] =	ssyncset.done $0x0  }
0x19b: {  	[sflag:s30] =	ssyncadd.s32 $0xFFFFFF80  }
0x19c: {  	_ =	swait.ge [sflag:s30], $0x80  }
0x19d: {  	[sflag:s30] =	ssyncset.done $0x0  }
0x19e: {  	[sflag:s30] =	ssyncadd.s32 $0xFFFFFF80  }
0x19f: {  	_ =	swait.ge [sflag:s30], $0x80  }
0x1a0: {  	[sflag:s30] =	ssyncset.done $0x0  }
0x1a1: {  	[sflag:s30] =	ssyncadd.s32 $0xFFFFFF80  }
0x1a2: {  	_ =	swait.ge [sflag:s30], $0x80  }
0x1a3: {  	[sflag:s30] =	ssyncset.done $0x0  }
0x1a4: {  	[sflag:s30] =	ssyncadd.s32 $0xFFFFFF80  }
0x1a5: {  	_ =	swait.ge [sflag:s30], $0x80  }
0x1a6: {  	[sflag:s30] =	ssyncset.done $0x0  }
0x1a7: {  	[sflag:s30] =	ssyncadd.s32 $0xFFFFFF80  }
0x1a8: {  	_ =	swait.ge [sflag:s30], $0x80  }
0x1a9: {  	[sflag:s30] =	ssyncset.done $0x0  }
0x1aa: {  	s8 =	simm.s32 $0x1800;
	[sflag:s30] =	ssyncadd.s32 $0xFFFFFF80  }
0x1ab: {  	[spmem:s4] =	stream.indirect.scatter.add.f32 [tilespmem:s29], [sflag:$0x1], $0x1, s8, s28, $0xb8;
	[tilespmem:$0x1F598] =	vst v63  }
0x1ac: {  	_ = 	snop  }
0x1ad: {  	[spmem:s4] =	stream.indirect.scatter.add.f32 [tilespmem:s29], [sflag:$0x1], $0x1, s17, s28, $0xb8;
	[tilespmem:$0x1F598] =	vst v63  }
0x1ae: {  	_ = 	snop  }
0x1af: {  	[spmem:s4] =	stream.indirect.scatter.add.f32 [tilespmem:s29], [sflag:$0x1], $0x1, s16, s28, $0xb8;
	[tilespmem:$0x1F598] =	vst v63  }
0x1b0: {  	_ = 	snop  }
0x1b1: {  	[spmem:s4] =	stream.indirect.scatter.add.f32 [tilespmem:s29], [sflag:$0x1], $0x1, s9, s28, $0xb8;
	[tilespmem:$0x1F598] =	vst v63  }
0x1b2: {  	_ = 	snop  }
0x1b3: {  	[spmem:s4] =	stream.indirect.scatter.add.f32 [tilespmem:s29], [sflag:$0x1], $0x1, s15, s28, $0xb8;
	[tilespmem:$0x1F598] =	vst v63  }
0x1b4: {  	_ = 	snop  }
0x1b5: {  	[spmem:s4] =	stream.indirect.scatter.add.f32 [tilespmem:s29], [sflag:$0x1], $0x1, s12, s28, $0xb8;
	[tilespmem:$0x1F598] =	vst v63  }
0x1b6: {  	_ = 	snop  }
0x1b7: {  	[spmem:s4] =	stream.indirect.scatter.add.f32 [tilespmem:s29], [sflag:$0x1], $0x1, s11, s28, $0xb8;
	[tilespmem:$0x1F598] =	vst v63  }
0x1b8: {  	_ = 	snop  }
0x1b9: {  	[spmem:s4] =	stream.indirect.scatter.add.f32 [tilespmem:s29], [sflag:$0x1], $0x1, s6, s28, $0xb8;
	[tilespmem:$0x1F598] =	vst v63  }
0x1ba: {  	_ =	swait.ge [sflag:s30], $0x80  }
0x1bb: {  	[sflag:s30] =	ssyncset.done $0x0  }
0x1bc: {  	[sflag:s30] =	ssyncadd.s32 $0xFFFFFF80  }
0x1bd: {  	_ =	swait.ge [sflag:s30], $0x80  }
0x1be: {  	[sflag:s30] =	ssyncset.done $0x0  }
0x1bf: {  	[sflag:s30] =	ssyncadd.s32 $0xFFFFFF80  }
0x1c0: {  	_ =	swait.ge [sflag:s30], $0x80  }
0x1c1: {  	[sflag:s30] =	ssyncset.done $0x0  }
0x1c2: {  	[sflag:s30] =	ssyncadd.s32 $0xFFFFFF80  }
0x1c3: {  	_ =	swait.ge [sflag:s30], $0x80  }
0x1c4: {  	[sflag:s30] =	ssyncset.done $0x0  }
0x1c5: {  	[sflag:s30] =	ssyncadd.s32 $0xFFFFFF80  }
0x1c6: {  	_ =	swait.ge [sflag:s30], $0x80  }
0x1c7: {  	[sflag:s30] =	ssyncset.done $0x0  }
0x1c8: {  	[sflag:s30] =	ssyncadd.s32 $0xFFFFFF80  }
0x1c9: {  	_ =	swait.ge [sflag:s30], $0x80  }
0x1ca: {  	[sflag:s30] =	ssyncset.done $0x0  }
0x1cb: {  	[sflag:s30] =	ssyncadd.s32 $0xFFFFFF80  }
0x1cc: {  	_ =	swait.ge [sflag:s30], $0x80  }
0x1cd: {  	[sflag:s30] =	ssyncset.done $0x0  }
0x1ce: {  	[sflag:s30] =	ssyncadd.s32 $0xFFFFFF80  }
0x1cf: {  	_ =	swait.ge [sflag:s30], $0x80  }
0x1d0: {  	[sflag:s30] =	ssyncset.done $0x0  }
0x1d1: {  	s7 =	simm.s32 $0x1C00;
	[sflag:s30] =	ssyncadd.s32 $0xFFFFFF80  }
0x1d2: {  	[spmem:s4] =	stream.indirect.scatter.add.f32 [tilespmem:s29], [sflag:$0x1], $0x1, s7, s28, $0xb8;
	[tilespmem:$0x1F598] =	vst v63  }
0x1d3: {  	s7 =	simm.s32 $0x1C80  }
0x1d4: {  	[spmem:s4] =	stream.indirect.scatter.add.f32 [tilespmem:s29], [sflag:$0x1], $0x1, s7, s28, $0xb8;
	[tilespmem:$0x1F598] =	vst v63  }
0x1d5: {  	s7 =	simm.s32 $0x1D00  }
0x1d6: {  	[spmem:s4] =	stream.indirect.scatter.add.f32 [tilespmem:s29], [sflag:$0x1], $0x1, s7, s28, $0xb8;
	[tilespmem:$0x1F598] =	vst v63  }
0x1d7: {  	s7 =	simm.s32 $0x1D80  }
0x1d8: {  	[spmem:s4] =	stream.indirect.scatter.add.f32 [tilespmem:s29], [sflag:$0x1], $0x1, s7, s28, $0xb8;
	[tilespmem:$0x1F598] =	vst v63  }
0x1d9: {  	_ = 	snop  }
0x1da: {  	[spmem:s4] =	stream.indirect.scatter.add.f32 [tilespmem:s29], [sflag:$0x1], $0x1, s13, s28, $0xb8;
	[tilespmem:$0x1F598] =	vst v63  }
0x1db: {  	_ = 	snop  }
0x1dc: {  	[spmem:s4] =	stream.indirect.scatter.add.f32 [tilespmem:s29], [sflag:$0x1], $0x1, s21, s28, $0xb8;
	[tilespmem:$0x1F598] =	vst v63  }
0x1dd: {  	s7 =	simm.s32 $0x1F00  }
0x1de: {  	[spmem:s4] =	stream.indirect.scatter.add.f32 [tilespmem:s29], [sflag:$0x1], $0x1, s7, s28, $0xb8;
	[tilespmem:$0x1F598] =	vst v63  }
0x1df: {  	s7 =	simm.s32 $0x1F80  }
0x1e0: {  	[spmem:s4] =	stream.indirect.scatter.add.f32 [tilespmem:s29], [sflag:$0x1], $0x1, s7, s28, $0xb8;
	[tilespmem:$0x1F598] =	vst v63  }
0x1e1: {  	_ =	swait.ge [sflag:s30], $0x80  }
0x1e2: {  	[sflag:s30] =	ssyncset.done $0x0  }
0x1e3: {  	[sflag:s30] =	ssyncadd.s32 $0xFFFFFF80  }
0x1e4: {  	_ =	swait.ge [sflag:s30], $0x80  }
0x1e5: {  	[sflag:s30] =	ssyncset.done $0x0  }
0x1e6: {  	[sflag:s30] =	ssyncadd.s32 $0xFFFFFF80  }
0x1e7: {  	_ =	swait.ge [sflag:s30], $0x80  }
0x1e8: {  	[sflag:s30] =	ssyncset.done $0x0  }
0x1e9: {  	[sflag:s30] =	ssyncadd.s32 $0xFFFFFF80  }
0x1ea: {  	_ =	swait.ge [sflag:s30], $0x80  }
0x1eb: {  	[sflag:s30] =	ssyncset.done $0x0  }
0x1ec: {  	[sflag:s30] =	ssyncadd.s32 $0xFFFFFF80  }
0x1ed: {  	_ =	swait.ge [sflag:s30], $0x80  }
0x1ee: {  	[sflag:s30] =	ssyncset.done $0x0  }
0x1ef: {  	[sflag:s30] =	ssyncadd.s32 $0xFFFFFF80  }
0x1f0: {  	_ =	swait.ge [sflag:s30], $0x80  }
0x1f1: {  	[sflag:s30] =	ssyncset.done $0x0  }
0x1f2: {  	p1 =	sne.s32 s5, $0x800;
	[sflag:s30] =	ssyncadd.s32 $0xFFFFFF80  }
.Ltmp0:
0x1f3: {  	_ =	swait.ge [sflag:s30], $0x80;
	(pc) =	sbr.rel @p1 .LBB2_2-.Ltmp0, $4  }
0x1f4: {  	[sflag:s30] =	ssyncset.done $0x0  }
0x1f5: {  	[sflag:s30] =	ssyncadd.s32 $0xFFFFFF80  }
0x1f6: {  	_ =	swait.ge [sflag:s30], $0x80  }
0x1f7: {  	s5 =	sadd.s32 $0x200, s5;
	s7 =	rddreg [dreg:$0x7];
	[sflag:s30] =	ssyncset.done $0x0  }
0x1f8: {  	[sflag:s30] =	ssyncadd.s32 $0xFFFFFF80;
	s3 =	sadd.s32 s3, s7  }
0x1f9: {  	[tilespmem:s22], [sflag:$0x3] =	stream.linear.gather [hbm4b:s3+s14], $0x1000, $0x38;
	[tilespmem:$0x1F598] =	vst v63  }
0x1fa: {  	_ =	swait.ge [sflag:s26], $0x1000  }
0x1fb: {  	[sflag:s26] =	ssyncset.done $0x0  }
0x1fc: {  	[sflag:s26] =	ssyncadd.s32 $0xFFFFF000  }
0x1fd: {  	[spmem:s4] =	stream.indirect.scatter.add.f32 [tilespmem:s29], [sflag:$0x1], $0x1, s22, s28, $0xb8;
	[tilespmem:$0x1F598] =	vst v63  }
0x1fe: {  	s7 =	rddreg [dreg:$0x8]  }
0x1ff: {  	[spmem:s4] =	stream.indirect.scatter.add.f32 [tilespmem:s29], [sflag:$0x1], $0x1, s7, s28, $0xb8;
	[tilespmem:$0x1F598] =	vst v63  }
0x200: {  	s5 =	rddreg [dreg:$0x9]  }
0x201: {  	[spmem:s4] =	stream.indirect.scatter.add.f32 [tilespmem:s29], [sflag:$0x1], $0x1, s5, s28, $0xb8;
	[tilespmem:$0x1F598] =	vst v63  }
0x202: {  	s14 =	rddreg [dreg:$0xa]  }
0x203: {  	[spmem:s4] =	stream.indirect.scatter.add.f32 [tilespmem:s29], [sflag:$0x1], $0x1, s14, s28, $0xb8;
	[tilespmem:$0x1F598] =	vst v63  }
0x204: {  	s7 =	rddreg [dreg:$0xb]  }
0x205: {  	[spmem:s4] =	stream.indirect.scatter.add.f32 [tilespmem:s29], [sflag:$0x1], $0x1, s7, s28, $0xb8;
	[tilespmem:$0x1F598] =	vst v63  }
0x206: {  	s14 =	rddreg [dreg:$0xc]  }
0x207: {  	[spmem:s4] =	stream.indirect.scatter.add.f32 [tilespmem:s29], [sflag:$0x1], $0x1, s14, s28, $0xb8;
	[tilespmem:$0x1F598] =	vst v63  }
0x208: {  	s7 =	rddreg [dreg:$0xd]  }
0x209: {  	[spmem:s4] =	stream.indirect.scatter.add.f32 [tilespmem:s29], [sflag:$0x1], $0x1, s7, s28, $0xb8;
	[tilespmem:$0x1F598] =	vst v63  }
0x20a: {  	s14 =	rddreg [dreg:$0xe]  }
0x20b: {  	[spmem:s4] =	stream.indirect.scatter.add.f32 [tilespmem:s29], [sflag:$0x1], $0x1, s14, s28, $0xb8;
	[tilespmem:$0x1F598] =	vst v63  }
0x20c: {  	_ =	swait.ge [sflag:s30], $0x80  }
0x20d: {  	[sflag:s30] =	ssyncset.done $0x0  }
0x20e: {  	[sflag:s30] =	ssyncadd.s32 $0xFFFFFF80  }
0x20f: {  	_ =	swait.ge [sflag:s30], $0x80  }
0x210: {  	[sflag:s30] =	ssyncset.done $0x0  }
0x211: {  	[sflag:s30] =	ssyncadd.s32 $0xFFFFFF80  }
0x212: {  	_ =	swait.ge [sflag:s30], $0x80  }
0x213: {  	[sflag:s30] =	ssyncset.done $0x0  }
0x214: {  	[sflag:s30] =	ssyncadd.s32 $0xFFFFFF80  }
0x215: {  	_ =	swait.ge [sflag:s30], $0x80  }
0x216: {  	[sflag:s30] =	ssyncset.done $0x0  }
0x217: {  	[sflag:s30] =	ssyncadd.s32 $0xFFFFFF80  }
0x218: {  	_ =	swait.ge [sflag:s30], $0x80  }
0x219: {  	[sflag:s30] =	ssyncset.done $0x0  }
0x21a: {  	[sflag:s30] =	ssyncadd.s32 $0xFFFFFF80  }
0x21b: {  	_ =	swait.ge [sflag:s30], $0x80  }
0x21c: {  	[sflag:s30] =	ssyncset.done $0x0  }
0x21d: {  	[sflag:s30] =	ssyncadd.s32 $0xFFFFFF80  }
0x21e: {  	_ =	swait.ge [sflag:s30], $0x80  }
0x21f: {  	[sflag:s30] =	ssyncset.done $0x0  }
0x220: {  	[sflag:s30] =	ssyncadd.s32 $0xFFFFFF80  }
0x221: {  	_ =	swait.ge [sflag:s30], $0x80  }
0x222: {  	[sflag:s30] =	ssyncset.done $0x0  }
0x223: {  	s7 =	rddreg [dreg:$0xf];
	[sflag:s30] =	ssyncadd.s32 $0xFFFFFF80  }
0x224: {  	[spmem:s4] =	stream.indirect.scatter.add.f32 [tilespmem:s29], [sflag:$0x1], $0x1, s7, s28, $0xb8;
	[tilespmem:$0x1F598] =	vst v63  }
0x225: {  	s14 =	rddreg [dreg:$0x10]  }
0x226: {  	[spmem:s4] =	stream.indirect.scatter.add.f32 [tilespmem:s29], [sflag:$0x1], $0x1, s14, s28, $0xb8;
	[tilespmem:$0x1F598] =	vst v63  }
0x227: {  	s7 =	rddreg [dreg:$0x11]  }
0x228: {  	[spmem:s4] =	stream.indirect.scatter.add.f32 [tilespmem:s29], [sflag:$0x1], $0x1, s7, s28, $0xb8;
	[tilespmem:$0x1F598] =	vst v63  }
0x229: {  	_ = 	snop  }
0x22a: {  	[spmem:s4] =	stream.indirect.scatter.add.f32 [tilespmem:s29], [sflag:$0x1], $0x1, s18, s28, $0xb8;
	[tilespmem:$0x1F598] =	vst v63  }
0x22b: {  	_ = 	snop  }
0x22c: {  	[spmem:s4] =	stream.indirect.scatter.add.f32 [tilespmem:s29], [sflag:$0x1], $0x1, s19, s28, $0xb8;
	[tilespmem:$0x1F598] =	vst v63  }
0x22d: {  	_ = 	snop  }
0x22e: {  	[spmem:s4] =	stream.indirect.scatter.add.f32 [tilespmem:s29], [sflag:$0x1], $0x1, s20, s28, $0xb8;
	[tilespmem:$0x1F598] =	vst v63  }
0x22f: {  	_ = 	snop  }
0x230: {  	[spmem:s4] =	stream.indirect.scatter.add.f32 [tilespmem:s29], [sflag:$0x1], $0x1, s24, s28, $0xb8;
	[tilespmem:$0x1F598] =	vst v63  }
0x231: {  	_ = 	snop  }
0x232: {  	[spmem:s4] =	stream.indirect.scatter.add.f32 [tilespmem:s29], [sflag:$0x1], $0x1, s25, s28, $0xb8;
	[tilespmem:$0x1F598] =	vst v63  }
0x233: {  	_ =	swait.ge [sflag:s30], $0x80  }
0x234: {  	[sflag:s30] =	ssyncset.done $0x0  }
0x235: {  	[sflag:s30] =	ssyncadd.s32 $0xFFFFFF80  }
0x236: {  	_ =	swait.ge [sflag:s30], $0x80  }
0x237: {  	[sflag:s30] =	ssyncset.done $0x0  }
0x238: {  	[sflag:s30] =	ssyncadd.s32 $0xFFFFFF80  }
0x239: {  	_ =	swait.ge [sflag:s30], $0x80  }
0x23a: {  	[sflag:s30] =	ssyncset.done $0x0  }
0x23b: {  	[sflag:s30] =	ssyncadd.s32 $0xFFFFFF80  }
0x23c: {  	_ =	swait.ge [sflag:s30], $0x80  }
0x23d: {  	[sflag:s30] =	ssyncset.done $0x0  }
0x23e: {  	[sflag:s30] =	ssyncadd.s32 $0xFFFFFF80  }
0x23f: {  	_ =	swait.ge [sflag:s30], $0x80  }
0x240: {  	[sflag:s30] =	ssyncset.done $0x0  }
0x241: {  	[sflag:s30] =	ssyncadd.s32 $0xFFFFFF80  }
0x242: {  	_ =	swait.ge [sflag:s30], $0x80  }
0x243: {  	[sflag:s30] =	ssyncset.done $0x0  }
0x244: {  	[sflag:s30] =	ssyncadd.s32 $0xFFFFFF80  }
0x245: {  	_ =	swait.ge [sflag:s30], $0x80  }
0x246: {  	[sflag:s30] =	ssyncset.done $0x0  }
0x247: {  	[sflag:s30] =	ssyncadd.s32 $0xFFFFFF80  }
0x248: {  	_ =	swait.ge [sflag:s30], $0x80  }
0x249: {  	[sflag:s30] =	ssyncset.done $0x0  }
0x24a: {  	[sflag:s30] =	ssyncadd.s32 $0xFFFFFF80  }
0x24b: {  	[spmem:s4] =	stream.indirect.scatter.add.f32 [tilespmem:s29], [sflag:$0x1], $0x1, s8, s28, $0xb8;
	[tilespmem:$0x1F598] =	vst v63  }
0x24c: {  	_ = 	snop  }
0x24d: {  	[spmem:s4] =	stream.indirect.scatter.add.f32 [tilespmem:s29], [sflag:$0x1], $0x1, s17, s28, $0xb8;
	[tilespmem:$0x1F598] =	vst v63  }
0x24e: {  	_ = 	snop  }
0x24f: {  	[spmem:s4] =	stream.indirect.scatter.add.f32 [tilespmem:s29], [sflag:$0x1], $0x1, s16, s28, $0xb8;
	[tilespmem:$0x1F598] =	vst v63  }
0x250: {  	_ = 	snop  }
0x251: {  	[spmem:s4] =	stream.indirect.scatter.add.f32 [tilespmem:s29], [sflag:$0x1], $0x1, s9, s28, $0xb8;
	[tilespmem:$0x1F598] =	vst v63  }
0x252: {  	_ = 	snop  }
0x253: {  	[spmem:s4] =	stream.indirect.scatter.add.f32 [tilespmem:s29], [sflag:$0x1], $0x1, s15, s28, $0xb8;
	[tilespmem:$0x1F598] =	vst v63  }
0x254: {  	_ = 	snop  }
0x255: {  	[spmem:s4] =	stream.indirect.scatter.add.f32 [tilespmem:s29], [sflag:$0x1], $0x1, s12, s28, $0xb8;
	[tilespmem:$0x1F598] =	vst v63  }
0x256: {  	_ = 	snop  }
0x257: {  	[spmem:s4] =	stream.indirect.scatter.add.f32 [tilespmem:s29], [sflag:$0x1], $0x1, s11, s28, $0xb8;
	[tilespmem:$0x1F598] =	vst v63  }
0x258: {  	_ = 	snop  }
0x259: {  	[spmem:s4] =	stream.indirect.scatter.add.f32 [tilespmem:s29], [sflag:$0x1], $0x1, s6, s28, $0xb8;
	[tilespmem:$0x1F598] =	vst v63  }
0x25a: {  	_ =	swait.ge [sflag:s30], $0x80  }
0x25b: {  	[sflag:s30] =	ssyncset.done $0x0  }
0x25c: {  	[sflag:s30] =	ssyncadd.s32 $0xFFFFFF80  }
0x25d: {  	_ =	swait.ge [sflag:s30], $0x80  }
0x25e: {  	[sflag:s30] =	ssyncset.done $0x0  }
0x25f: {  	[sflag:s30] =	ssyncadd.s32 $0xFFFFFF80  }
0x260: {  	_ =	swait.ge [sflag:s30], $0x80  }
0x261: {  	[sflag:s30] =	ssyncset.done $0x0  }
0x262: {  	[sflag:s30] =	ssyncadd.s32 $0xFFFFFF80  }
0x263: {  	_ =	swait.ge [sflag:s30], $0x80  }
0x264: {  	[sflag:s30] =	ssyncset.done $0x0  }
0x265: {  	[sflag:s30] =	ssyncadd.s32 $0xFFFFFF80  }
0x266: {  	_ =	swait.ge [sflag:s30], $0x80  }
0x267: {  	[sflag:s30] =	ssyncset.done $0x0  }
0x268: {  	[sflag:s30] =	ssyncadd.s32 $0xFFFFFF80  }
0x269: {  	_ =	swait.ge [sflag:s30], $0x80  }
0x26a: {  	[sflag:s30] =	ssyncset.done $0x0  }
0x26b: {  	[sflag:s30] =	ssyncadd.s32 $0xFFFFFF80  }
0x26c: {  	_ =	swait.ge [sflag:s30], $0x80  }
0x26d: {  	[sflag:s30] =	ssyncset.done $0x0  }
0x26e: {  	[sflag:s30] =	ssyncadd.s32 $0xFFFFFF80  }
0x26f: {  	_ =	swait.ge [sflag:s30], $0x80  }
0x270: {  	[sflag:s30] =	ssyncset.done $0x0  }
0x271: {  	s8 =	simm.s32 $0x1C00;
	[sflag:s30] =	ssyncadd.s32 $0xFFFFFF80  }
0x272: {  	[spmem:s4] =	stream.indirect.scatter.add.f32 [tilespmem:s29], [sflag:$0x1], $0x1, s8, s28, $0xb8;
	[tilespmem:$0x1F598] =	vst v63  }
0x273: {  	s9 =	simm.s32 $0x1C80  }
0x274: {  	[spmem:s4] =	stream.indirect.scatter.add.f32 [tilespmem:s29], [sflag:$0x1], $0x1, s9, s28, $0xb8;
	[tilespmem:$0x1F598] =	vst v63  }
0x275: {  	s11 =	simm.s32 $0x1D00  }
0x276: {  	[spmem:s4] =	stream.indirect.scatter.add.f32 [tilespmem:s29], [sflag:$0x1], $0x1, s11, s28, $0xb8;
	[tilespmem:$0x1F598] =	vst v63  }
0x277: {  	s12 =	simm.s32 $0x1D80  }
0x278: {  	[spmem:s4] =	stream.indirect.scatter.add.f32 [tilespmem:s29], [sflag:$0x1], $0x1, s12, s28, $0xb8;
	[tilespmem:$0x1F598] =	vst v63  }
0x279: {  	_ = 	snop  }
0x27a: {  	[spmem:s4] =	stream.indirect.scatter.add.f32 [tilespmem:s29], [sflag:$0x1], $0x1, s13, s28, $0xb8;
	[tilespmem:$0x1F598] =	vst v63  }
0x27b: {  	_ = 	snop  }
0x27c: {  	[spmem:s4] =	stream.indirect.scatter.add.f32 [tilespmem:s29], [sflag:$0x1], $0x1, s21, s28, $0xb8;
	[tilespmem:$0x1F598] =	vst v63  }
0x27d: {  	s14 =	simm.s32 $0x1F00  }
0x27e: {  	[spmem:s4] =	stream.indirect.scatter.add.f32 [tilespmem:s29], [sflag:$0x1], $0x1, s14, s28, $0xb8;
	[tilespmem:$0x1F598] =	vst v63  }
0x27f: {  	s15 =	simm.s32 $0x1F80  }
0x280: {  	[spmem:s4] =	stream.indirect.scatter.add.f32 [tilespmem:s29], [sflag:$0x1], $0x1, s15, s28, $0xb8;
	[tilespmem:$0x1F598] =	vst v63  }
0x281: {  	_ =	swait.ge [sflag:s30], $0x80  }
0x282: {  	[sflag:s30] =	ssyncset.done $0x0  }
0x283: {  	[sflag:s30] =	ssyncadd.s32 $0xFFFFFF80  }
0x284: {  	_ =	swait.ge [sflag:s30], $0x80  }
0x285: {  	[sflag:s30] =	ssyncset.done $0x0  }
0x286: {  	[sflag:s30] =	ssyncadd.s32 $0xFFFFFF80  }
0x287: {  	_ =	swait.ge [sflag:s30], $0x80  }
0x288: {  	[sflag:s30] =	ssyncset.done $0x0  }
0x289: {  	[sflag:s30] =	ssyncadd.s32 $0xFFFFFF80  }
0x28a: {  	_ =	swait.ge [sflag:s30], $0x80  }
0x28b: {  	[sflag:s30] =	ssyncset.done $0x0  }
0x28c: {  	[sflag:s30] =	ssyncadd.s32 $0xFFFFFF80  }
0x28d: {  	_ =	swait.ge [sflag:s30], $0x80  }
0x28e: {  	[sflag:s30] =	ssyncset.done $0x0  }
0x28f: {  	[sflag:s30] =	ssyncadd.s32 $0xFFFFFF80  }
0x290: {  	_ =	swait.ge [sflag:s30], $0x80  }
0x291: {  	[sflag:s30] =	ssyncset.done $0x0  }
0x292: {  	[sflag:s30] =	ssyncadd.s32 $0xFFFFFF80  }
0x293: {  	_ =	swait.ge [sflag:s30], $0x80  }
0x294: {  	[sflag:s30] =	ssyncset.done $0x0  }
0x295: {  	[sflag:s30] =	ssyncadd.s32 $0xFFFFFF80  }
0x296: {  	_ =	swait.ge [sflag:s30], $0x80  }
0x297: {  	[sflag:s30] =	ssyncset.done $0x0  }
0x298: {  	[sflag:s30] =	ssyncadd.s32 $0xFFFFFF80  }
0x299: {  	s17 =	simm.s32 $0xA600;
	s16 =	rddreg [dreg:$0x5]  }
0x29a: {  	[spmem:s16] =	stream.indirect.scatter.add.f32 [tilespmem:s29], [sflag:$0x3], $0x1, s17, s28, $0xb8;
	[tilespmem:$0x1F598] =	vst v63  }
0x29b: {  	_ =	swait.ge [sflag:s26], $0x80  }
0x29c: {  	[sflag:s26] =	ssyncset.done $0x0  }
0x29d: {  	s18 =	simm.s32 $0xA680;
	[sflag:s26] =	ssyncadd.s32 $0xFFFFFF80  }
0x29e: {  	[spmem:s16] =	stream.indirect.scatter.add.f32 [tilespmem:s29], [sflag:$0x3], $0x1, s18, s28, $0xb8;
	[tilespmem:$0x1F598] =	vst v63  }
0x29f: {  	_ =	swait.ge [sflag:s26], $0x80  }
0x2a0: {  	[sflag:s26] =	ssyncset.done $0x0  }
0x2a1: {  	s19 =	simm.s32 $0xA700;
	[sflag:s26] =	ssyncadd.s32 $0xFFFFFF80  }
0x2a2: {  	[spmem:s16] =	stream.indirect.scatter.add.f32 [tilespmem:s29], [sflag:$0x3], $0x1, s19, s28, $0xb8;
	[tilespmem:$0x1F598] =	vst v63  }
0x2a3: {  	_ =	swait.ge [sflag:s26], $0x80  }
0x2a4: {  	[sflag:s26] =	ssyncset.done $0x0  }
0x2a5: {  	s20 =	simm.s32 $0xA780;
	[sflag:s26] =	ssyncadd.s32 $0xFFFFFF80  }
0x2a6: {  	[spmem:s16] =	stream.indirect.scatter.add.f32 [tilespmem:s29], [sflag:$0x3], $0x1, s20, s28, $0xb8;
	[tilespmem:$0x1F598] =	vst v63  }
0x2a7: {  	_ =	swait.ge [sflag:s26], $0x80  }
0x2a8: {  	[sflag:s26] =	ssyncset.done $0x0  }
0x2a9: {  	s21 =	simm.s32 $0xA800;
	[sflag:s26] =	ssyncadd.s32 $0xFFFFFF80  }
0x2aa: {  	[spmem:s16] =	stream.indirect.scatter.add.f32 [tilespmem:s29], [sflag:$0x3], $0x1, s21, s28, $0xb8;
	[tilespmem:$0x1F598] =	vst v63  }
0x2ab: {  	_ =	swait.ge [sflag:s26], $0x80  }
0x2ac: {  	[sflag:s26] =	ssyncset.done $0x0  }
0x2ad: {  	[sflag:s26] =	ssyncadd.s32 $0xFFFFFF80  }
0x2ae: {  	[bflag:$0x0] =	sbarrier.arrive $0xFFFF  }
0x2af: {  	s25 =	simm.s32 $0x2000;
	s24 =	rddreg [dreg:$0x19]  }
0x2b0: {  	[tilespmem:s25], [sflag:$0x3] =	stream.linear.gather [spmem:s24], $0x280, $0x38;
	[tilespmem:$0x1F598] =	vst v63  }
0x2b1: {  	_ =	swait.ge [sflag:s26], $0x280  }
0x2b2: {  	[sflag:s26] =	ssyncset.done $0x0  }
0x2b3: {  	s24 =	simm.s32 $0x0;
	[sflag:s26] =	ssyncadd.s32 $0xFFFFFD80  }
0x2b4: {  	v2 =	vld [tilespmem:s24+$0x2000];
	_ =	sdelay $0x4  }
0x2b5: {  	v11 =	vadd.f32 $1.000000000e+00, v2;
	_ =	sdelay $0x1  }
0x2b6: {  	(erf) = vrcp.f32 v11;
	_ =	sdelay $0x8  }
0x2b7: {  	v2 =	vpop (erf)  }
0x2b8: {  	v2 =	vmul.f32 v2, v11;
	_ =	sdelay $0x1  }
0x2b9: {  	v2 =	vadd.f32 v2, v11;
	_ =	sdelay $0x1  }
0x2ba: {  	v2 =	vmul.f32 $5.000000000e-01, v2;
	_ =	sdelay $0x1  }
0x2bb: {  	(erf) = vrcp.f32 v2;
	_ =	sdelay $0x2  }
0x2bc: {  	s15 =	simm.s32 $0x10  }
0x2bd: {  	v3 =	vld [tilespmem:s15+$0x2000];
	_ =	sdelay $0x4  }
0x2be: {  	v9 =	vadd.f32 $1.000000000e+00, v3;
	v4 =	vpop (erf)  }
0x2bf: {  	v4 =	vmul.f32 v4, v11  }
0x2c0: {  	(erf) = vrcp.f32 v9  }
0x2c1: {  	v2 =	vadd.f32 v4, v2;
	_ =	sdelay $0x1  }
0x2c2: {  	v2 =	vmul.f32 $5.000000000e-01, v2;
	_ =	sdelay $0x1  }
0x2c3: {  	(erf) = vrcp.f32 v2;
	_ =	sdelay $0x3  }
0x2c4: {  	v3 =	vpop (erf)  }
0x2c5: {  	v3 =	vmul.f32 v3, v9;
	_ =	sdelay $0x1  }
0x2c6: {  	s18 =	simm.s32 $0x20;
	v3 =	vadd.f32 v3, v9  }
0x2c7: {  	v4 =	vld [tilespmem:s18+$0x2000]  }
0x2c8: {  	v3 =	vmul.f32 $5.000000000e-01, v3;
	v5 =	vpop (erf)  }
0x2c9: {  	v5 =	vmul.f32 v5, v11  }
0x2ca: {  	(erf) = vrcp.f32 v3  }
0x2cb: {  	v2 =	vadd.f32 v5, v2  }
0x2cc: {  	v7 =	vadd.f32 $1.000000000e+00, v4  }
0x2cd: {  	v2 =	vmul.f32 $5.000000000e-01, v2  }
0x2ce: {  	(erf) = vrcp.f32 v7  }
0x2cf: {  	(erf) = vrcp.f32 v2;
	_ =	sdelay $0x3  }
0x2d0: {  	v4 =	vpop (erf)  }
0x2d1: {  	v4 =	vmul.f32 v4, v9;
	_ =	sdelay $0x1  }
0x2d2: {  	v3 =	vadd.f32 v4, v3  }
0x2d3: {  	v5 =	vpop (erf)  }
0x2d4: {  	v5 =	vmul.f32 v5, v7;
	v3 =	vmul.f32 $5.000000000e-01, v3;
	v4 =	vpop (erf)  }
0x2d5: {  	v4 =	vmul.f32 v4, v11  }
0x2d6: {  	v5 =	vadd.f32 v5, v7;
	(erf) = vrcp.f32 v3  }
0x2d7: {  	v2 =	vadd.f32 v4, v2  }
0x2d8: {  	v4 =	vmul.f32 $5.000000000e-01, v5  }
0x2d9: {  	v2 =	vmul.f32 $5.000000000e-01, v2  }
0x2da: {  	(erf) = vrcp.f32 v4  }
0x2db: {  	(erf) = vrcp.f32 v2;
	_ =	sdelay $0x1  }
0x2dc: {  	s19 =	simm.s32 $0x30  }
0x2dd: {  	v5 =	vld [tilespmem:s19+$0x2000]  }
0x2de: {  	v6 =	vpop (erf)  }
0x2df: {  	v6 =	vmul.f32 v6, v9;
	_ =	sdelay $0x1  }
0x2e0: {  	v3 =	vadd.f32 v6, v3  }
0x2e1: {  	v5 =	vadd.f32 $1.000000000e+00, v5;
	v8 =	vpop (erf)  }
0x2e2: {  	v3 =	vmul.f32 $5.000000000e-01, v3;
	v6 =	vmul.f32 v8, v7;
	v8 =	vpop (erf)  }
0x2e3: {  	(erf) = vrcp.f32 v5;
	v8 =	vmul.f32 v8, v11  }
0x2e4: {  	(erf) = vrcp.f32 v3;
	v4 =	vadd.f32 v6, v4  }
0x2e5: {  	v2 =	vadd.f32 v8, v2  }
0x2e6: {  	v6 =	vmul.f32 $5.000000000e-01, v4  }
0x2e7: {  	v2 =	vmul.f32 $5.000000000e-01, v2  }
0x2e8: {  	(erf) = vrcp.f32 v6  }
0x2e9: {  	(erf) = vrcp.f32 v2;
	_ =	sdelay $0x2  }
0x2ea: {  	v4 =	vpop (erf)  }
0x2eb: {  	v4 =	vmul.f32 v4, v5;
	v8 =	vpop (erf)  }
0x2ec: {  	v8 =	vmul.f32 v8, v9  }
0x2ed: {  	v4 =	vadd.f32 v4, v5  }
0x2ee: {  	s20 =	simm.s32 $0x40;
	v3 =	vadd.f32 v8, v3  }
0x2ef: {  	v12 =	vld [tilespmem:s20+$0x2000];
	v13 =	vmul.f32 $5.000000000e-01, v4;
	v10 =	vpop (erf)  }
0x2f0: {  	v3 =	vmul.f32 $5.000000000e-01, v3;
	v8 =	vpop (erf)  }
0x2f1: {  	(erf) = vrcp.f32 v13;
	v4 =	vmul.f32 v8, v11  }
0x2f2: {  	(erf) = vrcp.f32 v3  }
0x2f3: {  	v2 =	vadd.f32 v4, v2  }
0x2f4: {  	v4 =	vadd.f32 $1.000000000e+00, v12  }
0x2f5: {  	v2 =	vmul.f32 $5.000000000e-01, v2  }
0x2f6: {  	v8 =	vmul.f32 v10, v7;
	(erf) = vrcp.f32 v4  }
0x2f7: {  	(erf) = vrcp.f32 v2;
	_ =	sdelay $0x2  }
0x2f8: {  	v6 =	vadd.f32 v8, v6;
	v8 =	vpop (erf)  }
0x2f9: {  	v8 =	vmul.f32 v8, v5;
	v10 =	vpop (erf)  }
0x2fa: {  	v10 =	vmul.f32 v10, v9  }
0x2fb: {  	v6 =	vmul.f32 $5.000000000e-01, v6;
	v8 =	vadd.f32 v8, v13  }
0x2fc: {  	v3 =	vadd.f32 v10, v3  }
0x2fd: {  	(erf) = vrcp.f32 v6;
	v8 =	vmul.f32 $5.000000000e-01, v8;
	v12 =	vpop (erf)  }
0x2fe: {  	v3 =	vmul.f32 $5.000000000e-01, v3;
	v10 =	vpop (erf)  }
0x2ff: {  	(erf) = vrcp.f32 v8;
	v10 =	vmul.f32 v10, v11  }
0x300: {  	(erf) = vrcp.f32 v3  }
0x301: {  	v2 =	vadd.f32 v10, v2;
	_ =	sdelay $0x1  }
0x302: {  	v10 =	vmul.f32 $5.000000000e-01, v2;
	_ =	sdelay $0x1  }
0x303: {  	(erf) = vrcp.f32 v10  }
0x304: {  	v12 =	vmul.f32 v12, v4;
	v2 =	vpop (erf)  }
0x305: {  	s25 =	simm.s32 $0x50;
	v2 =	vmul.f32 v2, v7  }
0x306: {  	v14 =	vld [tilespmem:s25+$0x2000];
	v12 =	vadd.f32 v12, v4;
	v13 =	vpop (erf)  }
0x307: {  	v2 =	vadd.f32 v2, v6;
	v6 =	vpop (erf)  }
0x308: {  	v12 =	vmul.f32 $5.000000000e-01, v12;
	v6 =	vmul.f32 v6, v9;
	_ =	sdelay $0x1  }
0x309: {  	(erf) = vrcp.f32 v12;
	v15 =	vmul.f32 $5.000000000e-01, v2;
	v3 =	vadd.f32 v6, v3  }
0x30a: {  	v13 =	vmul.f32 v13, v5;
	v2 =	vadd.f32 $1.000000000e+00, v14  }
0x30b: {  	(erf) = vrcp.f32 v15;
	v3 =	vmul.f32 $5.000000000e-01, v3;
	v6 =	vpop (erf)  }
0x30c: {  	(erf) = vrcp.f32 v2;
	v6 =	vmul.f32 v6, v11  }
0x30d: {  	v8 =	vadd.f32 v13, v8;
	(erf) = vrcp.f32 v3  }
0x30e: {  	v6 =	vadd.f32 v6, v10  }
0x30f: {  	v8 =	vmul.f32 $5.000000000e-01, v8  }
0x310: {  	v6 =	vmul.f32 $5.000000000e-01, v6  }
0x311: {  	(erf) = vrcp.f32 v8  }
0x312: {  	v10 =	vpop (erf);
	(erf) = vrcp.f32 v6  }
0x313: {  	v10 =	vmul.f32 v10, v4  }
0x314: {  	v13 =	vpop (erf)  }
0x315: {  	v10 =	vadd.f32 v10, v12;
	v12 =	vpop (erf)  }
0x316: {  	v14 =	vpop (erf)  }
0x317: {  	v13 =	vmul.f32 v13, v7;
	v14 =	vmul.f32 v14, v9;
	_ =	sdelay $0x1  }
0x318: {  	v13 =	vadd.f32 v13, v15  }
0x319: {  	v10 =	vmul.f32 $5.000000000e-01, v10;
	v15 =	vpop (erf)  }
0x31a: {  	v13 =	vmul.f32 $5.000000000e-01, v13;
	v3 =	vadd.f32 v14, v3;
	v14 =	vpop (erf)  }
0x31b: {  	(erf) = vrcp.f32 v10;
	v14 =	vmul.f32 v14, v11  }
0x31c: {  	(erf) = vrcp.f32 v13  }
0x31d: {  	v16 =	vmul.f32 $5.000000000e-01, v3;
	v3 =	vadd.f32 v14, v6;
	_ =	sdelay $0x1  }
0x31e: {  	v6 =	vmul.f32 $5.000000000e-01, v3;
	v3 =	vmul.f32 v12, v2  }
0x31f: {  	(erf) = vrcp.f32 v16;
	v12 =	vmul.f32 v15, v5  }
0x320: {  	(erf) = vrcp.f32 v6;
	v3 =	vadd.f32 v3, v2;
	_ =	sdelay $0x1  }
0x321: {  	s16 =	simm.s32 $0x60;
	v8 =	vadd.f32 v12, v8  }
0x322: {  	v14 =	vld [tilespmem:s16+$0x2000];
	v12 =	vpop (erf);
	v15 =	vmul.f32 $5.000000000e-01, v3  }
0x323: {  	v8 =	vmul.f32 $5.000000000e-01, v8;
	v3 =	vpop (erf)  }
0x324: {  	(erf) = vrcp.f32 v15;
	v3 =	vmul.f32 v3, v7  }
0x325: {  	(erf) = vrcp.f32 v8  }
0x326: {  	v12 =	vmul.f32 v12, v4;
	v13 =	vadd.f32 v3, v13  }
0x327: {  	v17 =	vpop (erf);
	v3 =	vadd.f32 $1.000000000e+00, v14  }
0x328: {  	v10 =	vadd.f32 v12, v10;
	v12 =	vmul.f32 v17, v9;
	v13 =	vmul.f32 $5.000000000e-01, v13;
	v14 =	vpop (erf)  }
0x329: {  	(erf) = vrcp.f32 v3;
	v14 =	vmul.f32 v14, v11  }
0x32a: {  	(erf) = vrcp.f32 v13  }
0x32b: {  	v12 =	vadd.f32 v12, v16  }
0x32c: {  	v10 =	vmul.f32 $5.000000000e-01, v10  }
0x32d: {  	v12 =	vmul.f32 $5.000000000e-01, v12;
	v6 =	vadd.f32 v14, v6;
	v14 =	vpop (erf)  }
0x32e: {  	(erf) = vrcp.f32 v10;
	v16 =	vpop (erf)  }
0x32f: {  	(erf) = vrcp.f32 v12;
	v16 =	vmul.f32 v16, v5  }
0x330: {  	v14 =	vmul.f32 v14, v2;
	_ =	sdelay $0x1  }
0x331: {  	v6 =	vmul.f32 $5.000000000e-01, v6;
	v14 =	vadd.f32 v14, v15;
	v15 =	vpop (erf)  }
0x332: {  	v8 =	vadd.f32 v16, v8;
	v16 =	vpop (erf)  }
0x333: {  	(erf) = vrcp.f32 v6;
	v16 =	vmul.f32 v16, v7;
	_ =	sdelay $0x2  }
0x334: {  	v17 =	vpop (erf)  }
0x335: {  	v13 =	vadd.f32 v16, v13;
	v16 =	vpop (erf)  }
0x336: {  	v14 =	vmul.f32 $5.000000000e-01, v14;
	v16 =	vmul.f32 v16, v9  }
0x337: {  	v8 =	vmul.f32 $5.000000000e-01, v8  }
0x338: {  	(erf) = vrcp.f32 v14  }
0x339: {  	(erf) = vrcp.f32 v8  }
0x33a: {  	v12 =	vadd.f32 v16, v12;
	v16 =	vpop (erf)  }
0x33b: {  	v16 =	vmul.f32 v16, v11  }
0x33c: {  	v13 =	vmul.f32 $5.000000000e-01, v13  }
0x33d: {  	v6 =	vadd.f32 v16, v6  }
0x33e: {  	v15 =	vmul.f32 v15, v3;
	(erf) = vrcp.f32 v13;
	_ =	sdelay $0x1  }
0x33f: {  	v15 =	vadd.f32 v15, v3;
	v17 =	vmul.f32 v17, v4  }
0x340: {  	v12 =	vmul.f32 $5.000000000e-01, v12;
	v16 =	vmul.f32 $5.000000000e-01, v6;
	v6 =	vpop (erf)  }
0x341: {  	s17 =	simm.s32 $0x70;
	v15 =	vmul.f32 $5.000000000e-01, v15;
	v10 =	vadd.f32 v17, v10;
	v18 =	vpop (erf)  }
0x342: {  	v17 =	vld [tilespmem:s17+$0x2000];
	(erf) = vrcp.f32 v12;
	v18 =	vmul.f32 v18, v5  }
0x343: {  	v10 =	vmul.f32 $5.000000000e-01, v10  }
0x344: {  	(erf) = vrcp.f32 v15  }
0x345: {  	(erf) = vrcp.f32 v10  }
0x346: {  	(erf) = vrcp.f32 v16;
	v8 =	vadd.f32 v18, v8;
	v18 =	vpop (erf)  }
0x347: {  	v19 =	vmul.f32 v6, v2;
	v6 =	vadd.f32 $1.000000000e+00, v17;
	v17 =	vmul.f32 v18, v7;
	_ =	sdelay $0x3  }
0x348: {  	v8 =	vmul.f32 $5.000000000e-01, v8;
	v13 =	vadd.f32 v17, v13;
	v17 =	vpop (erf)  }
0x349: {  	(erf) = vrcp.f32 v6;
	v17 =	vmul.f32 v17, v9  }
0x34a: {  	v14 =	vadd.f32 v19, v14;
	v18 =	vpop (erf);
	(erf) = vrcp.f32 v8;
	_ =	sdelay $0x1  }
0x34b: {  	v14 =	vmul.f32 $5.000000000e-01, v14;
	v19 =	vpop (erf)  }
0x34c: {  	v13 =	vmul.f32 $5.000000000e-01, v13;
	v18 =	vmul.f32 v18, v3;
	v12 =	vadd.f32 v17, v12;
	v17 =	vpop (erf)  }
0x34d: {  	(erf) = vrcp.f32 v14;
	v17 =	vmul.f32 v17, v11  }
0x34e: {  	(erf) = vrcp.f32 v13;
	v15 =	vadd.f32 v18, v15;
	v18 =	vmul.f32 v19, v4;
	_ =	sdelay $0x1  }
0x34f: {  	v12 =	vmul.f32 $5.000000000e-01, v12  }
0x350: {  	v16 =	vadd.f32 v17, v16;
	v17 =	vpop (erf)  }
0x351: {  	v15 =	vmul.f32 $5.000000000e-01, v15;
	v10 =	vadd.f32 v18, v10;
	(erf) = vrcp.f32 v12;
	v18 =	vpop (erf)  }
0x352: {  	v16 =	vmul.f32 $5.000000000e-01, v16;
	v18 =	vmul.f32 v18, v5  }
0x353: {  	(erf) = vrcp.f32 v15  }
0x354: {  	(erf) = vrcp.f32 v16  }
0x355: {  	v10 =	vmul.f32 $5.000000000e-01, v10;
	v19 =	vpop (erf)  }
0x356: {  	v17 =	vmul.f32 v17, v6;
	v8 =	vadd.f32 v18, v8;
	v18 =	vpop (erf)  }
0x357: {  	(erf) = vrcp.f32 v10;
	v18 =	vmul.f32 v18, v7;
	_ =	sdelay $0x1  }
0x358: {  	v13 =	vadd.f32 v18, v13  }
0x359: {  	v19 =	vmul.f32 v19, v2;
	v20 =	vmul.f32 $5.000000000e-01, v8;
	v8 =	vadd.f32 v17, v6;
	v17 =	vpop (erf)  }
0x35a: {  	v17 =	vmul.f32 v17, v9;
	v13 =	vmul.f32 $5.000000000e-01, v13  }
0x35b: {  	v14 =	vadd.f32 v19, v14;
	(erf) = vrcp.f32 v20;
	v18 =	vpop (erf)  }
0x35c: {  	v19 =	vmul.f32 $5.000000000e-01, v8;
	v8 =	vadd.f32 v17, v12;
	v12 =	vpop (erf);
	(erf) = vrcp.f32 v13  }
0x35d: {  	v12 =	vmul.f32 v12, v11  }
0x35e: {  	v14 =	vmul.f32 $5.000000000e-01, v14  }
0x35f: {  	v17 =	vmul.f32 $5.000000000e-01, v8;
	(erf) = vrcp.f32 v19;
	v12 =	vadd.f32 v12, v16;
	v16 =	vpop (erf)  }
0x360: {  	(erf) = vrcp.f32 v14;
	v16 =	vmul.f32 v16, v4  }
0x361: {  	v18 =	vmul.f32 v18, v3;
	(erf) = vrcp.f32 v17  }
0x362: {  	s5 =	simm.s32 $0x80  }
0x363: {  	v8 =	vld [tilespmem:s5+$0x2000];
	v12 =	vmul.f32 $5.000000000e-01, v12  }
0x364: {  	v10 =	vadd.f32 v16, v10;
	v16 =	vpop (erf)  }
0x365: {  	v15 =	vadd.f32 v18, v15;
	(erf) = vrcp.f32 v12;
	v18 =	vpop (erf)  }
0x366: {  	v16 =	vmul.f32 v16, v5;
	v18 =	vmul.f32 v18, v7;
	_ =	sdelay $0x1  }
0x367: {  	v8 =	vadd.f32 $1.000000000e+00, v8;
	v16 =	vadd.f32 v16, v20;
	v20 =	vpop (erf)  }
0x368: {  	v10 =	vmul.f32 $5.000000000e-01, v10;
	v21 =	vpop (erf)  }
0x369: {  	(erf) = vrcp.f32 v8;
	v13 =	vadd.f32 v18, v13;
	v18 =	vpop (erf)  }
0x36a: {  	(erf) = vrcp.f32 v10;
	v18 =	vmul.f32 v18, v9  }
0x36b: {  	v15 =	vmul.f32 $5.000000000e-01, v15  }
0x36c: {  	v20 =	vmul.f32 v20, v6  }
0x36d: {  	(erf) = vrcp.f32 v15;
	v16 =	vmul.f32 $5.000000000e-01, v16  }
0x36e: {  	v19 =	vadd.f32 v20, v19;
	v20 =	vmul.f32 v21, v2;
	v17 =	vadd.f32 v18, v17;
	v18 =	vpop (erf)  }
0x36f: {  	(erf) = vrcp.f32 v16;
	v18 =	vmul.f32 v18, v11;
	_ =	sdelay $0x2  }
0x370: {  	v13 =	vmul.f32 $5.000000000e-01, v13;
	v14 =	vadd.f32 v20, v14;
	v20 =	vpop (erf)  }
0x371: {  	v19 =	vmul.f32 $5.000000000e-01, v19;
	v12 =	vadd.f32 v18, v12;
	v18 =	vpop (erf)  }
0x372: {  	(erf) = vrcp.f32 v13;
	v18 =	vmul.f32 v18, v4  }
0x373: {  	v17 =	vmul.f32 $5.000000000e-01, v17  }
0x374: {  	(erf) = vrcp.f32 v19  }
0x375: {  	(erf) = vrcp.f32 v17;
	v21 =	vpop (erf)  }
0x376: {  	v10 =	vadd.f32 v18, v10;
	v18 =	vpop (erf)  }
0x377: {  	v14 =	vmul.f32 $5.000000000e-01, v14;
	v18 =	vmul.f32 v18, v5  }
0x378: {  	v12 =	vmul.f32 $5.000000000e-01, v12  }
0x379: {  	v20 =	vmul.f32 v20, v8;
	(erf) = vrcp.f32 v14  }
0x37a: {  	(erf) = vrcp.f32 v12  }
0x37b: {  	v21 =	vmul.f32 v21, v3;
	v16 =	vadd.f32 v18, v16;
	v18 =	vpop (erf)  }
0x37c: {  	v22 =	vmul.f32 $5.000000000e-01, v10;
	v10 =	vadd.f32 v20, v8;
	v18 =	vmul.f32 v18, v7  }
0x37d: {  	v15 =	vadd.f32 v21, v15;
	v20 =	vpop (erf)  }
0x37e: {  	(erf) = vrcp.f32 v22;
	v21 =	vmul.f32 $5.000000000e-01, v10;
	v10 =	vadd.f32 v18, v13;
	v13 =	vpop (erf)  }
0x37f: {  	v16 =	vmul.f32 $5.000000000e-01, v16;
	v13 =	vmul.f32 v13, v9;
	_ =	sdelay $0x1  }
0x380: {  	s7 =	simm.s32 $0x90;
	v15 =	vmul.f32 $5.000000000e-01, v15;
	(erf) = vrcp.f32 v16  }
0x381: {  	v18 =	vld [tilespmem:s7+$0x2000];
	(erf) = vrcp.f32 v21;
	v23 =	vpop (erf);
	v24 =	vmul.f32 $5.000000000e-01, v10;
	v10 =	vadd.f32 v13, v17  }
0x382: {  	(erf) = vrcp.f32 v15;
	v17 =	vmul.f32 v23, v2;
	v13 =	vpop (erf)  }
0x383: {  	v23 =	vmul.f32 $5.000000000e-01, v10;
	v13 =	vmul.f32 v13, v11  }
0x384: {  	(erf) = vrcp.f32 v24  }
0x385: {  	v20 =	vmul.f32 v20, v6;
	(erf) = vrcp.f32 v23;
	v12 =	vadd.f32 v13, v12  }
0x386: {  	v10 =	vadd.f32 $1.000000000e+00, v18;
	v13 =	vadd.f32 v17, v14;
	v14 =	vpop (erf)  }
0x387: {  	v14 =	vmul.f32 v14, v4;
	v25 =	vmul.f32 $5.000000000e-01, v12;
	v12 =	vadd.f32 v20, v19;
	_ =	sdelay $0x1  }
0x388: {  	(erf) = vrcp.f32 v10;
	v26 =	vmul.f32 $5.000000000e-01, v13;
	v14 =	vadd.f32 v14, v22  }
0x389: {  	v17 =	vpop (erf);
	(erf) = vrcp.f32 v25  }
0x38a: {  	v13 =	vmul.f32 $5.000000000e-01, v12;
	v12 =	vpop (erf);
	(erf) = vrcp.f32 v26  }
0x38b: {  	v17 =	vmul.f32 v17, v5;
	v19 =	vpop (erf)  }
0x38c: {  	v18 =	vmul.f32 $5.000000000e-01, v14;
	v12 =	vmul.f32 v12, v8;
	v14 =	vpop (erf)  }
0x38d: {  	v16 =	vadd.f32 v17, v16;
	(erf) = vrcp.f32 v13;
	v17 =	vmul.f32 v19, v3;
	v19 =	vpop (erf)  }
0x38e: {  	v14 =	vmul.f32 v14, v7;
	v19 =	vmul.f32 v19, v9  }
0x38f: {  	v16 =	vmul.f32 $5.000000000e-01, v16;
	(erf) = vrcp.f32 v18;
	v12 =	vadd.f32 v12, v21  }
0x390: {  	v17 =	vadd.f32 v17, v15;
	v14 =	vadd.f32 v14, v24  }
0x391: {  	(erf) = vrcp.f32 v16;
	v21 =	vpop (erf);
	v12 =	vmul.f32 $5.000000000e-01, v12  }
0x392: {  	v15 =	vmul.f32 $5.000000000e-01, v14;
	v14 =	vmul.f32 $5.000000000e-01, v17;
	v17 =	vadd.f32 v19, v23;
	v19 =	vpop (erf)  }
0x393: {  	v20 =	vpop (erf)  }
0x394: {  	(erf) = vrcp.f32 v12;
	v22 =	vmul.f32 v20, v2  }
0x395: {  	(erf) = vrcp.f32 v15;
	v19 =	vmul.f32 v19, v11  }
0x396: {  	v17 =	vmul.f32 $5.000000000e-01, v17  }
0x397: {  	s3 =	simm.s32 $0x0;
	s8 =	simm.s32 $0x280;
	v11 =	vpop (erf);
	(erf) = vrcp.f32 v14;
	v20 =	vadd.f32 v19, v25  }
0x398: {  	s11 =	simm.s32 $0x1000;
	s12 =	simm.s32 $0x3;
	s13 =	simm.s32 $0x1F80;
	v19 =	vmul.f32 v21, v10;
	(erf) = vrcp.f32 v17;
	v21 =	vadd.f32 v22, v26;
	v22 =	vpop (erf)  }
.LBB2_4:
0x399: {  	p1 =	sne.s32 s8, $0x9C0;
	v22 =	vmul.f32 v22, v4;
	v20 =	vmul.f32 $5.000000000e-01, v20;
	v23 =	vmovc v3;
	v3 =	vmovc v6;
	v6 =	vmov v8  }
0x39a: {  	v8 =	vmov v10;
	v11 =	vmul.f32 v11, v3;
	v21 =	vmul.f32 $5.000000000e-01, v21  }
0x39b: {  	v10 =	vadd.f32 v19, v8;
	v18 =	vadd.f32 v22, v18;
	v19 =	vpop (erf);
	(erf) = vrcp.f32 v20  }
0x39c: {  	v11 =	vadd.f32 v11, v13;
	(erf) = vrcp.f32 v21;
	v24 =	vmul.f32 v19, v5  }
0x39d: {  	v19 =	vpop (erf);
	v20 =	vmul.f32 $5.000000000e-01, v18  }
0x39e: {  	v22 =	vmul.f32 $5.000000000e-01, v10;
	v11 =	vmul.f32 $5.000000000e-01, v11;
	v10 =	vadd.f32 v24, v16;
	v13 =	vpop (erf)  }
0x39f: {  	s9 =	sshra.s32 s8, $0x2;
	(erf) = vrcp.f32 v20;
	v25 =	vmul.f32 v13, v7  }
0x3a0: {  	v16 =	vld [tilespmem:s9+$0x2000];
	(erf) = vrcp.f32 v22;
	v18 =	vpop (erf);
	v24 =	vmul.f32 $5.000000000e-01, v10  }
0x3a1: {  	(erf) = vrcp.f32 v11;
	v10 =	vadd.f32 v25, v15;
	v13 =	vpop (erf)  }
0x3a2: {  	(erf) = vrcp.f32 v24;
	v13 =	vmul.f32 v13, v9  }
0x3a3: {  	v26 =	vmul.f32 v18, v23;
	v25 =	vmul.f32 $5.000000000e-01, v10  }
0x3a4: {  	v18 =	vmul.f32 v19, v6;
	v13 =	vadd.f32 v13, v17;
	v17 =	vpop (erf)  }
0x3a5: {  	v10 =	vadd.f32 $1.000000000e+00, v16;
	v16 =	vadd.f32 v26, v14;
	v15 =	vpop (erf);
	(erf) = vrcp.f32 v25;
	[tilespmem:s24+$0x2280] =	vst v17;
	s24 =	smov.u32 s15;
	s15 =	smov.u32 s18;
	s18 =	smov.u32 s19  }
0x3a6: {  	v12 =	vadd.f32 v18, v12;
	s19 =	smov.u32 s20;
	s20 =	smov.u32 s25;
	s25 =	smov.u32 s16;
	v17 =	vmul.f32 v15, v2;
	v19 =	vmul.f32 $5.000000000e-01, v13  }
0x3a7: {  	s16 =	smov.u32 s17;
	s17 =	smov.u32 s5;
	s5 =	smov.u32 s7;
	(erf) = vrcp.f32 v10;
	v26 =	vmul.f32 $5.000000000e-01, v16  }
0x3a8: {  	s7 =	smov.u32 s9;
	v13 =	vmul.f32 $5.000000000e-01, v12;
	v12 =	vadd.f32 v17, v21;
	v14 =	vpop (erf);
	(erf) = vrcp.f32 v19  }
0x3a9: {  	v15 =	vpop (erf);
	(erf) = vrcp.f32 v26;
	v17 =	vmul.f32 v14, v4  }
0x3aa: {  	v15 =	vmul.f32 v15, v8;
	v16 =	vpop (erf);
	v18 =	vmul.f32 $5.000000000e-01, v12  }
0x3ab: {  	(erf) = vrcp.f32 v13;
	v12 =	vadd.f32 v17, v20;
	v14 =	vpop (erf)  }
0x3ac: {  	v20 =	vadd.f32 v15, v22;
	(erf) = vrcp.f32 v18;
	v14 =	vmul.f32 v14, v5  }
0x3ad: {  	v17 =	vmul.f32 v16, v3;
	v16 =	vmul.f32 $5.000000000e-01, v12  }
0x3ae: {  	v12 =	vmul.f32 $5.000000000e-01, v20;
	v14 =	vadd.f32 v14, v24;
	v15 =	vpop (erf)  }
0x3af: {  	v11 =	vadd.f32 v17, v11;
	(erf) = vrcp.f32 v16;
	v22 =	vmul.f32 v15, v7  }
0x3b0: {  	v21 =	vpop (erf);
	v15 =	vmul.f32 $5.000000000e-01, v14  }
.Ltmp1:
0x3b1: {  	v14 =	vmul.f32 $5.000000000e-01, v11;
	(erf) = vrcp.f32 v12;
	v25 =	vadd.f32 v22, v25;
	v17 =	vpop (erf);
	(pc) =	sbr.rel @p1 .LBB2_4-.Ltmp1, $4  }
0x3b2: {  	v20 =	vpop (erf);
	(erf) = vrcp.f32 v15;
	v27 =	vmul.f32 v17, v9;
	v9 =	vmov v7  }
0x3b3: {  	v7 =	vmovc v5;
	v5 =	vmovc v4;
	v4 =	vmov v2;
	v24 =	vmul.f32 v20, v23;
	v17 =	vmul.f32 $5.000000000e-01, v25  }
0x3b4: {  	v2 =	vmov v23;
	v11 =	vpop (erf);
	(erf) = vrcp.f32 v14;
	v20 =	vadd.f32 v27, v19  }
0x3b5: {  	s8 =	sadd.s32 $0x40, s8;
	v19 =	vmul.f32 v21, v10;
	v21 =	vadd.f32 v24, v26;
	v22 =	vpop (erf);
	(erf) = vrcp.f32 v17  }
0x3b6: {  	v22 =	vmul.f32 v22, v4  }
0x3b7: {  	v20 =	vmul.f32 $5.000000000e-01, v20  }
0x3b8: {  	v21 =	vmul.f32 $5.000000000e-01, v21;
	v18 =	vadd.f32 v22, v18  }
0x3b9: {  	v11 =	vmul.f32 v11, v6;
	(erf) = vrcp.f32 v20;
	v56 =	vpop (erf)  }
0x3ba: {  	(erf) = vrcp.f32 v21;
	v18 =	vmul.f32 $5.000000000e-01, v18;
	v57 =	vpop (erf)  }
0x3bb: {  	v19 =	vadd.f32 v19, v10;
	v20 =	vmul.f32 v56, v5;
	v58 =	vpop (erf)  }
0x3bc: {  	v11 =	vadd.f32 v11, v13;
	(erf) = vrcp.f32 v18;
	v60 =	vmul.f32 v58, v7  }
0x3bd: {  	v19 =	vmul.f32 $5.000000000e-01, v19;
	v16 =	vadd.f32 v20, v16  }
0x3be: {  	v59 =	vmul.f32 $5.000000000e-01, v11;
	v11 =	vadd.f32 v60, v15  }
0x3bf: {  	(erf) = vrcp.f32 v19;
	v61 =	vpop (erf);
	v16 =	vmul.f32 $5.000000000e-01, v16  }
0x3c0: {  	(erf) = vrcp.f32 v59;
	v62 =	vpop (erf)  }
0x3c1: {  	(erf) = vrcp.f32 v16;
	v15 =	vmul.f32 v62, v9  }
0x3c2: {  	v20 =	vmul.f32 v61, v3;
	v23 =	vmul.f32 $5.000000000e-01, v11;
	v11 =	vpop (erf)  }
0x3c3: {  	v13 =	vmul.f32 v57, v8;
	v15 =	vadd.f32 v15, v17;
	v63 =	vpop (erf)  }
0x3c4: {  	v14 =	vadd.f32 v20, v14;
	(erf) = vrcp.f32 v23;
	v17 =	vmul.f32 v63, v2  }
0x3c5: {  	v12 =	vadd.f32 v13, v12;
	v24 =	vmul.f32 $5.000000000e-01, v15;
	v25 =	vpop (erf)  }
0x3c6: {  	v14 =	vmul.f32 $5.000000000e-01, v14;
	v17 =	vadd.f32 v17, v21;
	v15 =	vmul.f32 v25, v4  }
0x3c7: {  	v12 =	vmul.f32 $5.000000000e-01, v12;
	(erf) = vrcp.f32 v24  }
0x3c8: {  	v26 =	vpop (erf);
	(erf) = vrcp.f32 v14;
	v17 =	vmul.f32 $5.000000000e-01, v17;
	v15 =	vadd.f32 v15, v18  }
0x3c9: {  	v27 =	vmul.f32 v26, v10;
	v28 =	vpop (erf);
	(erf) = vrcp.f32 v12  }
0x3ca: {  	v29 =	vpop (erf);
	(erf) = vrcp.f32 v17;
	v15 =	vmul.f32 $5.000000000e-01, v15  }
0x3cb: {  	v21 =	vmul.f32 v29, v5  }
0x3cc: {  	v30 =	vmul.f32 v28, v6;
	v18 =	vadd.f32 v27, v19;
	(erf) = vrcp.f32 v15  }
0x3cd: {  	v16 =	vadd.f32 v21, v16;
	v31 =	vpop (erf)  }
0x3ce: {  	v19 =	vadd.f32 v30, v59;
	v18 =	vmul.f32 $5.000000000e-01, v18;
	v20 =	vmul.f32 v31, v7  }
0x3cf: {  	v16 =	vmul.f32 $5.000000000e-01, v16  }
0x3d0: {  	v19 =	vmul.f32 $5.000000000e-01, v19;
	(erf) = vrcp.f32 v18;
	v32 =	vpop (erf);
	v20 =	vadd.f32 v20, v23  }
0x3d1: {  	v33 =	vpop (erf);
	(erf) = vrcp.f32 v16;
	v34 =	vmul.f32 v32, v9  }
0x3d2: {  	v35 =	vmul.f32 v33, v3;
	v36 =	vpop (erf);
	v20 =	vmul.f32 $5.000000000e-01, v20  }
0x3d3: {  	(erf) = vrcp.f32 v19;
	v9 =	vadd.f32 v34, v24;
	v37 =	vpop (erf)  }
0x3d4: {  	v14 =	vadd.f32 v35, v14;
	(erf) = vrcp.f32 v20;
	v13 =	vmul.f32 v37, v2  }
0x3d5: {  	v38 =	vmul.f32 v36, v8;
	v9 =	vmul.f32 $5.000000000e-01, v9;
	v39 =	vpop (erf)  }
0x3d6: {  	v14 =	vmul.f32 $5.000000000e-01, v14;
	v13 =	vadd.f32 v13, v17;
	v40 =	vmul.f32 v39, v4  }
0x3d7: {  	v41 =	vadd.f32 v38, v12;
	(erf) = vrcp.f32 v9  }
0x3d8: {  	(erf) = vrcp.f32 v14;
	v42 =	vmul.f32 $5.000000000e-01, v13;
	v43 =	vadd.f32 v40, v15  }
0x3d9: {  	v44 =	vmul.f32 $5.000000000e-01, v41  }
0x3da: {  	v45 =	vpop (erf);
	(erf) = vrcp.f32 v42;
	v13 =	vmul.f32 $5.000000000e-01, v43  }
0x3db: {  	v46 =	vpop (erf);
	(erf) = vrcp.f32 v44  }
0x3dc: {  	v47 =	vpop (erf);
	v9 =	vmul.f32 v46, v5;
	(erf) = vrcp.f32 v13  }
0x3dd: {  	v48 =	vpop (erf)  }
0x3de: {  	v22 =	vmul.f32 v48, v7  }
0x3df: {  	v21 =	vmul.f32 v47, v6;
	v16 =	vadd.f32 v9, v16  }
0x3e0: {  	v9 =	vpop (erf);
	v20 =	vadd.f32 v22, v20  }
0x3e1: {  	v17 =	vmul.f32 v45, v10;
	v19 =	vadd.f32 v21, v19;
	v16 =	vmul.f32 $5.000000000e-01, v16;
	v49 =	vpop (erf)  }
0x3e2: {  	v21 =	vmul.f32 v49, v3;
	v20 =	vmul.f32 $5.000000000e-01, v20  }
0x3e3: {  	v17 =	vadd.f32 v17, v18;
	v50 =	vmul.f32 $5.000000000e-01, v19;
	(erf) = vrcp.f32 v16;
	v51 =	vpop (erf)  }
0x3e4: {  	v14 =	vadd.f32 v21, v14;
	(erf) = vrcp.f32 v20;
	v19 =	vmul.f32 v51, v2;
	v52 =	vpop (erf)  }
0x3e5: {  	v17 =	vmul.f32 $5.000000000e-01, v17;
	(erf) = vrcp.f32 v50;
	v53 =	vpop (erf)  }
0x3e6: {  	v14 =	vmul.f32 $5.000000000e-01, v14;
	v12 =	vadd.f32 v19, v42;
	v54 =	vmul.f32 v53, v4  }
0x3e7: {  	(erf) = vrcp.f32 v17  }
0x3e8: {  	(erf) = vrcp.f32 v14;
	v12 =	vmul.f32 $5.000000000e-01, v12;
	v13 =	vadd.f32 v54, v13;
	_ =	sdelay $0x1  }
0x3e9: {  	(erf) = vrcp.f32 v12;
	v13 =	vmul.f32 $5.000000000e-01, v13;
	_ =	sdelay $0x1  }
0x3ea: {  	v55 =	vmul.f32 v52, v8;
	v56 =	vpop (erf);
	(erf) = vrcp.f32 v13  }
0x3eb: {  	v21 =	vmul.f32 v56, v5  }
0x3ec: {  	v15 =	vadd.f32 v55, v44;
	v57 =	vpop (erf)  }
0x3ed: {  	v16 =	vadd.f32 v21, v16;
	v58 =	vpop (erf);
	v59 =	vmul.f32 v57, v7  }
0x3ee: {  	v15 =	vmul.f32 $5.000000000e-01, v15;
	v60 =	vpop (erf)  }
0x3ef: {  	v16 =	vmul.f32 $5.000000000e-01, v16;
	v21 =	vmul.f32 v58, v6;
	v7 =	vadd.f32 v59, v20;
	v61 =	vpop (erf)  }
0x3f0: {  	(erf) = vrcp.f32 v15;
	v20 =	vmul.f32 v61, v3  }
0x3f1: {  	v19 =	vmul.f32 v60, v10;
	v18 =	vadd.f32 v21, v50;
	v7 =	vmul.f32 $5.000000000e-01, v7;
	v62 =	vpop (erf)  }
0x3f2: {  	(erf) = vrcp.f32 v16;
	v14 =	vadd.f32 v20, v14;
	v63 =	vmul.f32 v62, v2  }
0x3f3: {  	v21 =	vadd.f32 v19, v17;
	v18 =	vmul.f32 $5.000000000e-01, v18;
	(erf) = vrcp.f32 v7;
	v22 =	vpop (erf)  }
0x3f4: {  	v14 =	vmul.f32 $5.000000000e-01, v14;
	v12 =	vadd.f32 v63, v12;
	v17 =	vmul.f32 v22, v4  }
0x3f5: {  	v19 =	vmul.f32 $5.000000000e-01, v21;
	(erf) = vrcp.f32 v18  }
0x3f6: {  	(erf) = vrcp.f32 v14;
	v12 =	vmul.f32 $5.000000000e-01, v12;
	v23 =	vadd.f32 v17, v13  }
0x3f7: {  	(erf) = vrcp.f32 v19  }
0x3f8: {  	(erf) = vrcp.f32 v12;
	v13 =	vmul.f32 $5.000000000e-01, v23;
	_ =	sdelay $0x1  }
0x3f9: {  	(erf) = vrcp.f32 v13  }
0x3fa: {  	v24 =	vpop (erf)  }
0x3fb: {  	v25 =	vpop (erf)  }
0x3fc: {  	v26 =	vmul.f32 v25, v5;
	v7 =	vpop (erf)  }
0x3fd: {  	v17 =	vmul.f32 v24, v8;
	v27 =	vpop (erf)  }
0x3fe: {  	v16 =	vadd.f32 v26, v16;
	v28 =	vpop (erf)  }
0x3ff: {  	v15 =	vadd.f32 v17, v15;
	v29 =	vmul.f32 v27, v6;
	v30 =	vpop (erf)  }
0x400: {  	v16 =	vmul.f32 $5.000000000e-01, v16;
	v20 =	vmul.f32 v28, v3;
	v31 =	vpop (erf)  }
0x401: {  	v15 =	vmul.f32 $5.000000000e-01, v15;
	v17 =	vadd.f32 v29, v18;
	v32 =	vmul.f32 v31, v2  }
0x402: {  	(erf) = vrcp.f32 v16;
	v33 =	vmul.f32 v30, v10;
	v14 =	vadd.f32 v20, v14;
	v34 =	vpop (erf)  }
0x403: {  	v17 =	vmul.f32 $5.000000000e-01, v17;
	v12 =	vadd.f32 v32, v12;
	v35 =	vmul.f32 v34, v4  }
0x404: {  	(erf) = vrcp.f32 v15;
	v19 =	vadd.f32 v33, v19;
	v14 =	vmul.f32 $5.000000000e-01, v14  }
0x405: {  	(erf) = vrcp.f32 v17;
	v12 =	vmul.f32 $5.000000000e-01, v12;
	v13 =	vadd.f32 v35, v13  }
0x406: {  	v36 =	vmul.f32 $5.000000000e-01, v19;
	(erf) = vrcp.f32 v14  }
0x407: {  	(erf) = vrcp.f32 v12;
	v13 =	vmul.f32 $5.000000000e-01, v13  }
0x408: {  	(erf) = vrcp.f32 v36  }
0x409: {  	(erf) = vrcp.f32 v13;
	_ =	sdelay $0x2  }
0x40a: {  	v37 =	vpop (erf)  }
0x40b: {  	v38 =	vpop (erf);
	v39 =	vmul.f32 v37, v5  }
0x40c: {  	v40 =	vmul.f32 v38, v8;
	v41 =	vpop (erf)  }
0x40d: {  	v5 =	vadd.f32 v39, v16;
	v42 =	vpop (erf)  }
0x40e: {  	v15 =	vadd.f32 v40, v15;
	v43 =	vmul.f32 v41, v6;
	v44 =	vpop (erf)  }
0x40f: {  	v5 =	vmul.f32 $5.000000000e-01, v5;
	v16 =	vmul.f32 v42, v3;
	v45 =	vpop (erf)  }
0x410: {  	v15 =	vmul.f32 $5.000000000e-01, v15;
	v17 =	vadd.f32 v43, v17;
	v46 =	vmul.f32 v44, v2;
	v47 =	vpop (erf)  }
0x411: {  	(erf) = vrcp.f32 v5;
	v48 =	vadd.f32 v16, v14;
	v49 =	vmul.f32 v47, v4  }
0x412: {  	v50 =	vmul.f32 $5.000000000e-01, v17;
	v51 =	vmul.f32 v45, v10;
	v12 =	vadd.f32 v46, v12  }
0x413: {  	(erf) = vrcp.f32 v15;
	v52 =	vmul.f32 $5.000000000e-01, v48;
	v53 =	vadd.f32 v49, v13  }
0x414: {  	(erf) = vrcp.f32 v50;
	v54 =	vadd.f32 v51, v36;
	v12 =	vmul.f32 $5.000000000e-01, v12  }
0x415: {  	(erf) = vrcp.f32 v52;
	v14 =	vmul.f32 $5.000000000e-01, v53  }
0x416: {  	v13 =	vmul.f32 $5.000000000e-01, v54;
	(erf) = vrcp.f32 v12  }
0x417: {  	(erf) = vrcp.f32 v14  }
0x418: {  	(erf) = vrcp.f32 v13;
	_ =	sdelay $0x2  }
0x419: {  	v5 =	vpop (erf)  }
0x41a: {  	v55 =	vpop (erf)  }
0x41b: {  	v17 =	vmul.f32 v55, v8;
	v56 =	vpop (erf)  }
0x41c: {  	v18 =	vmul.f32 v56, v6;
	v57 =	vpop (erf)  }
0x41d: {  	v15 =	vadd.f32 v17, v15;
	v58 =	vmul.f32 v57, v3;
	v59 =	vpop (erf)  }
0x41e: {  	v16 =	vadd.f32 v18, v50;
	v60 =	vmul.f32 v59, v2;
	v61 =	vpop (erf)  }
0x41f: {  	v15 =	vmul.f32 $5.000000000e-01, v15;
	v17 =	vadd.f32 v58, v52;
	v62 =	vpop (erf);
	v63 =	vmul.f32 v61, v4  }
0x420: {  	v16 =	vmul.f32 $5.000000000e-01, v16;
	v12 =	vadd.f32 v60, v12;
	v21 =	vmul.f32 v62, v10  }
0x421: {  	(erf) = vrcp.f32 v15;
	v17 =	vmul.f32 $5.000000000e-01, v17;
	v4 =	vadd.f32 v63, v14  }
0x422: {  	(erf) = vrcp.f32 v16;
	v12 =	vmul.f32 $5.000000000e-01, v12;
	v13 =	vadd.f32 v21, v13  }
0x423: {  	(erf) = vrcp.f32 v17;
	v4 =	vmul.f32 $5.000000000e-01, v4  }
0x424: {  	(erf) = vrcp.f32 v12;
	v13 =	vmul.f32 $5.000000000e-01, v13  }
0x425: {  	(erf) = vrcp.f32 v4  }
0x426: {  	(erf) = vrcp.f32 v13;
	_ =	sdelay $0x3  }
0x427: {  	v22 =	vpop (erf)  }
0x428: {  	v23 =	vpop (erf)  }
0x429: {  	v4 =	vmul.f32 v22, v8;
	v24 =	vpop (erf)  }
0x42a: {  	v14 =	vmul.f32 v23, v6;
	v25 =	vpop (erf)  }
0x42b: {  	v15 =	vadd.f32 v4, v15;
	v18 =	vmul.f32 v24, v3;
	v26 =	vpop (erf)  }
0x42c: {  	v14 =	vadd.f32 v14, v16;
	v27 =	vmul.f32 v25, v2;
	v28 =	vpop (erf)  }
0x42d: {  	v15 =	vmul.f32 $5.000000000e-01, v15;
	v17 =	vadd.f32 v18, v17;
	v29 =	vmul.f32 v28, v10  }
0x42e: {  	v14 =	vmul.f32 $5.000000000e-01, v14;
	v12 =	vadd.f32 v27, v12  }
0x42f: {  	(erf) = vrcp.f32 v15;
	v30 =	vmul.f32 $5.000000000e-01, v17;
	v13 =	vadd.f32 v29, v13  }
0x430: {  	(erf) = vrcp.f32 v14;
	v12 =	vmul.f32 $5.000000000e-01, v12  }
0x431: {  	(erf) = vrcp.f32 v30;
	v13 =	vmul.f32 $5.000000000e-01, v13  }
0x432: {  	(erf) = vrcp.f32 v12  }
0x433: {  	(erf) = vrcp.f32 v13;
	_ =	sdelay $0x4  }
0x434: {  	v31 =	vpop (erf)  }
0x435: {  	v17 =	vmul.f32 v31, v8;
	v32 =	vpop (erf)  }
0x436: {  	v18 =	vmul.f32 v32, v6;
	v33 =	vpop (erf)  }
0x437: {  	v15 =	vadd.f32 v17, v15;
	v34 =	vmul.f32 v33, v3;
	v35 =	vpop (erf)  }
0x438: {  	v14 =	vadd.f32 v18, v14;
	v2 =	vmul.f32 v35, v2;
	v36 =	vpop (erf)  }
0x439: {  	v15 =	vmul.f32 $5.000000000e-01, v15;
	v16 =	vadd.f32 v34, v30;
	v37 =	vmul.f32 v36, v10  }
0x43a: {  	v14 =	vmul.f32 $5.000000000e-01, v14;
	v2 =	vadd.f32 v2, v12  }
0x43b: {  	(erf) = vrcp.f32 v15;
	v38 =	vmul.f32 $5.000000000e-01, v16;
	v13 =	vadd.f32 v37, v13  }
0x43c: {  	(erf) = vrcp.f32 v14;
	v2 =	vmul.f32 $5.000000000e-01, v2  }
0x43d: {  	(erf) = vrcp.f32 v38;
	v13 =	vmul.f32 $5.000000000e-01, v13  }
0x43e: {  	(erf) = vrcp.f32 v2  }
0x43f: {  	(erf) = vrcp.f32 v13;
	_ =	sdelay $0x4  }
0x440: {  	v2 =	vpop (erf)  }
0x441: {  	v39 =	vpop (erf)  }
0x442: {  	v2 =	vmul.f32 v2, v8;
	v40 =	vpop (erf)  }
0x443: {  	v16 =	vmul.f32 v39, v6;
	v41 =	vpop (erf)  }
0x444: {  	v2 =	vadd.f32 v2, v15;
	v42 =	vmul.f32 v40, v3;
	v43 =	vpop (erf)  }
0x445: {  	v14 =	vadd.f32 v16, v14;
	v44 =	vmul.f32 v43, v10  }
0x446: {  	v2 =	vmul.f32 $5.000000000e-01, v2;
	v12 =	vadd.f32 v42, v38  }
0x447: {  	v14 =	vmul.f32 $5.000000000e-01, v14;
	v13 =	vadd.f32 v44, v13  }
0x448: {  	(erf) = vrcp.f32 v2;
	v12 =	vmul.f32 $5.000000000e-01, v12  }
0x449: {  	(erf) = vrcp.f32 v14;
	v13 =	vmul.f32 $5.000000000e-01, v13  }
0x44a: {  	(erf) = vrcp.f32 v12  }
0x44b: {  	(erf) = vrcp.f32 v13;
	_ =	sdelay $0x5  }
0x44c: {  	v45 =	vpop (erf)  }
0x44d: {  	v15 =	vmul.f32 v45, v8;
	v46 =	vpop (erf)  }
0x44e: {  	v16 =	vmul.f32 v46, v6;
	v47 =	vpop (erf)  }
0x44f: {  	v2 =	vadd.f32 v15, v2;
	v3 =	vmul.f32 v47, v3;
	v48 =	vpop (erf)  }
0x450: {  	v14 =	vadd.f32 v16, v14;
	v15 =	vmul.f32 v48, v10  }
0x451: {  	v2 =	vmul.f32 $5.000000000e-01, v2;
	v3 =	vadd.f32 v3, v12  }
0x452: {  	v49 =	vmul.f32 $5.000000000e-01, v14;
	v13 =	vadd.f32 v15, v13  }
0x453: {  	(erf) = vrcp.f32 v2;
	v3 =	vmul.f32 $5.000000000e-01, v3  }
0x454: {  	(erf) = vrcp.f32 v49;
	v13 =	vmul.f32 $5.000000000e-01, v13  }
0x455: {  	(erf) = vrcp.f32 v3  }
0x456: {  	(erf) = vrcp.f32 v13;
	_ =	sdelay $0x5  }
0x457: {  	v3 =	vpop (erf)  }
0x458: {  	v50 =	vpop (erf)  }
0x459: {  	v3 =	vmul.f32 v3, v8;
	v51 =	vpop (erf)  }
0x45a: {  	v14 =	vmul.f32 v50, v6;
	v52 =	vpop (erf)  }
0x45b: {  	v2 =	vadd.f32 v3, v2;
	v3 =	vmul.f32 v52, v10  }
0x45c: {  	v12 =	vadd.f32 v14, v49  }
0x45d: {  	v2 =	vmul.f32 $5.000000000e-01, v2;
	v3 =	vadd.f32 v3, v13  }
0x45e: {  	v12 =	vmul.f32 $5.000000000e-01, v12  }
0x45f: {  	(erf) = vrcp.f32 v2;
	v3 =	vmul.f32 $5.000000000e-01, v3  }
0x460: {  	(erf) = vrcp.f32 v12  }
0x461: {  	(erf) = vrcp.f32 v3;
	_ =	sdelay $0x6  }
0x462: {  	v53 =	vpop (erf)  }
0x463: {  	v13 =	vmul.f32 v53, v8;
	v54 =	vpop (erf)  }
0x464: {  	v55 =	vmul.f32 v54, v6;
	v56 =	vpop (erf)  }
0x465: {  	v2 =	vadd.f32 v13, v2;
	v57 =	vmul.f32 v56, v10  }
0x466: {  	v6 =	vadd.f32 v55, v12  }
0x467: {  	v2 =	vmul.f32 $5.000000000e-01, v2;
	v3 =	vadd.f32 v57, v3  }
0x468: {  	v6 =	vmul.f32 $5.000000000e-01, v6  }
0x469: {  	(erf) = vrcp.f32 v2;
	v3 =	vmul.f32 $5.000000000e-01, v3  }
0x46a: {  	(erf) = vrcp.f32 v6  }
0x46b: {  	(erf) = vrcp.f32 v3;
	_ =	sdelay $0x6  }
0x46c: {  	v58 =	vpop (erf)  }
0x46d: {  	v59 =	vpop (erf)  }
0x46e: {  	v6 =	vmul.f32 v58, v8;
	v60 =	vpop (erf)  }
0x46f: {  	v13 =	vmul.f32 v60, v10  }
0x470: {  	v2 =	vadd.f32 v6, v2  }
0x471: {  	v3 =	vadd.f32 v13, v3  }
0x472: {  	v2 =	vmul.f32 $5.000000000e-01, v2  }
0x473: {  	v3 =	vmul.f32 $5.000000000e-01, v3  }
0x474: {  	(erf) = vrcp.f32 v2  }
0x475: {  	(erf) = vrcp.f32 v3;
	_ =	sdelay $0x7  }
0x476: {  	v61 =	vpop (erf)  }
0x477: {  	v6 =	vmul.f32 v61, v8;
	v62 =	vpop (erf)  }
0x478: {  	v8 =	vmul.f32 v62, v10  }
0x479: {  	v2 =	vadd.f32 v6, v2  }
0x47a: {  	v3 =	vadd.f32 v8, v3  }
0x47b: {  	v2 =	vmul.f32 $5.000000000e-01, v2  }
0x47c: {  	v3 =	vmul.f32 $5.000000000e-01, v3  }
0x47d: {  	(erf) = vrcp.f32 v2  }
0x47e: {  	(erf) = vrcp.f32 v3;
	_ =	sdelay $0x7  }
0x47f: {  	v2 =	vpop (erf)  }
0x480: {  	v63 =	vpop (erf)  }
0x481: {  	v6 =	vmul.f32 v63, v10;
	_ =	sdelay $0x1  }
0x482: {  	v3 =	vadd.f32 v6, v3;
	_ =	sdelay $0x1  }
0x483: {  	v3 =	vmul.f32 $5.000000000e-01, v3;
	_ =	sdelay $0x1  }
0x484: {  	(erf) = vrcp.f32 v3  }
0x485: {  	[tilespmem:s24+$0x2280] =	vst v11  }
0x486: {  	[tilespmem:s15+$0x2280] =	vst v9  }
0x487: {  	[tilespmem:s18+$0x2280] =	vst v7  }
0x488: {  	[tilespmem:s19+$0x2280] =	vst v5  }
0x489: {  	[tilespmem:s20+$0x2280] =	vst v26  }
0x48a: {  	s24 =	rddreg [dreg:$0x15];
	[tilespmem:s25+$0x2280] =	vst v41  }
0x48b: {  	s18 =	rddreg [dreg:$0x12];
	[tilespmem:s16+$0x2280] =	vst v51  }
0x48c: {  	s19 =	rddreg [dreg:$0x13];
	[tilespmem:s17+$0x2280] =	vst v59  }
0x48d: {  	s20 =	rddreg [dreg:$0x14];
	[tilespmem:s5+$0x2280] =	vst v2;
	v2 =	vpop (erf)  }
0x48e: {  	s6 =	simm.s32 $0x0;
	s25 =	rddreg [dreg:$0x16];
	s5 =	simm.s32 $0x0;
	[tilespmem:s7+$0x2280] =	vst v2  }
.LBB2_6:
0x48f: {  	s7 =	sshll.u32 s5, $0x7;
	s8 =	rddreg [dreg:$0x17]  }
0x490: {  	s8 =	sadd.s32 s7, s8  }
0x491: {  	s8 =	sshll.u32 s8, $0x4  }
0x492: {  	s15 =	simm.s32 $0x0;
	s9 =	sadd.s32 s18, s8  }
0x493: {  	[tilespmem:s31], [sflag:$0x3] =	stream.linear.gather [hbm4b:s9+s15], $0x4000, $0x38;
	[tilespmem:$0x1F598] =	vst v63  }
0x494: {  	s21 =	sadd.s32 $0x0, s3;
	_ =	swait.ge [sflag:s12], $0x4000  }
0x495: {  	v2 =	vmov s21;
	[sflag:s12] =	ssyncset.done $0x0  }
0x496: {  	s15 =	simm.s32 $0x2540;
	[sflag:s12] =	ssyncadd.s32 $0xFFFFC000  }
0x497: {  	v6 =	vld [tilespmem:s15+$0x30]  }
0x498: {  	v9 =	vld [tilespmem:s15+$0x10]  }
0x499: {  	v7 =	vld [tilespmem:s15+$0xFFFFFFC0]  }
0x49a: {  	v3 =	vld.idx.msk [tilespmem:v2+s0+$0x0], $0xffff  }
0x49b: {  	v11 =	vld [tilespmem:s15+$0xFFFFFFE0]  }
0x49c: {  	v2 =	vld [tilespmem:s15+$0xFFFFFFF0]  }
0x49d: {  	v4 =	vld [tilespmem:s15+$0x20]  }
0x49e: {  	v5 =	vld [tilespmem:s15+$0xFFFFFFD0]  }
0x49f: {  	v10 =	vmul.f32 v6, v3;
	v6 =	vld [tilespmem:s15+$0x0]  }
0x4a0: {  	v8 =	vmul.f32 v7, v3  }
0x4a1: {  	s16 =	simm.s32 $0x1;
	s17 =	simm.s32 $0x2540;
	v7 =	vmul.f32 v11, v3;
	v9 =	vmul.f32 v9, v3  }
.LBB2_7:
0x4a2: {  	p1 =	sne.s32 s16, $0x7F  }
0x4a3: {  	v5 =	vmul.f32 v5, v3;
	v4 =	vmul.f32 v4, v3;
	[tilespmem:s15+$0x30] =	vst v10;
	s17 =	sadd.s32 $0x80, s17;
	s9 =	smov.u32 s16;
	s16 =	sadd.s32 $0x1, s16  }
0x4a4: {  	[tilespmem:s15+$0xFFFFFFC0] =	vst v8;
	v8 =	vmul.f32 v2, v3;
	v3 =	vmul.f32 v6, v3  }
0x4a5: {  	s9 =	sadd.s32 s9, s3;
	[tilespmem:s15+$0x10] =	vst v9  }
0x4a6: {  	v6 =	vmov s9;
	[tilespmem:s15+$0xFFFFFFE0] =	vst v7  }
0x4a7: {  	v2 =	vld [tilespmem:s17+$0xFFFFFFF0];
	[tilespmem:s15+$0xFFFFFFF0] =	vst v8  }
0x4a8: {  	v7 =	vld [tilespmem:s17+$0x30];
	[tilespmem:s15+$0x0] =	vst v3  }
0x4a9: {  	v9 =	vld [tilespmem:s17+$0x10];
	[tilespmem:s15+$0x20] =	vst v4  }
0x4aa: {  	v8 =	vld [tilespmem:s17+$0xFFFFFFC0];
	[tilespmem:s15+$0xFFFFFFD0] =	vst v5;
	s15 =	smov.u32 s17  }
0x4ab: {  	v3 =	vld.idx.msk [tilespmem:v6+s0+$0x0], $0xffff  }
0x4ac: {  	v11 =	vld [tilespmem:s17+$0xFFFFFFE0]  }
0x4ad: {  	v4 =	vld [tilespmem:s17+$0x20]  }
.Ltmp2:
0x4ae: {  	v5 =	vld [tilespmem:s17+$0xFFFFFFD0];
	(pc) =	sbr.rel @p1 .LBB2_7-.Ltmp2, $3  }
0x4af: {  	v6 =	vld [tilespmem:s17+$0x0];
	_ =	sdelay $0x1  }
0x4b0: {  	v8 =	vmul.f32 v8, v3;
	v10 =	vmul.f32 v7, v3  }
0x4b1: {  	v9 =	vmul.f32 v9, v3;
	v7 =	vmul.f32 v11, v3  }
0x4b2: {  	[tilespmem:s15+$0x30] =	vst v10  }
0x4b3: {  	[tilespmem:s15+$0xFFFFFFC0] =	vst v8  }
0x4b4: {  	v2 =	vmul.f32 v2, v3;
	[tilespmem:s15+$0x10] =	vst v9  }
0x4b5: {  	v4 =	vmul.f32 v4, v3;
	[tilespmem:s15+$0xFFFFFFE0] =	vst v7  }
0x4b6: {  	v6 =	vmul.f32 v6, v3;
	[tilespmem:s15+$0xFFFFFFF0] =	vst v2  }
0x4b7: {  	s7 =	sadd.s32 s24, s7;
	v2 =	vmul.f32 v5, v3;
	[tilespmem:s15+$0x20] =	vst v4  }
0x4b8: {  	s7 =	sshll.u32 s7, $0x7;
	[tilespmem:s15+$0x0] =	vst v6  }
0x4b9: {  	s8 =	sadd.s32 s10, s8;
	s7 =	sand.u32 $0x3FFFFF80, s7;
	[tilespmem:s15+$0xFFFFFFD0] =	vst v2  }
0x4ba: {  	[hbm4b:s8+s6] =	stream.linear.scatter [tilespmem:s31], [sflag:$0x1], $0x4000, $0x38;
	[tilespmem:$0x1F598] =	vst v63  }
0x4bb: {  	s5 =	sadd.s32 $0x1, s5;
	s7 =	sadd.s32 s7, s2  }
0x4bc: {  	[spmem:s7] =	stream.linear.scatter [tilespmem:s31], [sflag:$0x2], $0x4000, $0x38;
	[tilespmem:$0x1F598] =	vst v63  }
0x4bd: {  	p1 =	sne.s32 s5, $0x5;
	_ =	swait.ge [sflag:s30], $0x4000  }
.Ltmp3:
0x4be: {  	[sflag:s30] =	ssyncset.done $0x0;
	(pc) =	sbr.rel @p1 .LBB2_6-.Ltmp3, $4  }
0x4bf: {  	[sflag:s30] =	ssyncadd.s32 $0xFFFFC000  }
0x4c0: {  	_ =	swait.ge [sflag:s1], $0x4000  }
0x4c1: {  	[sflag:s1] =	ssyncset.done $0x0  }
0x4c2: {  	s3 =	sadd.s32 $0x80, s3;
	[sflag:s1] =	ssyncadd.s32 $0xFFFFC000  }
0x4c3: {  	[bflag:$0x0] =	sbarrier.arrive $0xFFFF  }
0x4c4: {  	s3 =	simm.s32 $0x0;
	s17 =	rddreg [dreg:$0x3]  }
.LBB2_10:
0x4c5: {  	s5 =	sshll.u32 s3, $0xC  }
0x4c6: {  	s5 =	sadd.s32 s5, s25  }
0x4c7: {  	s5 =	sshrl.u32 s5, $0x3  }
0x4c8: {  	s7 =	sadd.s32 s19, s5  }
0x4c9: {  	[tilespmem:s6], [sflag:$0x3] =	stream.linear.gather [hbm4b:s7+s6], $0x1000, $0x38;
	[tilespmem:$0x1F598] =	vst v63  }
0x4ca: {  	_ =	swait.ge [sflag:s12], $0x1000  }
0x4cb: {  	[sflag:s12] =	ssyncset.done $0x0  }
0x4cc: {  	s5 =	sadd.s32 s20, s5;
	[sflag:s12] =	ssyncadd.s32 $0xFFFFF000  }
0x4cd: {  	[tilespmem:s11], [sflag:$0x3] =	stream.linear.gather [hbm4b:s5+s6], $0x1000, $0x38;
	[tilespmem:$0x1F598] =	vst v63  }
0x4ce: {  	_ =	swait.ge [sflag:s12], $0x1000  }
0x4cf: {  	[sflag:s12] =	ssyncset.done $0x0  }
0x4d0: {  	[sflag:s12] =	ssyncadd.s32 $0xFFFFF000  }
0x4d1: {  	[tilespmem:s31], [sflag:$0x1] =	stream.indirect.gather [hbm4b:s10+s28], $0x80, s6, s28, $0xb8;
	[tilespmem:$0x1F598] =	vst v63  }
0x4d2: {  	_ =	swait.ge [sflag:s30], $0x4000  }
0x4d3: {  	[sflag:s30] =	ssyncset.done $0x0  }
0x4d4: {  	[sflag:s30] =	ssyncadd.s32 $0xFFFFC000  }
0x4d5: {  	[tilespmem:s23], [sflag:$0x1] =	stream.indirect.gather [hbm4b:s10+s28], $0x80, s28, s28, $0xb8;
	[tilespmem:$0x1F598] =	vst v63  }
0x4d6: {  	_ = 	snop  }
0x4d7: {  	[spmem:s2] =	stream.indirect.scatter.add.f32 [tilespmem:s31], [sflag:$0x2], $0x80, s11, s28, $0xb8;
	[tilespmem:$0x1F598] =	vst v63  }
0x4d8: {  	_ =	swait.ge [sflag:s30], $0x4000  }
0x4d9: {  	[sflag:s30] =	ssyncset.done $0x0  }
0x4da: {  	[sflag:s30] =	ssyncadd.s32 $0xFFFFC000  }
0x4db: {  	_ =	swait.ge [sflag:s1], $0x4000  }
0x4dc: {  	[sflag:s1] =	ssyncset.done $0x0  }
0x4dd: {  	s15 =	simm.s32 $0x100;
	[sflag:s1] =	ssyncadd.s32 $0xFFFFC000  }
0x4de: {  	[tilespmem:s31], [sflag:$0x1] =	stream.indirect.gather [hbm4b:s10+s28], $0x80, s15, s28, $0xb8;
	[tilespmem:$0x1F598] =	vst v63  }
0x4df: {  	s16 =	simm.s32 $0x1080  }
0x4e0: {  	[spmem:s2] =	stream.indirect.scatter.add.f32 [tilespmem:s23], [sflag:$0x2], $0x80, s16, s28, $0xb8;
	[tilespmem:$0x1F598] =	vst v63  }
0x4e1: {  	_ =	swait.ge [sflag:s30], $0x4000  }
0x4e2: {  	[sflag:s30] =	ssyncset.done $0x0  }
0x4e3: {  	[sflag:s30] =	ssyncadd.s32 $0xFFFFC000  }
0x4e4: {  	_ =	swait.ge [sflag:s1], $0x4000  }
0x4e5: {  	[sflag:s1] =	ssyncset.done $0x0  }
0x4e6: {  	s18 =	simm.s32 $0x180;
	[sflag:s1] =	ssyncadd.s32 $0xFFFFC000  }
0x4e7: {  	[tilespmem:s23], [sflag:$0x1] =	stream.indirect.gather [hbm4b:s10+s28], $0x80, s18, s28, $0xb8;
	[tilespmem:$0x1F598] =	vst v63  }
0x4e8: {  	s21 =	simm.s32 $0x1100  }
0x4e9: {  	[spmem:s2] =	stream.indirect.scatter.add.f32 [tilespmem:s31], [sflag:$0x2], $0x80, s21, s28, $0xb8;
	[tilespmem:$0x1F598] =	vst v63  }
0x4ea: {  	_ =	swait.ge [sflag:s30], $0x4000  }
0x4eb: {  	[sflag:s30] =	ssyncset.done $0x0  }
0x4ec: {  	[sflag:s30] =	ssyncadd.s32 $0xFFFFC000  }
0x4ed: {  	_ =	swait.ge [sflag:s1], $0x4000  }
0x4ee: {  	s7 =	simm.s32 $0xFFFFCC00;
	s5 =	simm.s32 $0xFFFFF200;
	[sflag:s1] =	ssyncset.done $0x0  }
.LBB2_11:
0x4ef: {  	s8 =	sadd.s32 $0x1000, s5  }
0x4f0: {  	[sflag:s1] =	ssyncadd.s32 $0xFFFFC000;
	s9 =	smov.u32 s7;
	s15 =	sadd.s32 $0x400, s7  }
0x4f1: {  	[tilespmem:s31], [sflag:$0x1] =	stream.indirect.gather [hbm4b:s10+s28], $0x80, s8, s28, $0xb8;
	[tilespmem:$0x1F598] =	vst v63  }
0x4f2: {  	p1 =	sne.s32 s7, $0xFFFFFC00;
	s7 =	sadd.s32 $0x1F80, s5  }
0x4f3: {  	[spmem:s2] =	stream.indirect.scatter.add.f32 [tilespmem:s23], [sflag:$0x2], $0x80, s7, s28, $0xb8;
	[tilespmem:$0x1F598] =	vst v63  }
0x4f4: {  	_ =	swait.ge [sflag:s30], $0x4000  }
0x4f5: {  	[sflag:s30] =	ssyncset.done $0x0  }
0x4f6: {  	[sflag:s30] =	ssyncadd.s32 $0xFFFFC000  }
0x4f7: {  	_ =	swait.ge [sflag:s1], $0x4000  }
0x4f8: {  	[sflag:s1] =	ssyncset.done $0x0  }
0x4f9: {  	s7 =	sadd.s32 $0x1080, s5;
	[sflag:s1] =	ssyncadd.s32 $0xFFFFC000  }
0x4fa: {  	[tilespmem:s23], [sflag:$0x1] =	stream.indirect.gather [hbm4b:s10+s28], $0x80, s7, s28, $0xb8;
	[tilespmem:$0x1F598] =	vst v63  }
0x4fb: {  	s5 =	sadd.s32 $0x2000, s5  }
0x4fc: {  	[spmem:s2] =	stream.indirect.scatter.add.f32 [tilespmem:s31], [sflag:$0x2], $0x80, s5, s28, $0xb8;
	[tilespmem:$0x1F598] =	vst v63  }
.Ltmp4:
0x4fd: {  	_ =	swait.ge [sflag:s30], $0x4000;
	(pc) =	sbr.rel @p1 .LBB2_11-.Ltmp4, $4  }
0x4fe: {  	[sflag:s30] =	ssyncset.done $0x0  }
0x4ff: {  	[sflag:s30] =	ssyncadd.s32 $0xFFFFC000  }
0x500: {  	_ =	swait.ge [sflag:s1], $0x4000  }
0x501: {  	s7 =	smov.u32 s15;
	s5 =	sshra.s32 s9, $0x2;
	[sflag:s1] =	ssyncset.done $0x0  }
0x502: {  	s7 =	sadd.s32 $0x1000, s5;
	[sflag:s1] =	ssyncadd.s32 $0xFFFFC000  }
0x503: {  	[tilespmem:s31], [sflag:$0x1] =	stream.indirect.gather [hbm4b:s10+s28], $0x80, s7, s28, $0xb8;
	[tilespmem:$0x1F598] =	vst v63  }
0x504: {  	s16 =	sadd.s32 $0x1F80, s5  }
0x505: {  	[spmem:s2] =	stream.indirect.scatter.add.f32 [tilespmem:s23], [sflag:$0x2], $0x80, s16, s28, $0xb8;
	[tilespmem:$0x1F598] =	vst v63  }
0x506: {  	_ =	swait.ge [sflag:s30], $0x4000  }
0x507: {  	[sflag:s30] =	ssyncset.done $0x0  }
0x508: {  	[sflag:s30] =	ssyncadd.s32 $0xFFFFC000  }
0x509: {  	_ =	swait.ge [sflag:s1], $0x4000  }
0x50a: {  	[sflag:s1] =	ssyncset.done $0x0  }
0x50b: {  	s18 =	sadd.s32 $0x1080, s5;
	[sflag:s1] =	ssyncadd.s32 $0xFFFFC000  }
0x50c: {  	[tilespmem:s23], [sflag:$0x1] =	stream.indirect.gather [hbm4b:s10+s28], $0x80, s18, s28, $0xb8;
	[tilespmem:$0x1F598] =	vst v63  }
0x50d: {  	s21 =	sadd.s32 $0x2000, s5  }
0x50e: {  	[spmem:s2] =	stream.indirect.scatter.add.f32 [tilespmem:s31], [sflag:$0x2], $0x80, s21, s28, $0xb8;
	[tilespmem:$0x1F598] =	vst v63  }
0x50f: {  	_ =	swait.ge [sflag:s30], $0x4000  }
0x510: {  	[sflag:s30] =	ssyncset.done $0x0  }
0x511: {  	[sflag:s30] =	ssyncadd.s32 $0xFFFFC000  }
0x512: {  	s3 =	sadd.s32 $0x1, s3;
	_ =	swait.ge [sflag:s1], $0x4000  }
0x513: {  	p1 =	sne.s32 s3, $0x5;
	[sflag:s1] =	ssyncset.done $0x0  }
.Ltmp5:
0x514: {  	[sflag:s1] =	ssyncadd.s32 $0xFFFFC000;
	(pc) =	sbr.rel @p1 .LBB2_10-.Ltmp5, $4  }
0x515: {  	[spmem:s2] =	stream.indirect.scatter.add.f32 [tilespmem:s23], [sflag:$0x2], $0x80, s13, s28, $0xb8;
	[tilespmem:$0x1F598] =	vst v63  }
0x516: {  	_ =	swait.ge [sflag:s1], $0x4000  }
0x517: {  	[sflag:s1] =	ssyncset.done $0x0  }
0x518: {  	[sflag:s1] =	ssyncadd.s32 $0xFFFFC000  }
0x519: {  	[bflag:$0x0] =	sbarrier.arrive $0xFFFF  }
0x51a: {  	s3 =	simm.s32 $0x0;
	s5 =	simm.s32 $0x0;
	s13 =	simm.s32 $0xA500  }
.LBB2_14:
0x51b: {  	s7 =	sshll.u32 s5, $0x7  }
0x51c: {  	s8 =	sadd.s32 s24, s7  }
0x51d: {  	s8 =	sshll.u32 s8, $0x7  }
0x51e: {  	s9 =	sadd.s32 $0x0, s3;
	s8 =	sand.u32 $0x3FFFFF80, s8  }
0x51f: {  	v2 =	vmov s9;
	s8 =	sadd.s32 s8, s2  }
0x520: {  	[tilespmem:s31], [sflag:$0x3] =	stream.linear.gather [spmem:s8], $0x4000, $0x38;
	[tilespmem:$0x1F598] =	vst v63  }
0x521: {  	_ =	swait.ge [sflag:s12], $0x4000  }
0x522: {  	[sflag:s12] =	ssyncset.done $0x0  }
0x523: {  	[sflag:s12] =	ssyncadd.s32 $0xFFFFC000  }
0x524: {  	s15 =	simm.s32 $0x2540;
	v2 =	vld.idx.msk [tilespmem:v2+s0+$0x0], $0xffff  }
0x525: {  	v3 =	vld [tilespmem:s15+$0xFFFFFFC0];
	_ =	sdelay $0x1  }
0x526: {  	v4 =	vld [tilespmem:$0xAA00];
	_ =	sdelay $0x2  }
0x527: {  	v3 =	vmul.f32 v3, v2;
	_ =	sdelay $0x1  }
0x528: {  	v3 =	vadd.f32 v4, v3;
	_ =	sdelay $0x1  }
0x529: {  	v4 =	vld [tilespmem:s15+$0xFFFFFFD0];
	v3 =	vmax.f32 v3, $0.0e+00  }
0x52a: {  	[tilespmem:s15+$0xFFFFFFC0] =	vst v3  }
0x52b: {  	v3 =	vld [tilespmem:$0xAA10];
	_ =	sdelay $0x2  }
0x52c: {  	v4 =	vmul.f32 v4, v2;
	_ =	sdelay $0x1  }
0x52d: {  	v3 =	vadd.f32 v3, v4;
	_ =	sdelay $0x1  }
0x52e: {  	v4 =	vld [tilespmem:s15+$0xFFFFFFE0];
	v3 =	vmax.f32 v3, $0.0e+00  }
0x52f: {  	[tilespmem:s15+$0xFFFFFFD0] =	vst v3  }
0x530: {  	v3 =	vld [tilespmem:$0xAA20];
	_ =	sdelay $0x2  }
0x531: {  	v4 =	vmul.f32 v4, v2;
	_ =	sdelay $0x1  }
0x532: {  	v3 =	vadd.f32 v3, v4;
	_ =	sdelay $0x1  }
0x533: {  	v4 =	vld [tilespmem:s15+$0xFFFFFFF0];
	v3 =	vmax.f32 v3, $0.0e+00  }
0x534: {  	[tilespmem:s15+$0xFFFFFFE0] =	vst v3  }
0x535: {  	v3 =	vld [tilespmem:$0xAA30];
	_ =	sdelay $0x2  }
0x536: {  	v4 =	vmul.f32 v4, v2;
	_ =	sdelay $0x1  }
0x537: {  	v3 =	vadd.f32 v3, v4;
	_ =	sdelay $0x1  }
0x538: {  	v4 =	vld [tilespmem:s15+$0x0];
	v3 =	vmax.f32 v3, $0.0e+00  }
0x539: {  	[tilespmem:s15+$0xFFFFFFF0] =	vst v3  }
0x53a: {  	v3 =	vld [tilespmem:$0xAA40];
	_ =	sdelay $0x2  }
0x53b: {  	v4 =	vmul.f32 v4, v2;
	_ =	sdelay $0x1  }
0x53c: {  	v3 =	vadd.f32 v3, v4;
	_ =	sdelay $0x1  }
0x53d: {  	v4 =	vld [tilespmem:s15+$0x10];
	v3 =	vmax.f32 v3, $0.0e+00  }
0x53e: {  	[tilespmem:s15+$0x0] =	vst v3  }
0x53f: {  	v3 =	vld [tilespmem:$0xAA50];
	_ =	sdelay $0x2  }
0x540: {  	v4 =	vmul.f32 v4, v2;
	_ =	sdelay $0x1  }
0x541: {  	v3 =	vadd.f32 v3, v4;
	_ =	sdelay $0x1  }
0x542: {  	v4 =	vld [tilespmem:s15+$0x20];
	v3 =	vmax.f32 v3, $0.0e+00  }
0x543: {  	[tilespmem:s15+$0x10] =	vst v3  }
0x544: {  	v3 =	vld [tilespmem:$0xAA60];
	_ =	sdelay $0x2  }
0x545: {  	v4 =	vmul.f32 v4, v2;
	_ =	sdelay $0x1  }
0x546: {  	v3 =	vadd.f32 v3, v4;
	_ =	sdelay $0x1  }
0x547: {  	v4 =	vld [tilespmem:s15+$0x30];
	v3 =	vmax.f32 v3, $0.0e+00  }
0x548: {  	[tilespmem:s15+$0x20] =	vst v3  }
0x549: {  	v3 =	vld [tilespmem:$0xAA70];
	_ =	sdelay $0x2  }
0x54a: {  	v2 =	vmul.f32 v4, v2  }
0x54b: {  	s25 =	sadd.s32 $0x1, s3  }
0x54c: {  	v3 =	vadd.f32 v3, v2;
	v2 =	vmov s25;
	_ =	sdelay $0x1  }
0x54d: {  	s8 =	simm.s32 $0x2;
	v3 =	vmax.f32 v3, $0.0e+00  }
.LBB2_15:
0x54e: {  	p1 =	sne.s32 s8, $0x7F  }
0x54f: {  	[tilespmem:s15+$0x30] =	vst v3;
	s15 =	sadd.s32 $0x80, s15;
	s16 =	smov.u32 s8;
	s8 =	sadd.s32 $0x1, s8  }
0x550: {  	v2 =	vld.idx.msk [tilespmem:v2+s0+$0x0], $0xffff  }
0x551: {  	v3 =	vld [tilespmem:s15+$0xFFFFFFC0];
	_ =	sdelay $0x1  }
0x552: {  	v4 =	vld [tilespmem:$0xAA00];
	_ =	sdelay $0x2  }
0x553: {  	v3 =	vmul.f32 v3, v2;
	_ =	sdelay $0x1  }
0x554: {  	v3 =	vadd.f32 v4, v3;
	_ =	sdelay $0x1  }
0x555: {  	v3 =	vmax.f32 v3, $0.0e+00;
	v4 =	vld [tilespmem:s15+$0xFFFFFFD0]  }
0x556: {  	[tilespmem:s15+$0xFFFFFFC0] =	vst v3  }
0x557: {  	v3 =	vld [tilespmem:$0xAA10];
	_ =	sdelay $0x2  }
0x558: {  	v4 =	vmul.f32 v4, v2;
	_ =	sdelay $0x1  }
0x559: {  	v3 =	vadd.f32 v3, v4;
	_ =	sdelay $0x1  }
0x55a: {  	v3 =	vmax.f32 v3, $0.0e+00;
	v4 =	vld [tilespmem:s15+$0xFFFFFFE0]  }
0x55b: {  	[tilespmem:s15+$0xFFFFFFD0] =	vst v3  }
0x55c: {  	v3 =	vld [tilespmem:$0xAA20];
	_ =	sdelay $0x2  }
0x55d: {  	v4 =	vmul.f32 v4, v2;
	_ =	sdelay $0x1  }
0x55e: {  	v3 =	vadd.f32 v3, v4;
	_ =	sdelay $0x1  }
0x55f: {  	v3 =	vmax.f32 v3, $0.0e+00;
	v4 =	vld [tilespmem:s15+$0xFFFFFFF0]  }
0x560: {  	[tilespmem:s15+$0xFFFFFFE0] =	vst v3  }
0x561: {  	v3 =	vld [tilespmem:$0xAA30];
	_ =	sdelay $0x2  }
0x562: {  	v4 =	vmul.f32 v4, v2;
	_ =	sdelay $0x1  }
0x563: {  	v3 =	vadd.f32 v3, v4;
	_ =	sdelay $0x1  }
0x564: {  	v3 =	vmax.f32 v3, $0.0e+00;
	v4 =	vld [tilespmem:s15+$0x0]  }
0x565: {  	[tilespmem:s15+$0xFFFFFFF0] =	vst v3  }
0x566: {  	v3 =	vld [tilespmem:$0xAA40];
	_ =	sdelay $0x2  }
0x567: {  	v4 =	vmul.f32 v4, v2;
	_ =	sdelay $0x1  }
0x568: {  	v3 =	vadd.f32 v3, v4;
	_ =	sdelay $0x1  }
0x569: {  	v3 =	vmax.f32 v3, $0.0e+00;
	v4 =	vld [tilespmem:s15+$0x10]  }
0x56a: {  	[tilespmem:s15+$0x0] =	vst v3  }
0x56b: {  	v3 =	vld [tilespmem:$0xAA50];
	_ =	sdelay $0x2  }
0x56c: {  	v4 =	vmul.f32 v4, v2;
	_ =	sdelay $0x1  }
0x56d: {  	v3 =	vadd.f32 v3, v4;
	_ =	sdelay $0x1  }
0x56e: {  	v3 =	vmax.f32 v3, $0.0e+00;
	v4 =	vld [tilespmem:s15+$0x20]  }
0x56f: {  	[tilespmem:s15+$0x10] =	vst v3  }
0x570: {  	v3 =	vld [tilespmem:$0xAA60];
	_ =	sdelay $0x2  }
0x571: {  	v4 =	vmul.f32 v4, v2;
	_ =	sdelay $0x1  }
0x572: {  	v3 =	vadd.f32 v3, v4;
	_ =	sdelay $0x1  }
0x573: {  	v3 =	vmax.f32 v3, $0.0e+00;
	v4 =	vld [tilespmem:s15+$0x30]  }
0x574: {  	[tilespmem:s15+$0x20] =	vst v3  }
0x575: {  	v3 =	vld [tilespmem:$0xAA70];
	_ =	sdelay $0x2  }
.Ltmp6:
0x576: {  	s9 =	sadd.s32 s16, s3;
	v4 =	vmul.f32 v4, v2;
	(pc) =	sbr.rel @p1 .LBB2_15-.Ltmp6, $3  }
0x577: {  	v2 =	vmov s9  }
0x578: {  	v3 =	vadd.f32 v3, v4;
	_ =	sdelay $0x1  }
0x579: {  	v3 =	vmax.f32 v3, $0.0e+00  }
0x57a: {  	_ =	sdelay $0x2  }
0x57b: {  	[tilespmem:s15+$0x30] =	vst v3  }
0x57c: {  	s8 =	sadd.s32 $0x80, s15;
	v2 =	vld.idx.msk [tilespmem:v2+s0+$0x0], $0xffff  }
0x57d: {  	v3 =	vld [tilespmem:s8+$0xFFFFFFC0];
	_ =	sdelay $0x1  }
0x57e: {  	v4 =	vld [tilespmem:$0xAA00];
	_ =	sdelay $0x2  }
0x57f: {  	v3 =	vmul.f32 v3, v2;
	_ =	sdelay $0x1  }
0x580: {  	v3 =	vadd.f32 v4, v3;
	_ =	sdelay $0x1  }
0x581: {  	v57 =	vld [tilespmem:s8+$0xFFFFFFD0];
	v3 =	vmax.f32 v3, $0.0e+00  }
0x582: {  	[tilespmem:s8+$0xFFFFFFC0] =	vst v3  }
0x583: {  	v3 =	vld [tilespmem:$0xAA10];
	_ =	sdelay $0x2  }
0x584: {  	v4 =	vmul.f32 v57, v2;
	_ =	sdelay $0x1  }
0x585: {  	v3 =	vadd.f32 v3, v4;
	_ =	sdelay $0x1  }
0x586: {  	v58 =	vld [tilespmem:s8+$0xFFFFFFE0];
	v3 =	vmax.f32 v3, $0.0e+00  }
0x587: {  	[tilespmem:s8+$0xFFFFFFD0] =	vst v3  }
0x588: {  	v3 =	vld [tilespmem:$0xAA20];
	_ =	sdelay $0x2  }
0x589: {  	v4 =	vmul.f32 v58, v2;
	_ =	sdelay $0x1  }
0x58a: {  	v3 =	vadd.f32 v3, v4;
	_ =	sdelay $0x1  }
0x58b: {  	v59 =	vld [tilespmem:s8+$0xFFFFFFF0];
	v3 =	vmax.f32 v3, $0.0e+00  }
0x58c: {  	[tilespmem:s8+$0xFFFFFFE0] =	vst v3  }
0x58d: {  	v3 =	vld [tilespmem:$0xAA30];
	_ =	sdelay $0x2  }
0x58e: {  	v4 =	vmul.f32 v59, v2;
	_ =	sdelay $0x1  }
0x58f: {  	v3 =	vadd.f32 v3, v4;
	_ =	sdelay $0x1  }
0x590: {  	v60 =	vld [tilespmem:s8+$0x0];
	v3 =	vmax.f32 v3, $0.0e+00  }
0x591: {  	[tilespmem:s8+$0xFFFFFFF0] =	vst v3  }
0x592: {  	v3 =	vld [tilespmem:$0xAA40];
	_ =	sdelay $0x2  }
0x593: {  	v4 =	vmul.f32 v60, v2;
	_ =	sdelay $0x1  }
0x594: {  	v3 =	vadd.f32 v3, v4;
	_ =	sdelay $0x1  }
0x595: {  	v61 =	vld [tilespmem:s8+$0x10];
	v3 =	vmax.f32 v3, $0.0e+00  }
0x596: {  	[tilespmem:s8+$0x0] =	vst v3  }
0x597: {  	v3 =	vld [tilespmem:$0xAA50];
	_ =	sdelay $0x2  }
0x598: {  	v4 =	vmul.f32 v61, v2;
	_ =	sdelay $0x1  }
0x599: {  	v3 =	vadd.f32 v3, v4;
	_ =	sdelay $0x1  }
0x59a: {  	v62 =	vld [tilespmem:s8+$0x20];
	v3 =	vmax.f32 v3, $0.0e+00  }
0x59b: {  	[tilespmem:s8+$0x10] =	vst v3  }
0x59c: {  	v3 =	vld [tilespmem:$0xAA60];
	_ =	sdelay $0x2  }
0x59d: {  	v4 =	vmul.f32 v62, v2;
	_ =	sdelay $0x1  }
0x59e: {  	v3 =	vadd.f32 v3, v4;
	_ =	sdelay $0x1  }
0x59f: {  	v63 =	vld [tilespmem:s8+$0x30];
	v3 =	vmax.f32 v3, $0.0e+00  }
0x5a0: {  	[tilespmem:s8+$0x20] =	vst v3  }
0x5a1: {  	v3 =	vld [tilespmem:$0xAA70];
	_ =	sdelay $0x2  }
0x5a2: {  	v2 =	vmul.f32 v63, v2;
	_ =	sdelay $0x1  }
0x5a3: {  	v2 =	vadd.f32 v3, v2  }
0x5a4: {  	s5 =	sadd.s32 $0x1, s5  }
0x5a5: {  	p1 =	sne.s32 s5, $0x5;
	v2 =	vmax.f32 v2, $0.0e+00  }
.Ltmp7:
0x5a6: {  	s7 =	sadd.s32 $0xA600, s7;
	[tilespmem:s8+$0x30] =	vst v2;
	(pc) =	sbr.rel @p1 .LBB2_14-.Ltmp7, $4  }
0x5a7: {  	[spmem:s17] =	stream.indirect.scatter.add.f32 [tilespmem:s31], [sflag:$0x3], $0x80, s7, s28, $0xb8;
	[tilespmem:$0x1F598] =	vst v63  }
0x5a8: {  	_ =	swait.ge [sflag:s12], $0x4000  }
0x5a9: {  	[sflag:s12] =	ssyncset.done $0x0  }
0x5aa: {  	s3 =	sadd.s32 $0x80, s3;
	[sflag:s12] =	ssyncadd.s32 $0xFFFFC000  }
0x5ab: {  	[bflag:$0x0] =	sbarrier.arrive $0xFFFF  }
0x5ac: {  	s15 =	rddreg [dreg:$0x5]  }
0x5ad: {  	[tilespmem:s13], [sflag:$0x3] =	stream.linear.gather [spmem:s15], $0x100, $0x38;
	[tilespmem:$0x1F598] =	vst v63  }
0x5ae: {  	_ =	swait.ge [sflag:s12], $0x100  }
0x5af: {  	s9 =	rddreg [dreg:$0x1e]  }
0x5b0: {  	[sflag:s12] =	ssyncset.done $0x0;
	s3 =	sadd.s32 $0x0, s9  }
0x5b1: {  	s25 =	simm.s32 $0xAB00;
	s8 =	rddreg [dreg:$0x1a];
	[sflag:s12] =	ssyncadd.s32 $0xFFFFFF00;
	v2 =	vmov s3  }
0x5b2: {  	[tilespmem:s25], [sflag:$0x3] =	stream.linear.gather [spmem:s8], $0x400, $0x38;
	[tilespmem:$0x1F598] =	vst v63  }
0x5b3: {  	_ =	swait.ge [sflag:s12], $0x400  }
0x5b4: {  	[sflag:s12] =	ssyncset.done $0x0  }
0x5b5: {  	[sflag:s12] =	ssyncadd.s32 $0xFFFFFC00  }
0x5b6: {  	v2 =	vld.idx.msk [tilespmem:v2+s13+$0x0], $0xffff;
	_ =	sdelay $0x4  }
0x5b7: {  	v2 =	vmax.f32 v2, $1.000000000e+00  }
0x5b8: {  	(erf) = vrcp.f32 v2  }
0x5b9: {  	s3 =	simm.s32 $0xAB40  }
0x5ba: {  	v5 =	vld [tilespmem:s3+$0x30]  }
0x5bb: {  	v3 =	vld [tilespmem:s3+$0x10]  }
0x5bc: {  	v4 =	vld [tilespmem:s3+$0xFFFFFFC0]  }
0x5bd: {  	v6 =	vld [tilespmem:s3+$0xFFFFFFD0]  }
0x5be: {  	v7 =	vld [tilespmem:s3+$0xFFFFFFE0]  }
0x5bf: {  	v2 =	vld [tilespmem:s3+$0xFFFFFFF0]  }
0x5c0: {  	v8 =	vld [tilespmem:s3+$0x0]  }
0x5c1: {  	v9 =	vld [tilespmem:s3+$0x20];
	v10 =	vpop (erf)  }
0x5c2: {  	v4 =	vmul.f32 v10, v4  }
0x5c3: {  	v6 =	vmul.f32 v6, v10  }
0x5c4: {  	v7 =	vmul.f32 v7, v10;
	v2 =	vmul.f32 v2, v10;
	[tilespmem:s3+$0xFFFFFFC0] =	vst v4  }
0x5c5: {  	v3 =	vmul.f32 v3, v10;
	v5 =	vmul.f32 v5, v10;
	[tilespmem:s3+$0xFFFFFFD0] =	vst v6  }
0x5c6: {  	s5 =	simm.s32 $0x2;
	s7 =	sadd.s32 $0x1, s9;
	v4 =	vmul.f32 v8, v10;
	v6 =	vmul.f32 v9, v10;
	[tilespmem:s3+$0xFFFFFFE0] =	vst v7  }
.LBB2_18:
0x5c7: {  	p1 =	sne.s32 s5, $0x7;
	v7 =	vmov s7;
	[tilespmem:s3+$0xFFFFFFF0] =	vst v2  }
0x5c8: {  	[tilespmem:s3+$0x0] =	vst v4  }
0x5c9: {  	[tilespmem:s3+$0x10] =	vst v3  }
0x5ca: {  	[tilespmem:s3+$0x20] =	vst v6  }
0x5cb: {  	[tilespmem:s3+$0x30] =	vst v5  }
0x5cc: {  	v2 =	vld.idx.msk [tilespmem:v7+s13+$0x0], $0xffff;
	_ =	sdelay $0x5  }
0x5cd: {  	v2 =	vmax.f32 v2, $1.000000000e+00  }
0x5ce: {  	s3 =	sadd.s32 $0x80, s3;
	(erf) = vrcp.f32 v2  }
0x5cf: {  	v2 =	vld [tilespmem:s3+$0xFFFFFFF0]  }
0x5d0: {  	v5 =	vld [tilespmem:s3+$0x30]  }
0x5d1: {  	v3 =	vld [tilespmem:s3+$0x10]  }
0x5d2: {  	v4 =	vld [tilespmem:s3+$0xFFFFFFD0]  }
0x5d3: {  	v6 =	vld [tilespmem:s3+$0xFFFFFFC0]  }
0x5d4: {  	v7 =	vld [tilespmem:s3+$0xFFFFFFE0]  }
0x5d5: {  	v8 =	vld [tilespmem:s3+$0x0]  }
0x5d6: {  	v9 =	vld [tilespmem:s3+$0x20]  }
0x5d7: {  	v10 =	vpop (erf)  }
.Ltmp8:
0x5d8: {  	v6 =	vmul.f32 v10, v6;
	v11 =	vmul.f32 v4, v10;
	(pc) =	sbr.rel @p1 .LBB2_18-.Ltmp8, $4  }
0x5d9: {  	v2 =	vmul.f32 v2, v10;
	v7 =	vmul.f32 v7, v10  }
0x5da: {  	v3 =	vmul.f32 v3, v10;
	[tilespmem:s3+$0xFFFFFFC0] =	vst v6;
	v4 =	vmul.f32 v8, v10  }
0x5db: {  	v5 =	vmul.f32 v5, v10;
	[tilespmem:s3+$0xFFFFFFD0] =	vst v11;
	v6 =	vmul.f32 v9, v10  }
0x5dc: {  	s7 =	sadd.s32 s5, s9;
	s5 =	sadd.s32 $0x1, s5;
	[tilespmem:s3+$0xFFFFFFE0] =	vst v7  }
0x5dd: {  	v7 =	vmov s7;
	[tilespmem:s3+$0xFFFFFFF0] =	vst v2  }
0x5de: {  	[tilespmem:s3+$0x0] =	vst v4  }
0x5df: {  	[tilespmem:s3+$0x10] =	vst v3  }
0x5e0: {  	[tilespmem:s3+$0x20] =	vst v6  }
0x5e1: {  	[tilespmem:s3+$0x30] =	vst v5  }
0x5e2: {  	v2 =	vld.idx.msk [tilespmem:v7+s13+$0x0], $0xffff;
	_ =	sdelay $0x4  }
0x5e3: {  	v2 =	vmax.f32 v2, $1.000000000e+00  }
0x5e4: {  	(erf) = vrcp.f32 v2;
	_ =	sdelay $0x3  }
0x5e5: {  	s21 =	sadd.s32 $0x80, s3  }
0x5e6: {  	v2 =	vld [tilespmem:s21+$0xFFFFFFC0]  }
0x5e7: {  	v3 =	vld [tilespmem:s21+$0xFFFFFFD0]  }
0x5e8: {  	v4 =	vld [tilespmem:s21+$0xFFFFFFE0]  }
0x5e9: {  	v8 =	vld [tilespmem:s21+$0x10]  }
0x5ea: {  	v61 =	vld [tilespmem:s21+$0xFFFFFFF0];
	v62 =	vpop (erf)  }
0x5eb: {  	v6 =	vld [tilespmem:s21+$0x0];
	v2 =	vmul.f32 v62, v2  }
0x5ec: {  	v9 =	vld [tilespmem:s21+$0x20];
	v3 =	vmul.f32 v3, v62  }
0x5ed: {  	v10 =	vld [tilespmem:s21+$0x30];
	v4 =	vmul.f32 v4, v62;
	[tilespmem:s21+$0xFFFFFFC0] =	vst v2  }
0x5ee: {  	v63 =	vmul.f32 v8, v62;
	[tilespmem:s21+$0xFFFFFFD0] =	vst v3  }
0x5ef: {  	v2 =	vmul.f32 v61, v62;
	[tilespmem:s21+$0xFFFFFFE0] =	vst v4  }
0x5f0: {  	v3 =	vmul.f32 v6, v62;
	[tilespmem:s21+$0x10] =	vst v63  }
0x5f1: {  	[tilespmem:s21+$0xFFFFFFF0] =	vst v2;
	v2 =	vmul.f32 v9, v62  }
0x5f2: {  	[tilespmem:s21+$0x0] =	vst v3;
	v3 =	vmul.f32 v10, v62  }
0x5f3: {  	[tilespmem:s21+$0x20] =	vst v2  }
0x5f4: {  	s24 =	rddreg [dreg:$0x1c];
	s7 =	simm.s32 $0xAB00;
	[tilespmem:s21+$0x30] =	vst v3  }
0x5f5: {  	[hbm4b:s24+s6] =	stream.linear.scatter [tilespmem:s7], [sflag:$0x3], $0x400, $0x38;
	[tilespmem:$0x1F598] =	vst v63  }
0x5f6: {  	_ =	swait.ge [sflag:s12], $0x400  }
0x5f7: {  	s5 =	rddreg [dreg:$0x1f]  }
0x5f8: {  	s25 =	rddreg [dreg:$0x1d];
	s5 =	sadd.s32 $0x1, s5  }
0x5f9: {  	p1 =	sne.s32 s5, s25  }
.Ltmp9:
0x5fa: {  	_ = 	snop;
	(pc) =	sbr.rel @p1 .LBB2_1-.Ltmp9, $3  }
0x5fb: {  	_ =	sdelay $0x1  }
0x5fc: {  	s16 =	simm.s32 $0xA600;
	[sflag:s12] =	ssyncset.done $0x0  }
0x5fd: {  	s14 =	simm.s32 $0x2000;
	s13 =	rddreg [dreg:$0x19];
	[sflag:s12] =	ssyncadd.s32 $0xFFFFFC00  }
0x5fe: {  	_ =	sfence.sel $0x180000  }
0x5ff: {  	[bflag:$0x0] =	sbarrier.arrive $0xFFFF  }
0x600: {  	_ =	strace $0x90000047  }
0x601: {  	[bflag:$0x2] =	sbarrier.arrive $0xFFFF  }
0x602: {  	s0 =	rddreg [dreg:$0x6]  }
0x603: {  	s0 =	sadd.s32 @!p0 $0x100000, s0  }
0x604: {  	[sflag:s0] =	ssyncadd.tile.s32 @!p0 $0x1;
	_ =	shalt  }
.Lfunc_end2:
_tile_overlayer_lowered:
.L_overlay_start_2:
0x605: {  	(tag) =	ssettag $0x2  }
0x606: {  	s0 =	rddreg [dreg:$0x0];
	s2 =	stileid.u32  }
0x607: {  	s1 =	rddreg [dreg:$0x1];
	p0 =	sne.s32 s2, $0x0  }
0x608: {  	s3 =	rddreg [dreg:$0x2];
	[bflag:$0x3] =	sbarrier.arrive $0xFFFF;
	s2 =	simm.s32 @!p0 $0x1C03  }
0x609: {  	[timem:s3], [sflag:s2] =	dma.local @!p0 [hbm:s0], s1  }
0x60a: {  	s0 =	simm.s32 @!p0 $0x3  }
0x60b: {  	_ =	swait.ge @!p0 [sflag:s0], s1  }
0x60c: {  	s1 =	ssub.s32 @!p0 $0x0, s1;
	[sflag:s0] =	ssyncset.done @!p0 $0x0  }
0x60d: {  	[sflag:s0] =	ssyncadd.s32 @!p0 s1  }
0x60e: {  	[bflag:$0x3] =	sbarrier.arrive $0xFFFF  }
0x60f: {  	_ =	shalt  }

</sc_bundles>
